<compile_context>
chip_gen: v7x
topology: tpu7x:2x2x1
jax: 0.10.2.dev20260603
libtpu: 0.0.44.dev20260713+nightly
codegen_flags: <defaults>
</compile_context>

<pallas_src>
import jax
import jax.numpy as jnp
import numpy as np
from jax import lax
from jax.experimental import pallas as pl
from jax.experimental.pallas import tpu as pltpu
from jax.experimental.pallas import tpu_sc as plsc

_TOKENS = 32768
_D = 768
_E = 64
_TC_TILE = 4096
_NW = 32
_TPW = _TOKENS // _NW
_CH = 512
_NCH = _TPW // _CH
_NGRP = _CH // 16

_NEG_INF = np.float32(-np.inf)


def _logits_body(x_ref, w_ref, b_ref, o_ref):
    w = w_ref[...]
    bias = b_ref[...]
    for j in range(_TC_TILE // _TPW):
        x = x_ref[pl.ds(j * _TPW, _TPW), :]
        lt = lax.dot_general(
            w, x, (((1,), (1,)), ((), ())),
            preferred_element_type=jnp.float32) + bias
        for ci in range(_NCH):
            o_ref[j, ci] = lt[:, ci * _CH:(ci + 1) * _CH]


def _argcmp_merge(mv, mi, cv, ci):
    take = (cv > mv) | ((cv == mv) & (ci < mi))
    return jnp.where(take, cv, mv), jnp.where(take, ci, mi)


def _route_body(lg_hbm, out_hbm, in_buf, out_buf, stash, sem):
    cid = lax.axis_index("c")
    sid = lax.axis_index("s")
    wid = sid * 2 + cid
    lane = lax.iota(jnp.int32, 16)
    zero16 = jnp.zeros((16,), jnp.float32)

    first = pltpu.async_copy(lg_hbm.at[wid, 0], in_buf, sem)

    def zbody(r, _):
        for c4 in range(_E // 16):
            out_buf[r, pl.ds(c4 * 16, 16)] = zero16
        return 0
    lax.fori_loop(0, _CH, zbody, 0)

    for c in range(_NCH):
        if c == 0:
            first.wait()
        else:
            pltpu.sync_copy(lg_hbm.at[wid, c], in_buf)
        if c > 0:
            def rzbody(g, _):
                row = lane + g * 16
                plsc.store_scatter(out_buf, [row, stash[2 * g]], zero16)
                plsc.store_scatter(out_buf, [row, stash[2 * g + 1]], zero16)
                return 0
            lax.fori_loop(0, _NGRP, rzbody, 0)

        def gbody(g, _):
            tok = g * 16
            m1a = in_buf[0, pl.ds(tok, 16)]
            m1b = in_buf[1, pl.ds(tok, 16)]
            i1a = jnp.zeros((16,), jnp.int32)
            i1b = jnp.ones((16,), jnp.int32)
            m2a = jnp.full((16,), _NEG_INF)
            m2b = jnp.full((16,), _NEG_INF)
            i2a = jnp.zeros((16,), jnp.int32)
            i2b = jnp.zeros((16,), jnp.int32)
            for e in range(2, _E, 2):
                va = in_buf[e, pl.ds(tok, 16)]
                vb = in_buf[e + 1, pl.ds(tok, 16)]
                ea = jnp.full((16,), np.int32(e))
                eb = jnp.full((16,), np.int32(e + 1))
                ca1 = va > m1a
                cb1 = vb > m1b
                ca2 = va > m2a
                cb2 = vb > m2b
                m2a = jnp.where(ca1, m1a, jnp.where(ca2, va, m2a))
                i2a = jnp.where(ca1, i1a, jnp.where(ca2, ea, i2a))
                m2b = jnp.where(cb1, m1b, jnp.where(cb2, vb, m2b))
                i2b = jnp.where(cb1, i1b, jnp.where(cb2, eb, i2b))
                m1a = jnp.where(ca1, va, m1a)
                i1a = jnp.where(ca1, ea, i1a)
                m1b = jnp.where(cb1, vb, m1b)
                i1b = jnp.where(cb1, eb, i1b)
            takeb = (m1b > m1a) | ((m1b == m1a) & (i1b < i1a))
            v1 = jnp.where(takeb, m1b, m1a)
            e1 = jnp.where(takeb, i1b, i1a)
            lv = jnp.where(takeb, m1a, m1b)
            li = jnp.where(takeb, i1a, i1b)
            v2, e2 = _argcmp_merge(lv, li, m2a, i2a)
            v2, e2 = _argcmp_merge(v2, e2, m2b, i2b)
            s = jnp.exp(v2 - v1)
            w2 = s / (1.0 + s)
            w1 = 1.0 - w2
            row = lane + g * 16
            plsc.store_scatter(out_buf, [row, e1], w1)
            plsc.store_scatter(out_buf, [row, e2], w2)
            stash[2 * g] = e1
            stash[2 * g + 1] = e2
            return 0

        lax.fori_loop(0, _NGRP, gbody, 0)
        tok0 = wid * _TPW + c * _CH
        pltpu.sync_copy(out_buf, out_hbm.at[pl.ds(tok0, _CH)])


def kernel(payload_tensor, W, b):
    b2 = b.reshape(_E, 1)
    logits = pl.pallas_call(
        _logits_body,
        grid=(_TOKENS // _TC_TILE,),
        in_specs=[
            pl.BlockSpec((_TC_TILE, _D), lambda i: (i, 0)),
            pl.BlockSpec((_E, _D), lambda i: (0, 0)),
            pl.BlockSpec((_E, 1), lambda i: (0, 0)),
        ],
        out_specs=pl.BlockSpec(
            (_TC_TILE // _TPW, _NCH, _E, _CH), lambda i: (i, 0, 0, 0)),
        out_shape=jax.ShapeDtypeStruct((_NW, _NCH, _E, _CH), jnp.float32),
    )(payload_tensor, W, b2)

    route = pl.kernel(
        _route_body,
        out_type=jax.ShapeDtypeStruct((_TOKENS, _E), jnp.float32),
        mesh=plsc.VectorSubcoreMesh(core_axis_name="c", subcore_axis_name="s"),
        compiler_params=pltpu.CompilerParams(needs_layout_passes=False),
        scratch_types=[
            pltpu.VMEM((_E, _CH), jnp.float32),
            pltpu.VMEM((_CH, _E), jnp.float32),
            pltpu.VMEM((2 * _NGRP, 16), jnp.int32),
            pltpu.SemaphoreType.DMA,
        ],
    )
    return route(logits)

# --- scband reference (transcript-rebuilt; emitter-appended) ---
"""Pipeline reference for scband-hmoe-gate-top-k-35880156791060 (READ-ONLY COPY).

The authoritative reference and input builder live on the scoring server;
editing this copy changes nothing except your own understanding.
"""

import jax, jax.numpy as jnp
import numpy as np

TOKENS = 32768
D_MODEL = 768
NUM_CHILDREN = 64
TOP_K = 2

def setup_inputs(seed: int = 0) -> dict:
    key = jax.random.key(seed)
    k1, k2, k3 = jax.random.split(key, 3)
    payload_tensor = jax.random.normal(k1, (TOKENS, D_MODEL), dtype=jnp.float32)
    # nn.Linear(input_dim, num_children): weight [num_children, input_dim], bias [num_children]
    bound = 1.0 / np.sqrt(D_MODEL)
    W = jax.random.uniform(k2, (NUM_CHILDREN, D_MODEL), minval=-bound, maxval=bound, dtype=jnp.float32)
    b = jax.random.uniform(k3, (NUM_CHILDREN,), minval=-bound, maxval=bound, dtype=jnp.float32)
    return {"payload_tensor": payload_tensor, "W": W, "b": b}

def reference(payload_tensor, W, b):
    # routing_logits = Linear(x)
    routing_logits = payload_tensor @ W.T + b
    # eval mode: no noise added (self.training is False)
    # top-k selection
    topk_logits, topk_indices = jax.lax.top_k(routing_logits, TOP_K)
    # mask = full(-inf); mask.scatter_(-1, topk_indices, topk_logits)
    rows = jnp.arange(routing_logits.shape[0])[:, None]
    mask = jnp.full_like(routing_logits, -jnp.inf)
    mask = mask.at[rows, topk_indices].set(topk_logits)
    # softmax over masked logits -> sparse routing weights
    routing_weights = jax.nn.softmax(mask, axis=-1)
    return routing_weights

if __name__ == "__main__":
    import jax
    _d = setup_inputs()
    print(jax.jit(kernel)(*tuple(_d.values())))

</pallas_src>

<mosaic_0001>
#map = affine_map<(d0, d1) -> (0, 0, 0, 0)>
#map1 = affine_map<(d0, d1) -> (0, 0)>
module attributes {stable_mosaic.version = 14 : i64} {
  func.func @_route_body(%arg0: i32, %arg1: i32, %arg2: memref<32x2x64x512xf32, #tpu.memory_space<hbm>>, %arg3: memref<32768x64xf32, #tpu.memory_space<hbm>>, %arg4: memref<64x512xf32, #tpu.memory_space<vmem>>, %arg5: memref<512x64xf32, #tpu.memory_space<vmem>>, %arg6: memref<64x16xi32, #tpu.memory_space<vmem>>, %arg7: memref<!tpu.dma_semaphore, #tpu.memory_space<semaphore_mem>>) attributes {dimension_semantics = [#tpu.dimension_semantics<core_parallel>, #tpu.dimension_semantics<subcore_parallel>], iteration_bounds = array<i64: 2, 16>, scalar_prefetch = 0 : i64, scratch_operands = 4 : i64, tpu.core_type = #tpu.core_type<sc_vector_subcore>, window_params = [{transform_indices = #map}, {transform_indices = #map1}]} {
    %mul3A = arith.constant 2 : i32
    %mul3A_0 = arith.muli %arg1, %mul3A : i32
    %add3A = arith.addi %mul3A_0, %arg0 : i32
    %iota3A = tpu.iota {dimensions = array<i32: 0>} : vector<16xi32>
    %broadcast_in_dim3A = arith.constant 0.000000e+00 : f32
    %broadcast_in_dim3A_1 = vector.broadcast %broadcast_in_dim3A : f32 to vector<16xf32>
    %dma_start3A = arith.constant 0 : i32
    %dma_start3A_2 = arith.constant 0 : i32
    %dma_start3A_3 = arith.constant 0 : i32
    %dma_start3A_4 = tpu.memref_slice %arg2[%add3A, %dma_start3A, %dma_start3A_2, %dma_start3A_3] : memref<32x2x64x512xf32, #tpu.memory_space<hbm>> -> memref<1x1x64x512xf32, #tpu.memory_space<hbm>>
    %dma_start3A_5 = tpu.memref_squeeze %dma_start3A_4 : memref<1x1x64x512xf32, #tpu.memory_space<hbm>> -> memref<64x512xf32, #tpu.memory_space<hbm>>
    %dma_start3A_6 = arith.constant 0 : i32
    %dma_start3A_7 = arith.constant 0 : i32
    %dma_start3A_8 = tpu.memref_slice %arg2[%add3A, %dma_start3A, %dma_start3A_6, %dma_start3A_7] : memref<32x2x64x512xf32, #tpu.memory_space<hbm>> -> memref<1x1x64x512xf32, #tpu.memory_space<hbm>>
    %dma_start3A_9 = tpu.memref_squeeze %dma_start3A_8 : memref<1x1x64x512xf32, #tpu.memory_space<hbm>> -> memref<64x512xf32, #tpu.memory_space<hbm>>
    tpu.enqueue_dma source(%dma_start3A_9 : memref<64x512xf32, #tpu.memory_space<hbm>>) target(%arg4 : memref<64x512xf32, #tpu.memory_space<vmem>>) target_semaphore(%arg7 : memref<!tpu.dma_semaphore, #tpu.memory_space<semaphore_mem>>)
    %scan3A = arith.constant 0 : i32
    %scan3A_10 = arith.constant 0 : i32
    %scan3A_11 = arith.constant 512 : i32
    %scan3A_12 = arith.addi %scan3A_10, %scan3A_11 : i32
    %scan3A_13 = arith.constant 1 : i32
    %scan3A_14 = scf.for %scan3A_53 = %scan3A_10 to %scan3A_12 step %scan3A_13 iter_args(%scan3A_54 = %scan3A) -> (i32)  : i32 {
      %swap3A = arith.index_cast %scan3A_53 : i32 to index
      %swap3A_55 = arith.constant 0 : index
      %swap3A_56 = tpu.vector_load %arg5[%swap3A, %swap3A_55] {strides = array<i32>} : memref<512x64xf32, #tpu.memory_space<vmem>>, vector<16xf32>,
      tpu.vector_store %arg5[%swap3A, %swap3A_55], %broadcast_in_dim3A_1 {strides = array<i32>} : memref<512x64xf32, #tpu.memory_space<vmem>>, vector<16xf32>,
      %swap3A_57 = arith.index_cast %scan3A_53 : i32 to index
      %swap3A_58 = arith.constant 16 : index
      %swap3A_59 = tpu.vector_load %arg5[%swap3A_57, %swap3A_58] {strides = array<i32>} : memref<512x64xf32, #tpu.memory_space<vmem>>, vector<16xf32>,
      tpu.vector_store %arg5[%swap3A_57, %swap3A_58], %broadcast_in_dim3A_1 {strides = array<i32>} : memref<512x64xf32, #tpu.memory_space<vmem>>, vector<16xf32>,
      %swap3A_60 = arith.index_cast %scan3A_53 : i32 to index
      %swap3A_61 = arith.constant 32 : index
      %swap3A_62 = tpu.vector_load %arg5[%swap3A_60, %swap3A_61] {strides = array<i32>} : memref<512x64xf32, #tpu.memory_space<vmem>>, vector<16xf32>,
      tpu.vector_store %arg5[%swap3A_60, %swap3A_61], %broadcast_in_dim3A_1 {strides = array<i32>} : memref<512x64xf32, #tpu.memory_space<vmem>>, vector<16xf32>,
      %swap3A_63 = arith.index_cast %scan3A_53 : i32 to index
      %swap3A_64 = arith.constant 48 : index
      %swap3A_65 = tpu.vector_load %arg5[%swap3A_63, %swap3A_64] {strides = array<i32>} : memref<512x64xf32, #tpu.memory_space<vmem>>, vector<16xf32>,
      tpu.vector_store %arg5[%swap3A_63, %swap3A_64], %broadcast_in_dim3A_1 {strides = array<i32>} : memref<512x64xf32, #tpu.memory_space<vmem>>, vector<16xf32>,
      %scan3A_66 = arith.constant 0 : i32
      scf.yield %scan3A_66 : i32
    }
    %scan3A_15 = arith.constant 512 : i32
    %dma_wait3A = arith.constant 0 : i32
    %dma_wait3A_16 = arith.constant 0 : i32
    %dma_wait3A_17 = arith.constant 0 : i32
    %dma_wait3A_18 = tpu.memref_slice %arg2[%add3A, %dma_wait3A, %dma_wait3A_16, %dma_wait3A_17] : memref<32x2x64x512xf32, #tpu.memory_space<hbm>> -> memref<1x1x64x512xf32, #tpu.memory_space<hbm>>
    %dma_wait3A_19 = tpu.memref_squeeze %dma_wait3A_18 : memref<1x1x64x512xf32, #tpu.memory_space<hbm>> -> memref<64x512xf32, #tpu.memory_space<hbm>>
    %dma_wait3A_20 = arith.constant 0 : i32
    %dma_wait3A_21 = arith.constant 0 : i32
    %dma_wait3A_22 = tpu.memref_slice %arg2[%add3A, %dma_wait3A, %dma_wait3A_20, %dma_wait3A_21] : memref<32x2x64x512xf32, #tpu.memory_space<hbm>> -> memref<1x1x64x512xf32, #tpu.memory_space<hbm>>
    %dma_wait3A_23 = tpu.memref_squeeze %dma_wait3A_22 : memref<1x1x64x512xf32, #tpu.memory_space<hbm>> -> memref<64x512xf32, #tpu.memory_space<hbm>>
    tpu.wait_dma2 semaphore(%arg7 : memref<!tpu.dma_semaphore, #tpu.memory_space<semaphore_mem>>) src(%dma_wait3A_23 : memref<64x512xf32, #tpu.memory_space<hbm>>) dst(%arg4 : memref<64x512xf32, #tpu.memory_space<vmem>>)
    %scan3A_24 = arith.constant 0 : i32
    %scan3A_25 = arith.constant 0 : i32
    %scan3A_26 = arith.constant 32 : i32
    %scan3A_27 = arith.addi %scan3A_25, %scan3A_26 : i32
    %scan3A_28 = arith.constant 1 : i32
    %scan3A_29 = scf.for %scan3A_53 = %scan3A_25 to %scan3A_27 step %scan3A_28 iter_args(%scan3A_54 = %scan3A_24) -> (i32)  : i32 {
      %mul3A_55 = arith.constant 16 : i32
      %mul3A_56 = arith.muli %scan3A_53, %mul3A_55 : i32
      %get3A = arith.constant 0 : i32
      %get3A_57 = arith.index_cast %get3A : i32 to index
      %get3A_58 = arith.index_cast %mul3A_56 : i32 to index
      %get3A_59 = tpu.vector_load %arg4[%get3A_57, %get3A_58] {strides = array<i32>} : memref<64x512xf32, #tpu.memory_space<vmem>>, vector<16xf32>,
      %get3A_60 = arith.constant 1 : i32
      %get3A_61 = arith.index_cast %get3A_60 : i32 to index
      %get3A_62 = arith.index_cast %mul3A_56 : i32 to index
      %get3A_63 = tpu.vector_load %arg4[%get3A_61, %get3A_62] {strides = array<i32>} : memref<64x512xf32, #tpu.memory_space<vmem>>, vector<16xf32>,
      %broadcast_in_dim3A_64 = arith.constant 0 : i32
      %broadcast_in_dim3A_65 = vector.broadcast %broadcast_in_dim3A_64 : i32 to vector<16xi32>
      %broadcast_in_dim3A_66 = arith.constant 1 : i32
      %broadcast_in_dim3A_67 = vector.broadcast %broadcast_in_dim3A_66 : i32 to vector<16xi32>
      %broadcast_in_dim3A_68 = arith.constant 0xFF800000 : f32
      %broadcast_in_dim3A_69 = vector.broadcast %broadcast_in_dim3A_68 : f32 to vector<16xf32>
      %broadcast_in_dim3A_70 = arith.constant 0xFF800000 : f32
      %broadcast_in_dim3A_71 = vector.broadcast %broadcast_in_dim3A_70 : f32 to vector<16xf32>
      %broadcast_in_dim3A_72 = arith.constant 0 : i32
      %broadcast_in_dim3A_73 = vector.broadcast %broadcast_in_dim3A_72 : i32 to vector<16xi32>
      %broadcast_in_dim3A_74 = arith.constant 0 : i32
      %broadcast_in_dim3A_75 = vector.broadcast %broadcast_in_dim3A_74 : i32 to vector<16xi32>
      %get3A_76 = arith.constant 2 : i32
      %get3A_77 = arith.index_cast %get3A_76 : i32 to index
      %get3A_78 = arith.index_cast %mul3A_56 : i32 to index
      %get3A_79 = tpu.vector_load %arg4[%get3A_77, %get3A_78] {strides = array<i32>} : memref<64x512xf32, #tpu.memory_space<vmem>>, vector<16xf32>,
      %get3A_80 = arith.constant 3 : i32
      %get3A_81 = arith.index_cast %get3A_80 : i32 to index
      %get3A_82 = arith.index_cast %mul3A_56 : i32 to index
      %get3A_83 = tpu.vector_load %arg4[%get3A_81, %get3A_82] {strides = array<i32>} : memref<64x512xf32, #tpu.memory_space<vmem>>, vector<16xf32>,
      %broadcast_in_dim3A_84 = arith.constant 2 : i32
      %broadcast_in_dim3A_85 = vector.broadcast %broadcast_in_dim3A_84 : i32 to vector<16xi32>
      %broadcast_in_dim3A_86 = arith.constant 3 : i32
      %broadcast_in_dim3A_87 = vector.broadcast %broadcast_in_dim3A_86 : i32 to vector<16xi32>
      %gt3A = arith.cmpf ogt, %get3A_79, %get3A_59 : vector<16xf32>
      %gt3A_88 = arith.cmpf ogt, %get3A_83, %get3A_63 : vector<16xf32>
      %gt3A_89 = arith.cmpf ogt, %get3A_79, %broadcast_in_dim3A_69 : vector<16xf32>
      %gt3A_90 = arith.cmpf ogt, %get3A_83, %broadcast_in_dim3A_71 : vector<16xf32>
      %select_n3A = arith.select %gt3A_89, %get3A_79, %broadcast_in_dim3A_69 : vector<16xi1>, vector<16xf32>
      %select_n3A_91 = arith.select %gt3A, %get3A_59, %select_n3A : vector<16xi1>, vector<16xf32>
      %select_n3A_92 = arith.select %gt3A_89, %broadcast_in_dim3A_85, %broadcast_in_dim3A_73 : vector<16xi1>, vector<16xi32>
      %select_n3A_93 = arith.select %gt3A, %broadcast_in_dim3A_65, %select_n3A_92 : vector<16xi1>, vector<16xi32>
      %select_n3A_94 = arith.select %gt3A_90, %get3A_83, %broadcast_in_dim3A_71 : vector<16xi1>, vector<16xf32>
      %select_n3A_95 = arith.select %gt3A_88, %get3A_63, %select_n3A_94 : vector<16xi1>, vector<16xf32>
      %select_n3A_96 = arith.select %gt3A_90, %broadcast_in_dim3A_87, %broadcast_in_dim3A_75 : vector<16xi1>, vector<16xi32>
      %select_n3A_97 = arith.select %gt3A_88, %broadcast_in_dim3A_67, %select_n3A_96 : vector<16xi1>, vector<16xi32>
      %select_n3A_98 = arith.select %gt3A, %get3A_79, %get3A_59 : vector<16xi1>, vector<16xf32>
      %select_n3A_99 = arith.select %gt3A, %broadcast_in_dim3A_85, %broadcast_in_dim3A_65 : vector<16xi1>, vector<16xi32>
      %select_n3A_100 = arith.select %gt3A_88, %get3A_83, %get3A_63 : vector<16xi1>, vector<16xf32>
      %select_n3A_101 = arith.select %gt3A_88, %broadcast_in_dim3A_87, %broadcast_in_dim3A_67 : vector<16xi1>, vector<16xi32>
      %get3A_102 = arith.constant 4 : i32
      %get3A_103 = arith.index_cast %get3A_102 : i32 to index
      %get3A_104 = arith.index_cast %mul3A_56 : i32 to index
      %get3A_105 = tpu.vector_load %arg4[%get3A_103, %get3A_104] {strides = array<i32>} : memref<64x512xf32, #tpu.memory_space<vmem>>, vector<16xf32>,
      %get3A_106 = arith.constant 5 : i32
      %get3A_107 = arith.index_cast %get3A_106 : i32 to index
      %get3A_108 = arith.index_cast %mul3A_56 : i32 to index
      %get3A_109 = tpu.vector_load %arg4[%get3A_107, %get3A_108] {strides = array<i32>} : memref<64x512xf32, #tpu.memory_space<vmem>>, vector<16xf32>,
      %broadcast_in_dim3A_110 = arith.constant 4 : i32
      %broadcast_in_dim3A_111 = vector.broadcast %broadcast_in_dim3A_110 : i32 to vector<16xi32>
      %broadcast_in_dim3A_112 = arith.constant 5 : i32
      %broadcast_in_dim3A_113 = vector.broadcast %broadcast_in_dim3A_112 : i32 to vector<16xi32>
      %gt3A_114 = arith.cmpf ogt, %get3A_105, %select_n3A_98 : vector<16xf32>
      %gt3A_115 = arith.cmpf ogt, %get3A_109, %select_n3A_100 : vector<16xf32>
      %gt3A_116 = arith.cmpf ogt, %get3A_105, %select_n3A_91 : vector<16xf32>
      %gt3A_117 = arith.cmpf ogt, %get3A_109, %select_n3A_95 : vector<16xf32>
      %select_n3A_118 = arith.select %gt3A_116, %get3A_105, %select_n3A_91 : vector<16xi1>, vector<16xf32>
      %select_n3A_119 = arith.select %gt3A_114, %select_n3A_98, %select_n3A_118 : vector<16xi1>, vector<16xf32>
      %select_n3A_120 = arith.select %gt3A_116, %broadcast_in_dim3A_111, %select_n3A_93 : vector<16xi1>, vector<16xi32>
      %select_n3A_121 = arith.select %gt3A_114, %select_n3A_99, %select_n3A_120 : vector<16xi1>, vector<16xi32>
      %select_n3A_122 = arith.select %gt3A_117, %get3A_109, %select_n3A_95 : vector<16xi1>, vector<16xf32>
      %select_n3A_123 = arith.select %gt3A_115, %select_n3A_100, %select_n3A_122 : vector<16xi1>, vector<16xf32>
      %select_n3A_124 = arith.select %gt3A_117, %broadcast_in_dim3A_113, %select_n3A_97 : vector<16xi1>, vector<16xi32>
      %select_n3A_125 = arith.select %gt3A_115, %select_n3A_101, %select_n3A_124 : vector<16xi1>, vector<16xi32>
      %select_n3A_126 = arith.select %gt3A_114, %get3A_105, %select_n3A_98 : vector<16xi1>, vector<16xf32>
      %select_n3A_127 = arith.select %gt3A_114, %broadcast_in_dim3A_111, %select_n3A_99 : vector<16xi1>, vector<16xi32>
      %select_n3A_128 = arith.select %gt3A_115, %get3A_109, %select_n3A_100 : vector<16xi1>, vector<16xf32>
      %select_n3A_129 = arith.select %gt3A_115, %broadcast_in_dim3A_113, %select_n3A_101 : vector<16xi1>, vector<16xi32>
      %get3A_130 = arith.constant 6 : i32
      %get3A_131 = arith.index_cast %get3A_130 : i32 to index
      %get3A_132 = arith.index_cast %mul3A_56 : i32 to index
      %get3A_133 = tpu.vector_load %arg4[%get3A_131, %get3A_132] {strides = array<i32>} : memref<64x512xf32, #tpu.memory_space<vmem>>, vector<16xf32>,
      %get3A_134 = arith.constant 7 : i32
      %get3A_135 = arith.index_cast %get3A_134 : i32 to index
      %get3A_136 = arith.index_cast %mul3A_56 : i32 to index
      %get3A_137 = tpu.vector_load %arg4[%get3A_135, %get3A_136] {strides = array<i32>} : memref<64x512xf32, #tpu.memory_space<vmem>>, vector<16xf32>,
      %broadcast_in_dim3A_138 = arith.constant 6 : i32
      %broadcast_in_dim3A_139 = vector.broadcast %broadcast_in_dim3A_138 : i32 to vector<16xi32>
      %broadcast_in_dim3A_140 = arith.constant 7 : i32
      %broadcast_in_dim3A_141 = vector.broadcast %broadcast_in_dim3A_140 : i32 to vector<16xi32>
      %gt3A_142 = arith.cmpf ogt, %get3A_133, %select_n3A_126 : vector<16xf32>
      %gt3A_143 = arith.cmpf ogt, %get3A_137, %select_n3A_128 : vector<16xf32>
      %gt3A_144 = arith.cmpf ogt, %get3A_133, %select_n3A_119 : vector<16xf32>
      %gt3A_145 = arith.cmpf ogt, %get3A_137, %select_n3A_123 : vector<16xf32>
      %select_n3A_146 = arith.select %gt3A_144, %get3A_133, %select_n3A_119 : vector<16xi1>, vector<16xf32>
      %select_n3A_147 = arith.select %gt3A_142, %select_n3A_126, %select_n3A_146 : vector<16xi1>, vector<16xf32>
      %select_n3A_148 = arith.select %gt3A_144, %broadcast_in_dim3A_139, %select_n3A_121 : vector<16xi1>, vector<16xi32>
      %select_n3A_149 = arith.select %gt3A_142, %select_n3A_127, %select_n3A_148 : vector<16xi1>, vector<16xi32>
      %select_n3A_150 = arith.select %gt3A_145, %get3A_137, %select_n3A_123 : vector<16xi1>, vector<16xf32>
      %select_n3A_151 = arith.select %gt3A_143, %select_n3A_128, %select_n3A_150 : vector<16xi1>, vector<16xf32>
      %select_n3A_152 = arith.select %gt3A_145, %broadcast_in_dim3A_141, %select_n3A_125 : vector<16xi1>, vector<16xi32>
      %select_n3A_153 = arith.select %gt3A_143, %select_n3A_129, %select_n3A_152 : vector<16xi1>, vector<16xi32>
      %select_n3A_154 = arith.select %gt3A_142, %get3A_133, %select_n3A_126 : vector<16xi1>, vector<16xf32>
      %select_n3A_155 = arith.select %gt3A_142, %broadcast_in_dim3A_139, %select_n3A_127 : vector<16xi1>, vector<16xi32>
      %select_n3A_156 = arith.select %gt3A_143, %get3A_137, %select_n3A_128 : vector<16xi1>, vector<16xf32>
      %select_n3A_157 = arith.select %gt3A_143, %broadcast_in_dim3A_141, %select_n3A_129 : vector<16xi1>, vector<16xi32>
      %get3A_158 = arith.constant 8 : i32
      %get3A_159 = arith.index_cast %get3A_158 : i32 to index
      %get3A_160 = arith.index_cast %mul3A_56 : i32 to index
      %get3A_161 = tpu.vector_load %arg4[%get3A_159, %get3A_160] {strides = array<i32>} : memref<64x512xf32, #tpu.memory_space<vmem>>, vector<16xf32>,
      %get3A_162 = arith.constant 9 : i32
      %get3A_163 = arith.index_cast %get3A_162 : i32 to index
      %get3A_164 = arith.index_cast %mul3A_56 : i32 to index
      %get3A_165 = tpu.vector_load %arg4[%get3A_163, %get3A_164] {strides = array<i32>} : memref<64x512xf32, #tpu.memory_space<vmem>>, vector<16xf32>,
      %broadcast_in_dim3A_166 = arith.constant 8 : i32
      %broadcast_in_dim3A_167 = vector.broadcast %broadcast_in_dim3A_166 : i32 to vector<16xi32>
      %broadcast_in_dim3A_168 = arith.constant 9 : i32
      %broadcast_in_dim3A_169 = vector.broadcast %broadcast_in_dim3A_168 : i32 to vector<16xi32>
      %gt3A_170 = arith.cmpf ogt, %get3A_161, %select_n3A_154 : vector<16xf32>
      %gt3A_171 = arith.cmpf ogt, %get3A_165, %select_n3A_156 : vector<16xf32>
      %gt3A_172 = arith.cmpf ogt, %get3A_161, %select_n3A_147 : vector<16xf32>
      %gt3A_173 = arith.cmpf ogt, %get3A_165, %select_n3A_151 : vector<16xf32>
      %select_n3A_174 = arith.select %gt3A_172, %get3A_161, %select_n3A_147 : vector<16xi1>, vector<16xf32>
      %select_n3A_175 = arith.select %gt3A_170, %select_n3A_154, %select_n3A_174 : vector<16xi1>, vector<16xf32>
      %select_n3A_176 = arith.select %gt3A_172, %broadcast_in_dim3A_167, %select_n3A_149 : vector<16xi1>, vector<16xi32>
      %select_n3A_177 = arith.select %gt3A_170, %select_n3A_155, %select_n3A_176 : vector<16xi1>, vector<16xi32>
      %select_n3A_178 = arith.select %gt3A_173, %get3A_165, %select_n3A_151 : vector<16xi1>, vector<16xf32>
      %select_n3A_179 = arith.select %gt3A_171, %select_n3A_156, %select_n3A_178 : vector<16xi1>, vector<16xf32>
      %select_n3A_180 = arith.select %gt3A_173, %broadcast_in_dim3A_169, %select_n3A_153 : vector<16xi1>, vector<16xi32>
      %select_n3A_181 = arith.select %gt3A_171, %select_n3A_157, %select_n3A_180 : vector<16xi1>, vector<16xi32>
      %select_n3A_182 = arith.select %gt3A_170, %get3A_161, %select_n3A_154 : vector<16xi1>, vector<16xf32>
      %select_n3A_183 = arith.select %gt3A_170, %broadcast_in_dim3A_167, %select_n3A_155 : vector<16xi1>, vector<16xi32>
      %select_n3A_184 = arith.select %gt3A_171, %get3A_165, %select_n3A_156 : vector<16xi1>, vector<16xf32>
      %select_n3A_185 = arith.select %gt3A_171, %broadcast_in_dim3A_169, %select_n3A_157 : vector<16xi1>, vector<16xi32>
      %get3A_186 = arith.constant 10 : i32
      %get3A_187 = arith.index_cast %get3A_186 : i32 to index
      %get3A_188 = arith.index_cast %mul3A_56 : i32 to index
      %get3A_189 = tpu.vector_load %arg4[%get3A_187, %get3A_188] {strides = array<i32>} : memref<64x512xf32, #tpu.memory_space<vmem>>, vector<16xf32>,
      %get3A_190 = arith.constant 11 : i32
      %get3A_191 = arith.index_cast %get3A_190 : i32 to index
      %get3A_192 = arith.index_cast %mul3A_56 : i32 to index
      %get3A_193 = tpu.vector_load %arg4[%get3A_191, %get3A_192] {strides = array<i32>} : memref<64x512xf32, #tpu.memory_space<vmem>>, vector<16xf32>,
      %broadcast_in_dim3A_194 = arith.constant 10 : i32
      %broadcast_in_dim3A_195 = vector.broadcast %broadcast_in_dim3A_194 : i32 to vector<16xi32>
      %broadcast_in_dim3A_196 = arith.constant 11 : i32
      %broadcast_in_dim3A_197 = vector.broadcast %broadcast_in_dim3A_196 : i32 to vector<16xi32>
      %gt3A_198 = arith.cmpf ogt, %get3A_189, %select_n3A_182 : vector<16xf32>
      %gt3A_199 = arith.cmpf ogt, %get3A_193, %select_n3A_184 : vector<16xf32>
      %gt3A_200 = arith.cmpf ogt, %get3A_189, %select_n3A_175 : vector<16xf32>
      %gt3A_201 = arith.cmpf ogt, %get3A_193, %select_n3A_179 : vector<16xf32>
      %select_n3A_202 = arith.select %gt3A_200, %get3A_189, %select_n3A_175 : vector<16xi1>, vector<16xf32>
      %select_n3A_203 = arith.select %gt3A_198, %select_n3A_182, %select_n3A_202 : vector<16xi1>, vector<16xf32>
      %select_n3A_204 = arith.select %gt3A_200, %broadcast_in_dim3A_195, %select_n3A_177 : vector<16xi1>, vector<16xi32>
      %select_n3A_205 = arith.select %gt3A_198, %select_n3A_183, %select_n3A_204 : vector<16xi1>, vector<16xi32>
      %select_n3A_206 = arith.select %gt3A_201, %get3A_193, %select_n3A_179 : vector<16xi1>, vector<16xf32>
      %select_n3A_207 = arith.select %gt3A_199, %select_n3A_184, %select_n3A_206 : vector<16xi1>, vector<16xf32>
      %select_n3A_208 = arith.select %gt3A_201, %broadcast_in_dim3A_197, %select_n3A_181 : vector<16xi1>, vector<16xi32>
      %select_n3A_209 = arith.select %gt3A_199, %select_n3A_185, %select_n3A_208 : vector<16xi1>, vector<16xi32>
      %select_n3A_210 = arith.select %gt3A_198, %get3A_189, %select_n3A_182 : vector<16xi1>, vector<16xf32>
      %select_n3A_211 = arith.select %gt3A_198, %broadcast_in_dim3A_195, %select_n3A_183 : vector<16xi1>, vector<16xi32>
      %select_n3A_212 = arith.select %gt3A_199, %get3A_193, %select_n3A_184 : vector<16xi1>, vector<16xf32>
      %select_n3A_213 = arith.select %gt3A_199, %broadcast_in_dim3A_197, %select_n3A_185 : vector<16xi1>, vector<16xi32>
      %get3A_214 = arith.constant 12 : i32
      %get3A_215 = arith.index_cast %get3A_214 : i32 to index
      %get3A_216 = arith.index_cast %mul3A_56 : i32 to index
      %get3A_217 = tpu.vector_load %arg4[%get3A_215, %get3A_216] {strides = array<i32>} : memref<64x512xf32, #tpu.memory_space<vmem>>, vector<16xf32>,
      %get3A_218 = arith.constant 13 : i32
      %get3A_219 = arith.index_cast %get3A_218 : i32 to index
      %get3A_220 = arith.index_cast %mul3A_56 : i32 to index
      %get3A_221 = tpu.vector_load %arg4[%get3A_219, %get3A_220] {strides = array<i32>} : memref<64x512xf32, #tpu.memory_space<vmem>>, vector<16xf32>,
      %broadcast_in_dim3A_222 = arith.constant 12 : i32
      %broadcast_in_dim3A_223 = vector.broadcast %broadcast_in_dim3A_222 : i32 to vector<16xi32>
      %broadcast_in_dim3A_224 = arith.constant 13 : i32
      %broadcast_in_dim3A_225 = vector.broadcast %broadcast_in_dim3A_224 : i32 to vector<16xi32>
      %gt3A_226 = arith.cmpf ogt, %get3A_217, %select_n3A_210 : vector<16xf32>
      %gt3A_227 = arith.cmpf ogt, %get3A_221, %select_n3A_212 : vector<16xf32>
      %gt3A_228 = arith.cmpf ogt, %get3A_217, %select_n3A_203 : vector<16xf32>
      %gt3A_229 = arith.cmpf ogt, %get3A_221, %select_n3A_207 : vector<16xf32>
      %select_n3A_230 = arith.select %gt3A_228, %get3A_217, %select_n3A_203 : vector<16xi1>, vector<16xf32>
      %select_n3A_231 = arith.select %gt3A_226, %select_n3A_210, %select_n3A_230 : vector<16xi1>, vector<16xf32>
      %select_n3A_232 = arith.select %gt3A_228, %broadcast_in_dim3A_223, %select_n3A_205 : vector<16xi1>, vector<16xi32>
      %select_n3A_233 = arith.select %gt3A_226, %select_n3A_211, %select_n3A_232 : vector<16xi1>, vector<16xi32>
      %select_n3A_234 = arith.select %gt3A_229, %get3A_221, %select_n3A_207 : vector<16xi1>, vector<16xf32>
      %select_n3A_235 = arith.select %gt3A_227, %select_n3A_212, %select_n3A_234 : vector<16xi1>, vector<16xf32>
      %select_n3A_236 = arith.select %gt3A_229, %broadcast_in_dim3A_225, %select_n3A_209 : vector<16xi1>, vector<16xi32>
      %select_n3A_237 = arith.select %gt3A_227, %select_n3A_213, %select_n3A_236 : vector<16xi1>, vector<16xi32>
      %select_n3A_238 = arith.select %gt3A_226, %get3A_217, %select_n3A_210 : vector<16xi1>, vector<16xf32>
      %select_n3A_239 = arith.select %gt3A_226, %broadcast_in_dim3A_223, %select_n3A_211 : vector<16xi1>, vector<16xi32>
      %select_n3A_240 = arith.select %gt3A_227, %get3A_221, %select_n3A_212 : vector<16xi1>, vector<16xf32>
      %select_n3A_241 = arith.select %gt3A_227, %broadcast_in_dim3A_225, %select_n3A_213 : vector<16xi1>, vector<16xi32>
      %get3A_242 = arith.constant 14 : i32
      %get3A_243 = arith.index_cast %get3A_242 : i32 to index
      %get3A_244 = arith.index_cast %mul3A_56 : i32 to index
      %get3A_245 = tpu.vector_load %arg4[%get3A_243, %get3A_244] {strides = array<i32>} : memref<64x512xf32, #tpu.memory_space<vmem>>, vector<16xf32>,
      %get3A_246 = arith.constant 15 : i32
      %get3A_247 = arith.index_cast %get3A_246 : i32 to index
      %get3A_248 = arith.index_cast %mul3A_56 : i32 to index
      %get3A_249 = tpu.vector_load %arg4[%get3A_247, %get3A_248] {strides = array<i32>} : memref<64x512xf32, #tpu.memory_space<vmem>>, vector<16xf32>,
      %broadcast_in_dim3A_250 = arith.constant 14 : i32
      %broadcast_in_dim3A_251 = vector.broadcast %broadcast_in_dim3A_250 : i32 to vector<16xi32>
      %broadcast_in_dim3A_252 = arith.constant 15 : i32
      %broadcast_in_dim3A_253 = vector.broadcast %broadcast_in_dim3A_252 : i32 to vector<16xi32>
      %gt3A_254 = arith.cmpf ogt, %get3A_245, %select_n3A_238 : vector<16xf32>
      %gt3A_255 = arith.cmpf ogt, %get3A_249, %select_n3A_240 : vector<16xf32>
      %gt3A_256 = arith.cmpf ogt, %get3A_245, %select_n3A_231 : vector<16xf32>
      %gt3A_257 = arith.cmpf ogt, %get3A_249, %select_n3A_235 : vector<16xf32>
      %select_n3A_258 = arith.select %gt3A_256, %get3A_245, %select_n3A_231 : vector<16xi1>, vector<16xf32>
      %select_n3A_259 = arith.select %gt3A_254, %select_n3A_238, %select_n3A_258 : vector<16xi1>, vector<16xf32>
      %select_n3A_260 = arith.select %gt3A_256, %broadcast_in_dim3A_251, %select_n3A_233 : vector<16xi1>, vector<16xi32>
      %select_n3A_261 = arith.select %gt3A_254, %select_n3A_239, %select_n3A_260 : vector<16xi1>, vector<16xi32>
      %select_n3A_262 = arith.select %gt3A_257, %get3A_249, %select_n3A_235 : vector<16xi1>, vector<16xf32>
      %select_n3A_263 = arith.select %gt3A_255, %select_n3A_240, %select_n3A_262 : vector<16xi1>, vector<16xf32>
      %select_n3A_264 = arith.select %gt3A_257, %broadcast_in_dim3A_253, %select_n3A_237 : vector<16xi1>, vector<16xi32>
      %select_n3A_265 = arith.select %gt3A_255, %select_n3A_241, %select_n3A_264 : vector<16xi1>, vector<16xi32>
      %select_n3A_266 = arith.select %gt3A_254, %get3A_245, %select_n3A_238 : vector<16xi1>, vector<16xf32>
      %select_n3A_267 = arith.select %gt3A_254, %broadcast_in_dim3A_251, %select_n3A_239 : vector<16xi1>, vector<16xi32>
      %select_n3A_268 = arith.select %gt3A_255, %get3A_249, %select_n3A_240 : vector<16xi1>, vector<16xf32>
      %select_n3A_269 = arith.select %gt3A_255, %broadcast_in_dim3A_253, %select_n3A_241 : vector<16xi1>, vector<16xi32>
      %get3A_270 = arith.constant 16 : i32
      %get3A_271 = arith.index_cast %get3A_270 : i32 to index
      %get3A_272 = arith.index_cast %mul3A_56 : i32 to index
      %get3A_273 = tpu.vector_load %arg4[%get3A_271, %get3A_272] {strides = array<i32>} : memref<64x512xf32, #tpu.memory_space<vmem>>, vector<16xf32>,
      %get3A_274 = arith.constant 17 : i32
      %get3A_275 = arith.index_cast %get3A_274 : i32 to index
      %get3A_276 = arith.index_cast %mul3A_56 : i32 to index
      %get3A_277 = tpu.vector_load %arg4[%get3A_275, %get3A_276] {strides = array<i32>} : memref<64x512xf32, #tpu.memory_space<vmem>>, vector<16xf32>,
      %broadcast_in_dim3A_278 = arith.constant 16 : i32
      %broadcast_in_dim3A_279 = vector.broadcast %broadcast_in_dim3A_278 : i32 to vector<16xi32>
      %broadcast_in_dim3A_280 = arith.constant 17 : i32
      %broadcast_in_dim3A_281 = vector.broadcast %broadcast_in_dim3A_280 : i32 to vector<16xi32>
      %gt3A_282 = arith.cmpf ogt, %get3A_273, %select_n3A_266 : vector<16xf32>
      %gt3A_283 = arith.cmpf ogt, %get3A_277, %select_n3A_268 : vector<16xf32>
      %gt3A_284 = arith.cmpf ogt, %get3A_273, %select_n3A_259 : vector<16xf32>
      %gt3A_285 = arith.cmpf ogt, %get3A_277, %select_n3A_263 : vector<16xf32>
      %select_n3A_286 = arith.select %gt3A_284, %get3A_273, %select_n3A_259 : vector<16xi1>, vector<16xf32>
      %select_n3A_287 = arith.select %gt3A_282, %select_n3A_266, %select_n3A_286 : vector<16xi1>, vector<16xf32>
      %select_n3A_288 = arith.select %gt3A_284, %broadcast_in_dim3A_279, %select_n3A_261 : vector<16xi1>, vector<16xi32>
      %select_n3A_289 = arith.select %gt3A_282, %select_n3A_267, %select_n3A_288 : vector<16xi1>, vector<16xi32>
      %select_n3A_290 = arith.select %gt3A_285, %get3A_277, %select_n3A_263 : vector<16xi1>, vector<16xf32>
      %select_n3A_291 = arith.select %gt3A_283, %select_n3A_268, %select_n3A_290 : vector<16xi1>, vector<16xf32>
      %select_n3A_292 = arith.select %gt3A_285, %broadcast_in_dim3A_281, %select_n3A_265 : vector<16xi1>, vector<16xi32>
      %select_n3A_293 = arith.select %gt3A_283, %select_n3A_269, %select_n3A_292 : vector<16xi1>, vector<16xi32>
      %select_n3A_294 = arith.select %gt3A_282, %get3A_273, %select_n3A_266 : vector<16xi1>, vector<16xf32>
      %select_n3A_295 = arith.select %gt3A_282, %broadcast_in_dim3A_279, %select_n3A_267 : vector<16xi1>, vector<16xi32>
      %select_n3A_296 = arith.select %gt3A_283, %get3A_277, %select_n3A_268 : vector<16xi1>, vector<16xf32>
      %select_n3A_297 = arith.select %gt3A_283, %broadcast_in_dim3A_281, %select_n3A_269 : vector<16xi1>, vector<16xi32>
      %get3A_298 = arith.constant 18 : i32
      %get3A_299 = arith.index_cast %get3A_298 : i32 to index
      %get3A_300 = arith.index_cast %mul3A_56 : i32 to index
      %get3A_301 = tpu.vector_load %arg4[%get3A_299, %get3A_300] {strides = array<i32>} : memref<64x512xf32, #tpu.memory_space<vmem>>, vector<16xf32>,
      %get3A_302 = arith.constant 19 : i32
      %get3A_303 = arith.index_cast %get3A_302 : i32 to index
      %get3A_304 = arith.index_cast %mul3A_56 : i32 to index
      %get3A_305 = tpu.vector_load %arg4[%get3A_303, %get3A_304] {strides = array<i32>} : memref<64x512xf32, #tpu.memory_space<vmem>>, vector<16xf32>,
      %broadcast_in_dim3A_306 = arith.constant 18 : i32
      %broadcast_in_dim3A_307 = vector.broadcast %broadcast_in_dim3A_306 : i32 to vector<16xi32>
      %broadcast_in_dim3A_308 = arith.constant 19 : i32
      %broadcast_in_dim3A_309 = vector.broadcast %broadcast_in_dim3A_308 : i32 to vector<16xi32>
      %gt3A_310 = arith.cmpf ogt, %get3A_301, %select_n3A_294 : vector<16xf32>
      %gt3A_311 = arith.cmpf ogt, %get3A_305, %select_n3A_296 : vector<16xf32>
      %gt3A_312 = arith.cmpf ogt, %get3A_301, %select_n3A_287 : vector<16xf32>
      %gt3A_313 = arith.cmpf ogt, %get3A_305, %select_n3A_291 : vector<16xf32>
      %select_n3A_314 = arith.select %gt3A_312, %get3A_301, %select_n3A_287 : vector<16xi1>, vector<16xf32>
      %select_n3A_315 = arith.select %gt3A_310, %select_n3A_294, %select_n3A_314 : vector<16xi1>, vector<16xf32>
      %select_n3A_316 = arith.select %gt3A_312, %broadcast_in_dim3A_307, %select_n3A_289 : vector<16xi1>, vector<16xi32>
      %select_n3A_317 = arith.select %gt3A_310, %select_n3A_295, %select_n3A_316 : vector<16xi1>, vector<16xi32>
      %select_n3A_318 = arith.select %gt3A_313, %get3A_305, %select_n3A_291 : vector<16xi1>, vector<16xf32>
      %select_n3A_319 = arith.select %gt3A_311, %select_n3A_296, %select_n3A_318 : vector<16xi1>, vector<16xf32>
      %select_n3A_320 = arith.select %gt3A_313, %broadcast_in_dim3A_309, %select_n3A_293 : vector<16xi1>, vector<16xi32>
      %select_n3A_321 = arith.select %gt3A_311, %select_n3A_297, %select_n3A_320 : vector<16xi1>, vector<16xi32>
      %select_n3A_322 = arith.select %gt3A_310, %get3A_301, %select_n3A_294 : vector<16xi1>, vector<16xf32>
      %select_n3A_323 = arith.select %gt3A_310, %broadcast_in_dim3A_307, %select_n3A_295 : vector<16xi1>, vector<16xi32>
      %select_n3A_324 = arith.select %gt3A_311, %get3A_305, %select_n3A_296 : vector<16xi1>, vector<16xf32>
      %select_n3A_325 = arith.select %gt3A_311, %broadcast_in_dim3A_309, %select_n3A_297 : vector<16xi1>, vector<16xi32>
      %get3A_326 = arith.constant 20 : i32
      %get3A_327 = arith.index_cast %get3A_326 : i32 to index
      %get3A_328 = arith.index_cast %mul3A_56 : i32 to index
      %get3A_329 = tpu.vector_load %arg4[%get3A_327, %get3A_328] {strides = array<i32>} : memref<64x512xf32, #tpu.memory_space<vmem>>, vector<16xf32>,
      %get3A_330 = arith.constant 21 : i32
      %get3A_331 = arith.index_cast %get3A_330 : i32 to index
      %get3A_332 = arith.index_cast %mul3A_56 : i32 to index
      %get3A_333 = tpu.vector_load %arg4[%get3A_331, %get3A_332] {strides = array<i32>} : memref<64x512xf32, #tpu.memory_space<vmem>>, vector<16xf32>,
      %broadcast_in_dim3A_334 = arith.constant 20 : i32
      %broadcast_in_dim3A_335 = vector.broadcast %broadcast_in_dim3A_334 : i32 to vector<16xi32>
      %broadcast_in_dim3A_336 = arith.constant 21 : i32
      %broadcast_in_dim3A_337 = vector.broadcast %broadcast_in_dim3A_336 : i32 to vector<16xi32>
      %gt3A_338 = arith.cmpf ogt, %get3A_329, %select_n3A_322 : vector<16xf32>
      %gt3A_339 = arith.cmpf ogt, %get3A_333, %select_n3A_324 : vector<16xf32>
      %gt3A_340 = arith.cmpf ogt, %get3A_329, %select_n3A_315 : vector<16xf32>
      %gt3A_341 = arith.cmpf ogt, %get3A_333, %select_n3A_319 : vector<16xf32>
      %select_n3A_342 = arith.select %gt3A_340, %get3A_329, %select_n3A_315 : vector<16xi1>, vector<16xf32>
      %select_n3A_343 = arith.select %gt3A_338, %select_n3A_322, %select_n3A_342 : vector<16xi1>, vector<16xf32>
      %select_n3A_344 = arith.select %gt3A_340, %broadcast_in_dim3A_335, %select_n3A_317 : vector<16xi1>, vector<16xi32>
      %select_n3A_345 = arith.select %gt3A_338, %select_n3A_323, %select_n3A_344 : vector<16xi1>, vector<16xi32>
      %select_n3A_346 = arith.select %gt3A_341, %get3A_333, %select_n3A_319 : vector<16xi1>, vector<16xf32>
      %select_n3A_347 = arith.select %gt3A_339, %select_n3A_324, %select_n3A_346 : vector<16xi1>, vector<16xf32>
      %select_n3A_348 = arith.select %gt3A_341, %broadcast_in_dim3A_337, %select_n3A_321 : vector<16xi1>, vector<16xi32>
      %select_n3A_349 = arith.select %gt3A_339, %select_n3A_325, %select_n3A_348 : vector<16xi1>, vector<16xi32>
      %select_n3A_350 = arith.select %gt3A_338, %get3A_329, %select_n3A_322 : vector<16xi1>, vector<16xf32>
      %select_n3A_351 = arith.select %gt3A_338, %broadcast_in_dim3A_335, %select_n3A_323 : vector<16xi1>, vector<16xi32>
      %select_n3A_352 = arith.select %gt3A_339, %get3A_333, %select_n3A_324 : vector<16xi1>, vector<16xf32>
      %select_n3A_353 = arith.select %gt3A_339, %broadcast_in_dim3A_337, %select_n3A_325 : vector<16xi1>, vector<16xi32>
      %get3A_354 = arith.constant 22 : i32
      %get3A_355 = arith.index_cast %get3A_354 : i32 to index
      %get3A_356 = arith.index_cast %mul3A_56 : i32 to index
      %get3A_357 = tpu.vector_load %arg4[%get3A_355, %get3A_356] {strides = array<i32>} : memref<64x512xf32, #tpu.memory_space<vmem>>, vector<16xf32>,
      %get3A_358 = arith.constant 23 : i32
      %get3A_359 = arith.index_cast %get3A_358 : i32 to index
      %get3A_360 = arith.index_cast %mul3A_56 : i32 to index
      %get3A_361 = tpu.vector_load %arg4[%get3A_359, %get3A_360] {strides = array<i32>} : memref<64x512xf32, #tpu.memory_space<vmem>>, vector<16xf32>,
      %broadcast_in_dim3A_362 = arith.constant 22 : i32
      %broadcast_in_dim3A_363 = vector.broadcast %broadcast_in_dim3A_362 : i32 to vector<16xi32>
      %broadcast_in_dim3A_364 = arith.constant 23 : i32
      %broadcast_in_dim3A_365 = vector.broadcast %broadcast_in_dim3A_364 : i32 to vector<16xi32>
      %gt3A_366 = arith.cmpf ogt, %get3A_357, %select_n3A_350 : vector<16xf32>
      %gt3A_367 = arith.cmpf ogt, %get3A_361, %select_n3A_352 : vector<16xf32>
      %gt3A_368 = arith.cmpf ogt, %get3A_357, %select_n3A_343 : vector<16xf32>
      %gt3A_369 = arith.cmpf ogt, %get3A_361, %select_n3A_347 : vector<16xf32>
      %select_n3A_370 = arith.select %gt3A_368, %get3A_357, %select_n3A_343 : vector<16xi1>, vector<16xf32>
      %select_n3A_371 = arith.select %gt3A_366, %select_n3A_350, %select_n3A_370 : vector<16xi1>, vector<16xf32>
      %select_n3A_372 = arith.select %gt3A_368, %broadcast_in_dim3A_363, %select_n3A_345 : vector<16xi1>, vector<16xi32>
      %select_n3A_373 = arith.select %gt3A_366, %select_n3A_351, %select_n3A_372 : vector<16xi1>, vector<16xi32>
      %select_n3A_374 = arith.select %gt3A_369, %get3A_361, %select_n3A_347 : vector<16xi1>, vector<16xf32>
      %select_n3A_375 = arith.select %gt3A_367, %select_n3A_352, %select_n3A_374 : vector<16xi1>, vector<16xf32>
      %select_n3A_376 = arith.select %gt3A_369, %broadcast_in_dim3A_365, %select_n3A_349 : vector<16xi1>, vector<16xi32>
      %select_n3A_377 = arith.select %gt3A_367, %select_n3A_353, %select_n3A_376 : vector<16xi1>, vector<16xi32>
      %select_n3A_378 = arith.select %gt3A_366, %get3A_357, %select_n3A_350 : vector<16xi1>, vector<16xf32>
      %select_n3A_379 = arith.select %gt3A_366, %broadcast_in_dim3A_363, %select_n3A_351 : vector<16xi1>, vector<16xi32>
      %select_n3A_380 = arith.select %gt3A_367, %get3A_361, %select_n3A_352 : vector<16xi1>, vector<16xf32>
      %select_n3A_381 = arith.select %gt3A_367, %broadcast_in_dim3A_365, %select_n3A_353 : vector<16xi1>, vector<16xi32>
      %get3A_382 = arith.constant 24 : i32
      %get3A_383 = arith.index_cast %get3A_382 : i32 to index
      %get3A_384 = arith.index_cast %mul3A_56 : i32 to index
      %get3A_385 = tpu.vector_load %arg4[%get3A_383, %get3A_384] {strides = array<i32>} : memref<64x512xf32, #tpu.memory_space<vmem>>, vector<16xf32>,
      %get3A_386 = arith.constant 25 : i32
      %get3A_387 = arith.index_cast %get3A_386 : i32 to index
      %get3A_388 = arith.index_cast %mul3A_56 : i32 to index
      %get3A_389 = tpu.vector_load %arg4[%get3A_387, %get3A_388] {strides = array<i32>} : memref<64x512xf32, #tpu.memory_space<vmem>>, vector<16xf32>,
      %broadcast_in_dim3A_390 = arith.constant 24 : i32
      %broadcast_in_dim3A_391 = vector.broadcast %broadcast_in_dim3A_390 : i32 to vector<16xi32>
      %broadcast_in_dim3A_392 = arith.constant 25 : i32
      %broadcast_in_dim3A_393 = vector.broadcast %broadcast_in_dim3A_392 : i32 to vector<16xi32>
      %gt3A_394 = arith.cmpf ogt, %get3A_385, %select_n3A_378 : vector<16xf32>
      %gt3A_395 = arith.cmpf ogt, %get3A_389, %select_n3A_380 : vector<16xf32>
      %gt3A_396 = arith.cmpf ogt, %get3A_385, %select_n3A_371 : vector<16xf32>
      %gt3A_397 = arith.cmpf ogt, %get3A_389, %select_n3A_375 : vector<16xf32>
      %select_n3A_398 = arith.select %gt3A_396, %get3A_385, %select_n3A_371 : vector<16xi1>, vector<16xf32>
      %select_n3A_399 = arith.select %gt3A_394, %select_n3A_378, %select_n3A_398 : vector<16xi1>, vector<16xf32>
      %select_n3A_400 = arith.select %gt3A_396, %broadcast_in_dim3A_391, %select_n3A_373 : vector<16xi1>, vector<16xi32>
      %select_n3A_401 = arith.select %gt3A_394, %select_n3A_379, %select_n3A_400 : vector<16xi1>, vector<16xi32>
      %select_n3A_402 = arith.select %gt3A_397, %get3A_389, %select_n3A_375 : vector<16xi1>, vector<16xf32>
      %select_n3A_403 = arith.select %gt3A_395, %select_n3A_380, %select_n3A_402 : vector<16xi1>, vector<16xf32>
      %select_n3A_404 = arith.select %gt3A_397, %broadcast_in_dim3A_393, %select_n3A_377 : vector<16xi1>, vector<16xi32>
      %select_n3A_405 = arith.select %gt3A_395, %select_n3A_381, %select_n3A_404 : vector<16xi1>, vector<16xi32>
      %select_n3A_406 = arith.select %gt3A_394, %get3A_385, %select_n3A_378 : vector<16xi1>, vector<16xf32>
      %select_n3A_407 = arith.select %gt3A_394, %broadcast_in_dim3A_391, %select_n3A_379 : vector<16xi1>, vector<16xi32>
      %select_n3A_408 = arith.select %gt3A_395, %get3A_389, %select_n3A_380 : vector<16xi1>, vector<16xf32>
      %select_n3A_409 = arith.select %gt3A_395, %broadcast_in_dim3A_393, %select_n3A_381 : vector<16xi1>, vector<16xi32>
      %get3A_410 = arith.constant 26 : i32
      %get3A_411 = arith.index_cast %get3A_410 : i32 to index
      %get3A_412 = arith.index_cast %mul3A_56 : i32 to index
      %get3A_413 = tpu.vector_load %arg4[%get3A_411, %get3A_412] {strides = array<i32>} : memref<64x512xf32, #tpu.memory_space<vmem>>, vector<16xf32>,
      %get3A_414 = arith.constant 27 : i32
      %get3A_415 = arith.index_cast %get3A_414 : i32 to index
      %get3A_416 = arith.index_cast %mul3A_56 : i32 to index
      %get3A_417 = tpu.vector_load %arg4[%get3A_415, %get3A_416] {strides = array<i32>} : memref<64x512xf32, #tpu.memory_space<vmem>>, vector<16xf32>,
      %broadcast_in_dim3A_418 = arith.constant 26 : i32
      %broadcast_in_dim3A_419 = vector.broadcast %broadcast_in_dim3A_418 : i32 to vector<16xi32>
      %broadcast_in_dim3A_420 = arith.constant 27 : i32
      %broadcast_in_dim3A_421 = vector.broadcast %broadcast_in_dim3A_420 : i32 to vector<16xi32>
      %gt3A_422 = arith.cmpf ogt, %get3A_413, %select_n3A_406 : vector<16xf32>
      %gt3A_423 = arith.cmpf ogt, %get3A_417, %select_n3A_408 : vector<16xf32>
      %gt3A_424 = arith.cmpf ogt, %get3A_413, %select_n3A_399 : vector<16xf32>
      %gt3A_425 = arith.cmpf ogt, %get3A_417, %select_n3A_403 : vector<16xf32>
      %select_n3A_426 = arith.select %gt3A_424, %get3A_413, %select_n3A_399 : vector<16xi1>, vector<16xf32>
      %select_n3A_427 = arith.select %gt3A_422, %select_n3A_406, %select_n3A_426 : vector<16xi1>, vector<16xf32>
      %select_n3A_428 = arith.select %gt3A_424, %broadcast_in_dim3A_419, %select_n3A_401 : vector<16xi1>, vector<16xi32>
      %select_n3A_429 = arith.select %gt3A_422, %select_n3A_407, %select_n3A_428 : vector<16xi1>, vector<16xi32>
      %select_n3A_430 = arith.select %gt3A_425, %get3A_417, %select_n3A_403 : vector<16xi1>, vector<16xf32>
      %select_n3A_431 = arith.select %gt3A_423, %select_n3A_408, %select_n3A_430 : vector<16xi1>, vector<16xf32>
      %select_n3A_432 = arith.select %gt3A_425, %broadcast_in_dim3A_421, %select_n3A_405 : vector<16xi1>, vector<16xi32>
      %select_n3A_433 = arith.select %gt3A_423, %select_n3A_409, %select_n3A_432 : vector<16xi1>, vector<16xi32>
      %select_n3A_434 = arith.select %gt3A_422, %get3A_413, %select_n3A_406 : vector<16xi1>, vector<16xf32>
      %select_n3A_435 = arith.select %gt3A_422, %broadcast_in_dim3A_419, %select_n3A_407 : vector<16xi1>, vector<16xi32>
      %select_n3A_436 = arith.select %gt3A_423, %get3A_417, %select_n3A_408 : vector<16xi1>, vector<16xf32>
      %select_n3A_437 = arith.select %gt3A_423, %broadcast_in_dim3A_421, %select_n3A_409 : vector<16xi1>, vector<16xi32>
      %get3A_438 = arith.constant 28 : i32
      %get3A_439 = arith.index_cast %get3A_438 : i32 to index
      %get3A_440 = arith.index_cast %mul3A_56 : i32 to index
      %get3A_441 = tpu.vector_load %arg4[%get3A_439, %get3A_440] {strides = array<i32>} : memref<64x512xf32, #tpu.memory_space<vmem>>, vector<16xf32>,
      %get3A_442 = arith.constant 29 : i32
      %get3A_443 = arith.index_cast %get3A_442 : i32 to index
      %get3A_444 = arith.index_cast %mul3A_56 : i32 to index
      %get3A_445 = tpu.vector_load %arg4[%get3A_443, %get3A_444] {strides = array<i32>} : memref<64x512xf32, #tpu.memory_space<vmem>>, vector<16xf32>,
      %broadcast_in_dim3A_446 = arith.constant 28 : i32
      %broadcast_in_dim3A_447 = vector.broadcast %broadcast_in_dim3A_446 : i32 to vector<16xi32>
      %broadcast_in_dim3A_448 = arith.constant 29 : i32
      %broadcast_in_dim3A_449 = vector.broadcast %broadcast_in_dim3A_448 : i32 to vector<16xi32>
      %gt3A_450 = arith.cmpf ogt, %get3A_441, %select_n3A_434 : vector<16xf32>
      %gt3A_451 = arith.cmpf ogt, %get3A_445, %select_n3A_436 : vector<16xf32>
      %gt3A_452 = arith.cmpf ogt, %get3A_441, %select_n3A_427 : vector<16xf32>
      %gt3A_453 = arith.cmpf ogt, %get3A_445, %select_n3A_431 : vector<16xf32>
      %select_n3A_454 = arith.select %gt3A_452, %get3A_441, %select_n3A_427 : vector<16xi1>, vector<16xf32>
      %select_n3A_455 = arith.select %gt3A_450, %select_n3A_434, %select_n3A_454 : vector<16xi1>, vector<16xf32>
      %select_n3A_456 = arith.select %gt3A_452, %broadcast_in_dim3A_447, %select_n3A_429 : vector<16xi1>, vector<16xi32>
      %select_n3A_457 = arith.select %gt3A_450, %select_n3A_435, %select_n3A_456 : vector<16xi1>, vector<16xi32>
      %select_n3A_458 = arith.select %gt3A_453, %get3A_445, %select_n3A_431 : vector<16xi1>, vector<16xf32>
      %select_n3A_459 = arith.select %gt3A_451, %select_n3A_436, %select_n3A_458 : vector<16xi1>, vector<16xf32>
      %select_n3A_460 = arith.select %gt3A_453, %broadcast_in_dim3A_449, %select_n3A_433 : vector<16xi1>, vector<16xi32>
      %select_n3A_461 = arith.select %gt3A_451, %select_n3A_437, %select_n3A_460 : vector<16xi1>, vector<16xi32>
      %select_n3A_462 = arith.select %gt3A_450, %get3A_441, %select_n3A_434 : vector<16xi1>, vector<16xf32>
      %select_n3A_463 = arith.select %gt3A_450, %broadcast_in_dim3A_447, %select_n3A_435 : vector<16xi1>, vector<16xi32>
      %select_n3A_464 = arith.select %gt3A_451, %get3A_445, %select_n3A_436 : vector<16xi1>, vector<16xf32>
      %select_n3A_465 = arith.select %gt3A_451, %broadcast_in_dim3A_449, %select_n3A_437 : vector<16xi1>, vector<16xi32>
      %get3A_466 = arith.constant 30 : i32
      %get3A_467 = arith.index_cast %get3A_466 : i32 to index
      %get3A_468 = arith.index_cast %mul3A_56 : i32 to index
      %get3A_469 = tpu.vector_load %arg4[%get3A_467, %get3A_468] {strides = array<i32>} : memref<64x512xf32, #tpu.memory_space<vmem>>, vector<16xf32>,
      %get3A_470 = arith.constant 31 : i32
      %get3A_471 = arith.index_cast %get3A_470 : i32 to index
      %get3A_472 = arith.index_cast %mul3A_56 : i32 to index
      %get3A_473 = tpu.vector_load %arg4[%get3A_471, %get3A_472] {strides = array<i32>} : memref<64x512xf32, #tpu.memory_space<vmem>>, vector<16xf32>,
      %broadcast_in_dim3A_474 = arith.constant 30 : i32
      %broadcast_in_dim3A_475 = vector.broadcast %broadcast_in_dim3A_474 : i32 to vector<16xi32>
      %broadcast_in_dim3A_476 = arith.constant 31 : i32
      %broadcast_in_dim3A_477 = vector.broadcast %broadcast_in_dim3A_476 : i32 to vector<16xi32>
      %gt3A_478 = arith.cmpf ogt, %get3A_469, %select_n3A_462 : vector<16xf32>
      %gt3A_479 = arith.cmpf ogt, %get3A_473, %select_n3A_464 : vector<16xf32>
      %gt3A_480 = arith.cmpf ogt, %get3A_469, %select_n3A_455 : vector<16xf32>
      %gt3A_481 = arith.cmpf ogt, %get3A_473, %select_n3A_459 : vector<16xf32>
      %select_n3A_482 = arith.select %gt3A_480, %get3A_469, %select_n3A_455 : vector<16xi1>, vector<16xf32>
      %select_n3A_483 = arith.select %gt3A_478, %select_n3A_462, %select_n3A_482 : vector<16xi1>, vector<16xf32>
      %select_n3A_484 = arith.select %gt3A_480, %broadcast_in_dim3A_475, %select_n3A_457 : vector<16xi1>, vector<16xi32>
      %select_n3A_485 = arith.select %gt3A_478, %select_n3A_463, %select_n3A_484 : vector<16xi1>, vector<16xi32>
      %select_n3A_486 = arith.select %gt3A_481, %get3A_473, %select_n3A_459 : vector<16xi1>, vector<16xf32>
      %select_n3A_487 = arith.select %gt3A_479, %select_n3A_464, %select_n3A_486 : vector<16xi1>, vector<16xf32>
      %select_n3A_488 = arith.select %gt3A_481, %broadcast_in_dim3A_477, %select_n3A_461 : vector<16xi1>, vector<16xi32>
      %select_n3A_489 = arith.select %gt3A_479, %select_n3A_465, %select_n3A_488 : vector<16xi1>, vector<16xi32>
      %select_n3A_490 = arith.select %gt3A_478, %get3A_469, %select_n3A_462 : vector<16xi1>, vector<16xf32>
      %select_n3A_491 = arith.select %gt3A_478, %broadcast_in_dim3A_475, %select_n3A_463 : vector<16xi1>, vector<16xi32>
      %select_n3A_492 = arith.select %gt3A_479, %get3A_473, %select_n3A_464 : vector<16xi1>, vector<16xf32>
      %select_n3A_493 = arith.select %gt3A_479, %broadcast_in_dim3A_477, %select_n3A_465 : vector<16xi1>, vector<16xi32>
      %get3A_494 = arith.constant 32 : i32
      %get3A_495 = arith.index_cast %get3A_494 : i32 to index
      %get3A_496 = arith.index_cast %mul3A_56 : i32 to index
      %get3A_497 = tpu.vector_load %arg4[%get3A_495, %get3A_496] {strides = array<i32>} : memref<64x512xf32, #tpu.memory_space<vmem>>, vector<16xf32>,
      %get3A_498 = arith.constant 33 : i32
      %get3A_499 = arith.index_cast %get3A_498 : i32 to index
      %get3A_500 = arith.index_cast %mul3A_56 : i32 to index
      %get3A_501 = tpu.vector_load %arg4[%get3A_499, %get3A_500] {strides = array<i32>} : memref<64x512xf32, #tpu.memory_space<vmem>>, vector<16xf32>,
      %broadcast_in_dim3A_502 = arith.constant 32 : i32
      %broadcast_in_dim3A_503 = vector.broadcast %broadcast_in_dim3A_502 : i32 to vector<16xi32>
      %broadcast_in_dim3A_504 = arith.constant 33 : i32
      %broadcast_in_dim3A_505 = vector.broadcast %broadcast_in_dim3A_504 : i32 to vector<16xi32>
      %gt3A_506 = arith.cmpf ogt, %get3A_497, %select_n3A_490 : vector<16xf32>
      %gt3A_507 = arith.cmpf ogt, %get3A_501, %select_n3A_492 : vector<16xf32>
      %gt3A_508 = arith.cmpf ogt, %get3A_497, %select_n3A_483 : vector<16xf32>
      %gt3A_509 = arith.cmpf ogt, %get3A_501, %select_n3A_487 : vector<16xf32>
      %select_n3A_510 = arith.select %gt3A_508, %get3A_497, %select_n3A_483 : vector<16xi1>, vector<16xf32>
      %select_n3A_511 = arith.select %gt3A_506, %select_n3A_490, %select_n3A_510 : vector<16xi1>, vector<16xf32>
      %select_n3A_512 = arith.select %gt3A_508, %broadcast_in_dim3A_503, %select_n3A_485 : vector<16xi1>, vector<16xi32>
      %select_n3A_513 = arith.select %gt3A_506, %select_n3A_491, %select_n3A_512 : vector<16xi1>, vector<16xi32>
      %select_n3A_514 = arith.select %gt3A_509, %get3A_501, %select_n3A_487 : vector<16xi1>, vector<16xf32>
      %select_n3A_515 = arith.select %gt3A_507, %select_n3A_492, %select_n3A_514 : vector<16xi1>, vector<16xf32>
      %select_n3A_516 = arith.select %gt3A_509, %broadcast_in_dim3A_505, %select_n3A_489 : vector<16xi1>, vector<16xi32>
      %select_n3A_517 = arith.select %gt3A_507, %select_n3A_493, %select_n3A_516 : vector<16xi1>, vector<16xi32>
      %select_n3A_518 = arith.select %gt3A_506, %get3A_497, %select_n3A_490 : vector<16xi1>, vector<16xf32>
      %select_n3A_519 = arith.select %gt3A_506, %broadcast_in_dim3A_503, %select_n3A_491 : vector<16xi1>, vector<16xi32>
      %select_n3A_520 = arith.select %gt3A_507, %get3A_501, %select_n3A_492 : vector<16xi1>, vector<16xf32>
      %select_n3A_521 = arith.select %gt3A_507, %broadcast_in_dim3A_505, %select_n3A_493 : vector<16xi1>, vector<16xi32>
      %get3A_522 = arith.constant 34 : i32
      %get3A_523 = arith.index_cast %get3A_522 : i32 to index
      %get3A_524 = arith.index_cast %mul3A_56 : i32 to index
      %get3A_525 = tpu.vector_load %arg4[%get3A_523, %get3A_524] {strides = array<i32>} : memref<64x512xf32, #tpu.memory_space<vmem>>, vector<16xf32>,
      %get3A_526 = arith.constant 35 : i32
      %get3A_527 = arith.index_cast %get3A_526 : i32 to index
      %get3A_528 = arith.index_cast %mul3A_56 : i32 to index
      %get3A_529 = tpu.vector_load %arg4[%get3A_527, %get3A_528] {strides = array<i32>} : memref<64x512xf32, #tpu.memory_space<vmem>>, vector<16xf32>,
      %broadcast_in_dim3A_530 = arith.constant 34 : i32
      %broadcast_in_dim3A_531 = vector.broadcast %broadcast_in_dim3A_530 : i32 to vector<16xi32>
      %broadcast_in_dim3A_532 = arith.constant 35 : i32
      %broadcast_in_dim3A_533 = vector.broadcast %broadcast_in_dim3A_532 : i32 to vector<16xi32>
      %gt3A_534 = arith.cmpf ogt, %get3A_525, %select_n3A_518 : vector<16xf32>
      %gt3A_535 = arith.cmpf ogt, %get3A_529, %select_n3A_520 : vector<16xf32>
      %gt3A_536 = arith.cmpf ogt, %get3A_525, %select_n3A_511 : vector<16xf32>
      %gt3A_537 = arith.cmpf ogt, %get3A_529, %select_n3A_515 : vector<16xf32>
      %select_n3A_538 = arith.select %gt3A_536, %get3A_525, %select_n3A_511 : vector<16xi1>, vector<16xf32>
      %select_n3A_539 = arith.select %gt3A_534, %select_n3A_518, %select_n3A_538 : vector<16xi1>, vector<16xf32>
      %select_n3A_540 = arith.select %gt3A_536, %broadcast_in_dim3A_531, %select_n3A_513 : vector<16xi1>, vector<16xi32>
      %select_n3A_541 = arith.select %gt3A_534, %select_n3A_519, %select_n3A_540 : vector<16xi1>, vector<16xi32>
      %select_n3A_542 = arith.select %gt3A_537, %get3A_529, %select_n3A_515 : vector<16xi1>, vector<16xf32>
      %select_n3A_543 = arith.select %gt3A_535, %select_n3A_520, %select_n3A_542 : vector<16xi1>, vector<16xf32>
      %select_n3A_544 = arith.select %gt3A_537, %broadcast_in_dim3A_533, %select_n3A_517 : vector<16xi1>, vector<16xi32>
      %select_n3A_545 = arith.select %gt3A_535, %select_n3A_521, %select_n3A_544 : vector<16xi1>, vector<16xi32>
      %select_n3A_546 = arith.select %gt3A_534, %get3A_525, %select_n3A_518 : vector<16xi1>, vector<16xf32>
      %select_n3A_547 = arith.select %gt3A_534, %broadcast_in_dim3A_531, %select_n3A_519 : vector<16xi1>, vector<16xi32>
      %select_n3A_548 = arith.select %gt3A_535, %get3A_529, %select_n3A_520 : vector<16xi1>, vector<16xf32>
      %select_n3A_549 = arith.select %gt3A_535, %broadcast_in_dim3A_533, %select_n3A_521 : vector<16xi1>, vector<16xi32>
      %get3A_550 = arith.constant 36 : i32
      %get3A_551 = arith.index_cast %get3A_550 : i32 to index
      %get3A_552 = arith.index_cast %mul3A_56 : i32 to index
      %get3A_553 = tpu.vector_load %arg4[%get3A_551, %get3A_552] {strides = array<i32>} : memref<64x512xf32, #tpu.memory_space<vmem>>, vector<16xf32>,
      %get3A_554 = arith.constant 37 : i32
      %get3A_555 = arith.index_cast %get3A_554 : i32 to index
      %get3A_556 = arith.index_cast %mul3A_56 : i32 to index
      %get3A_557 = tpu.vector_load %arg4[%get3A_555, %get3A_556] {strides = array<i32>} : memref<64x512xf32, #tpu.memory_space<vmem>>, vector<16xf32>,
      %broadcast_in_dim3A_558 = arith.constant 36 : i32
      %broadcast_in_dim3A_559 = vector.broadcast %broadcast_in_dim3A_558 : i32 to vector<16xi32>
      %broadcast_in_dim3A_560 = arith.constant 37 : i32
      %broadcast_in_dim3A_561 = vector.broadcast %broadcast_in_dim3A_560 : i32 to vector<16xi32>
      %gt3A_562 = arith.cmpf ogt, %get3A_553, %select_n3A_546 : vector<16xf32>
      %gt3A_563 = arith.cmpf ogt, %get3A_557, %select_n3A_548 : vector<16xf32>
      %gt3A_564 = arith.cmpf ogt, %get3A_553, %select_n3A_539 : vector<16xf32>
      %gt3A_565 = arith.cmpf ogt, %get3A_557, %select_n3A_543 : vector<16xf32>
      %select_n3A_566 = arith.select %gt3A_564, %get3A_553, %select_n3A_539 : vector<16xi1>, vector<16xf32>
      %select_n3A_567 = arith.select %gt3A_562, %select_n3A_546, %select_n3A_566 : vector<16xi1>, vector<16xf32>
      %select_n3A_568 = arith.select %gt3A_564, %broadcast_in_dim3A_559, %select_n3A_541 : vector<16xi1>, vector<16xi32>
      %select_n3A_569 = arith.select %gt3A_562, %select_n3A_547, %select_n3A_568 : vector<16xi1>, vector<16xi32>
      %select_n3A_570 = arith.select %gt3A_565, %get3A_557, %select_n3A_543 : vector<16xi1>, vector<16xf32>
      %select_n3A_571 = arith.select %gt3A_563, %select_n3A_548, %select_n3A_570 : vector<16xi1>, vector<16xf32>
      %select_n3A_572 = arith.select %gt3A_565, %broadcast_in_dim3A_561, %select_n3A_545 : vector<16xi1>, vector<16xi32>
      %select_n3A_573 = arith.select %gt3A_563, %select_n3A_549, %select_n3A_572 : vector<16xi1>, vector<16xi32>
      %select_n3A_574 = arith.select %gt3A_562, %get3A_553, %select_n3A_546 : vector<16xi1>, vector<16xf32>
      %select_n3A_575 = arith.select %gt3A_562, %broadcast_in_dim3A_559, %select_n3A_547 : vector<16xi1>, vector<16xi32>
      %select_n3A_576 = arith.select %gt3A_563, %get3A_557, %select_n3A_548 : vector<16xi1>, vector<16xf32>
      %select_n3A_577 = arith.select %gt3A_563, %broadcast_in_dim3A_561, %select_n3A_549 : vector<16xi1>, vector<16xi32>
      %get3A_578 = arith.constant 38 : i32
      %get3A_579 = arith.index_cast %get3A_578 : i32 to index
      %get3A_580 = arith.index_cast %mul3A_56 : i32 to index
      %get3A_581 = tpu.vector_load %arg4[%get3A_579, %get3A_580] {strides = array<i32>} : memref<64x512xf32, #tpu.memory_space<vmem>>, vector<16xf32>,
      %get3A_582 = arith.constant 39 : i32
      %get3A_583 = arith.index_cast %get3A_582 : i32 to index
      %get3A_584 = arith.index_cast %mul3A_56 : i32 to index
      %get3A_585 = tpu.vector_load %arg4[%get3A_583, %get3A_584] {strides = array<i32>} : memref<64x512xf32, #tpu.memory_space<vmem>>, vector<16xf32>,
      %broadcast_in_dim3A_586 = arith.constant 38 : i32
      %broadcast_in_dim3A_587 = vector.broadcast %broadcast_in_dim3A_586 : i32 to vector<16xi32>
      %broadcast_in_dim3A_588 = arith.constant 39 : i32
      %broadcast_in_dim3A_589 = vector.broadcast %broadcast_in_dim3A_588 : i32 to vector<16xi32>
      %gt3A_590 = arith.cmpf ogt, %get3A_581, %select_n3A_574 : vector<16xf32>
      %gt3A_591 = arith.cmpf ogt, %get3A_585, %select_n3A_576 : vector<16xf32>
      %gt3A_592 = arith.cmpf ogt, %get3A_581, %select_n3A_567 : vector<16xf32>
      %gt3A_593 = arith.cmpf ogt, %get3A_585, %select_n3A_571 : vector<16xf32>
      %select_n3A_594 = arith.select %gt3A_592, %get3A_581, %select_n3A_567 : vector<16xi1>, vector<16xf32>
      %select_n3A_595 = arith.select %gt3A_590, %select_n3A_574, %select_n3A_594 : vector<16xi1>, vector<16xf32>
      %select_n3A_596 = arith.select %gt3A_592, %broadcast_in_dim3A_587, %select_n3A_569 : vector<16xi1>, vector<16xi32>
      %select_n3A_597 = arith.select %gt3A_590, %select_n3A_575, %select_n3A_596 : vector<16xi1>, vector<16xi32>
      %select_n3A_598 = arith.select %gt3A_593, %get3A_585, %select_n3A_571 : vector<16xi1>, vector<16xf32>
      %select_n3A_599 = arith.select %gt3A_591, %select_n3A_576, %select_n3A_598 : vector<16xi1>, vector<16xf32>
      %select_n3A_600 = arith.select %gt3A_593, %broadcast_in_dim3A_589, %select_n3A_573 : vector<16xi1>, vector<16xi32>
      %select_n3A_601 = arith.select %gt3A_591, %select_n3A_577, %select_n3A_600 : vector<16xi1>, vector<16xi32>
      %select_n3A_602 = arith.select %gt3A_590, %get3A_581, %select_n3A_574 : vector<16xi1>, vector<16xf32>
      %select_n3A_603 = arith.select %gt3A_590, %broadcast_in_dim3A_587, %select_n3A_575 : vector<16xi1>, vector<16xi32>
      %select_n3A_604 = arith.select %gt3A_591, %get3A_585, %select_n3A_576 : vector<16xi1>, vector<16xf32>
      %select_n3A_605 = arith.select %gt3A_591, %broadcast_in_dim3A_589, %select_n3A_577 : vector<16xi1>, vector<16xi32>
      %get3A_606 = arith.constant 40 : i32
      %get3A_607 = arith.index_cast %get3A_606 : i32 to index
      %get3A_608 = arith.index_cast %mul3A_56 : i32 to index
      %get3A_609 = tpu.vector_load %arg4[%get3A_607, %get3A_608] {strides = array<i32>} : memref<64x512xf32, #tpu.memory_space<vmem>>, vector<16xf32>,
      %get3A_610 = arith.constant 41 : i32
      %get3A_611 = arith.index_cast %get3A_610 : i32 to index
      %get3A_612 = arith.index_cast %mul3A_56 : i32 to index
      %get3A_613 = tpu.vector_load %arg4[%get3A_611, %get3A_612] {strides = array<i32>} : memref<64x512xf32, #tpu.memory_space<vmem>>, vector<16xf32>,
      %broadcast_in_dim3A_614 = arith.constant 40 : i32
      %broadcast_in_dim3A_615 = vector.broadcast %broadcast_in_dim3A_614 : i32 to vector<16xi32>
      %broadcast_in_dim3A_616 = arith.constant 41 : i32
      %broadcast_in_dim3A_617 = vector.broadcast %broadcast_in_dim3A_616 : i32 to vector<16xi32>
      %gt3A_618 = arith.cmpf ogt, %get3A_609, %select_n3A_602 : vector<16xf32>
      %gt3A_619 = arith.cmpf ogt, %get3A_613, %select_n3A_604 : vector<16xf32>
      %gt3A_620 = arith.cmpf ogt, %get3A_609, %select_n3A_595 : vector<16xf32>
      %gt3A_621 = arith.cmpf ogt, %get3A_613, %select_n3A_599 : vector<16xf32>
      %select_n3A_622 = arith.select %gt3A_620, %get3A_609, %select_n3A_595 : vector<16xi1>, vector<16xf32>
      %select_n3A_623 = arith.select %gt3A_618, %select_n3A_602, %select_n3A_622 : vector<16xi1>, vector<16xf32>
      %select_n3A_624 = arith.select %gt3A_620, %broadcast_in_dim3A_615, %select_n3A_597 : vector<16xi1>, vector<16xi32>
      %select_n3A_625 = arith.select %gt3A_618, %select_n3A_603, %select_n3A_624 : vector<16xi1>, vector<16xi32>
      %select_n3A_626 = arith.select %gt3A_621, %get3A_613, %select_n3A_599 : vector<16xi1>, vector<16xf32>
      %select_n3A_627 = arith.select %gt3A_619, %select_n3A_604, %select_n3A_626 : vector<16xi1>, vector<16xf32>
      %select_n3A_628 = arith.select %gt3A_621, %broadcast_in_dim3A_617, %select_n3A_601 : vector<16xi1>, vector<16xi32>
      %select_n3A_629 = arith.select %gt3A_619, %select_n3A_605, %select_n3A_628 : vector<16xi1>, vector<16xi32>
      %select_n3A_630 = arith.select %gt3A_618, %get3A_609, %select_n3A_602 : vector<16xi1>, vector<16xf32>
      %select_n3A_631 = arith.select %gt3A_618, %broadcast_in_dim3A_615, %select_n3A_603 : vector<16xi1>, vector<16xi32>
      %select_n3A_632 = arith.select %gt3A_619, %get3A_613, %select_n3A_604 : vector<16xi1>, vector<16xf32>
      %select_n3A_633 = arith.select %gt3A_619, %broadcast_in_dim3A_617, %select_n3A_605 : vector<16xi1>, vector<16xi32>
      %get3A_634 = arith.constant 42 : i32
      %get3A_635 = arith.index_cast %get3A_634 : i32 to index
      %get3A_636 = arith.index_cast %mul3A_56 : i32 to index
      %get3A_637 = tpu.vector_load %arg4[%get3A_635, %get3A_636] {strides = array<i32>} : memref<64x512xf32, #tpu.memory_space<vmem>>, vector<16xf32>,
      %get3A_638 = arith.constant 43 : i32
      %get3A_639 = arith.index_cast %get3A_638 : i32 to index
      %get3A_640 = arith.index_cast %mul3A_56 : i32 to index
      %get3A_641 = tpu.vector_load %arg4[%get3A_639, %get3A_640] {strides = array<i32>} : memref<64x512xf32, #tpu.memory_space<vmem>>, vector<16xf32>,
      %broadcast_in_dim3A_642 = arith.constant 42 : i32
      %broadcast_in_dim3A_643 = vector.broadcast %broadcast_in_dim3A_642 : i32 to vector<16xi32>
      %broadcast_in_dim3A_644 = arith.constant 43 : i32
      %broadcast_in_dim3A_645 = vector.broadcast %broadcast_in_dim3A_644 : i32 to vector<16xi32>
      %gt3A_646 = arith.cmpf ogt, %get3A_637, %select_n3A_630 : vector<16xf32>
      %gt3A_647 = arith.cmpf ogt, %get3A_641, %select_n3A_632 : vector<16xf32>
      %gt3A_648 = arith.cmpf ogt, %get3A_637, %select_n3A_623 : vector<16xf32>
      %gt3A_649 = arith.cmpf ogt, %get3A_641, %select_n3A_627 : vector<16xf32>
      %select_n3A_650 = arith.select %gt3A_648, %get3A_637, %select_n3A_623 : vector<16xi1>, vector<16xf32>
      %select_n3A_651 = arith.select %gt3A_646, %select_n3A_630, %select_n3A_650 : vector<16xi1>, vector<16xf32>
      %select_n3A_652 = arith.select %gt3A_648, %broadcast_in_dim3A_643, %select_n3A_625 : vector<16xi1>, vector<16xi32>
      %select_n3A_653 = arith.select %gt3A_646, %select_n3A_631, %select_n3A_652 : vector<16xi1>, vector<16xi32>
      %select_n3A_654 = arith.select %gt3A_649, %get3A_641, %select_n3A_627 : vector<16xi1>, vector<16xf32>
      %select_n3A_655 = arith.select %gt3A_647, %select_n3A_632, %select_n3A_654 : vector<16xi1>, vector<16xf32>
      %select_n3A_656 = arith.select %gt3A_649, %broadcast_in_dim3A_645, %select_n3A_629 : vector<16xi1>, vector<16xi32>
      %select_n3A_657 = arith.select %gt3A_647, %select_n3A_633, %select_n3A_656 : vector<16xi1>, vector<16xi32>
      %select_n3A_658 = arith.select %gt3A_646, %get3A_637, %select_n3A_630 : vector<16xi1>, vector<16xf32>
      %select_n3A_659 = arith.select %gt3A_646, %broadcast_in_dim3A_643, %select_n3A_631 : vector<16xi1>, vector<16xi32>
      %select_n3A_660 = arith.select %gt3A_647, %get3A_641, %select_n3A_632 : vector<16xi1>, vector<16xf32>
      %select_n3A_661 = arith.select %gt3A_647, %broadcast_in_dim3A_645, %select_n3A_633 : vector<16xi1>, vector<16xi32>
      %get3A_662 = arith.constant 44 : i32
      %get3A_663 = arith.index_cast %get3A_662 : i32 to index
      %get3A_664 = arith.index_cast %mul3A_56 : i32 to index
      %get3A_665 = tpu.vector_load %arg4[%get3A_663, %get3A_664] {strides = array<i32>} : memref<64x512xf32, #tpu.memory_space<vmem>>, vector<16xf32>,
      %get3A_666 = arith.constant 45 : i32
      %get3A_667 = arith.index_cast %get3A_666 : i32 to index
      %get3A_668 = arith.index_cast %mul3A_56 : i32 to index
      %get3A_669 = tpu.vector_load %arg4[%get3A_667, %get3A_668] {strides = array<i32>} : memref<64x512xf32, #tpu.memory_space<vmem>>, vector<16xf32>,
      %broadcast_in_dim3A_670 = arith.constant 44 : i32
      %broadcast_in_dim3A_671 = vector.broadcast %broadcast_in_dim3A_670 : i32 to vector<16xi32>
      %broadcast_in_dim3A_672 = arith.constant 45 : i32
      %broadcast_in_dim3A_673 = vector.broadcast %broadcast_in_dim3A_672 : i32 to vector<16xi32>
      %gt3A_674 = arith.cmpf ogt, %get3A_665, %select_n3A_658 : vector<16xf32>
      %gt3A_675 = arith.cmpf ogt, %get3A_669, %select_n3A_660 : vector<16xf32>
      %gt3A_676 = arith.cmpf ogt, %get3A_665, %select_n3A_651 : vector<16xf32>
      %gt3A_677 = arith.cmpf ogt, %get3A_669, %select_n3A_655 : vector<16xf32>
      %select_n3A_678 = arith.select %gt3A_676, %get3A_665, %select_n3A_651 : vector<16xi1>, vector<16xf32>
      %select_n3A_679 = arith.select %gt3A_674, %select_n3A_658, %select_n3A_678 : vector<16xi1>, vector<16xf32>
      %select_n3A_680 = arith.select %gt3A_676, %broadcast_in_dim3A_671, %select_n3A_653 : vector<16xi1>, vector<16xi32>
      %select_n3A_681 = arith.select %gt3A_674, %select_n3A_659, %select_n3A_680 : vector<16xi1>, vector<16xi32>
      %select_n3A_682 = arith.select %gt3A_677, %get3A_669, %select_n3A_655 : vector<16xi1>, vector<16xf32>
      %select_n3A_683 = arith.select %gt3A_675, %select_n3A_660, %select_n3A_682 : vector<16xi1>, vector<16xf32>
      %select_n3A_684 = arith.select %gt3A_677, %broadcast_in_dim3A_673, %select_n3A_657 : vector<16xi1>, vector<16xi32>
      %select_n3A_685 = arith.select %gt3A_675, %select_n3A_661, %select_n3A_684 : vector<16xi1>, vector<16xi32>
      %select_n3A_686 = arith.select %gt3A_674, %get3A_665, %select_n3A_658 : vector<16xi1>, vector<16xf32>
      %select_n3A_687 = arith.select %gt3A_674, %broadcast_in_dim3A_671, %select_n3A_659 : vector<16xi1>, vector<16xi32>
      %select_n3A_688 = arith.select %gt3A_675, %get3A_669, %select_n3A_660 : vector<16xi1>, vector<16xf32>
      %select_n3A_689 = arith.select %gt3A_675, %broadcast_in_dim3A_673, %select_n3A_661 : vector<16xi1>, vector<16xi32>
      %get3A_690 = arith.constant 46 : i32
      %get3A_691 = arith.index_cast %get3A_690 : i32 to index
      %get3A_692 = arith.index_cast %mul3A_56 : i32 to index
      %get3A_693 = tpu.vector_load %arg4[%get3A_691, %get3A_692] {strides = array<i32>} : memref<64x512xf32, #tpu.memory_space<vmem>>, vector<16xf32>,
      %get3A_694 = arith.constant 47 : i32
      %get3A_695 = arith.index_cast %get3A_694 : i32 to index
      %get3A_696 = arith.index_cast %mul3A_56 : i32 to index
      %get3A_697 = tpu.vector_load %arg4[%get3A_695, %get3A_696] {strides = array<i32>} : memref<64x512xf32, #tpu.memory_space<vmem>>, vector<16xf32>,
      %broadcast_in_dim3A_698 = arith.constant 46 : i32
      %broadcast_in_dim3A_699 = vector.broadcast %broadcast_in_dim3A_698 : i32 to vector<16xi32>
      %broadcast_in_dim3A_700 = arith.constant 47 : i32
      %broadcast_in_dim3A_701 = vector.broadcast %broadcast_in_dim3A_700 : i32 to vector<16xi32>
      %gt3A_702 = arith.cmpf ogt, %get3A_693, %select_n3A_686 : vector<16xf32>
      %gt3A_703 = arith.cmpf ogt, %get3A_697, %select_n3A_688 : vector<16xf32>
      %gt3A_704 = arith.cmpf ogt, %get3A_693, %select_n3A_679 : vector<16xf32>
      %gt3A_705 = arith.cmpf ogt, %get3A_697, %select_n3A_683 : vector<16xf32>
      %select_n3A_706 = arith.select %gt3A_704, %get3A_693, %select_n3A_679 : vector<16xi1>, vector<16xf32>
      %select_n3A_707 = arith.select %gt3A_702, %select_n3A_686, %select_n3A_706 : vector<16xi1>, vector<16xf32>
      %select_n3A_708 = arith.select %gt3A_704, %broadcast_in_dim3A_699, %select_n3A_681 : vector<16xi1>, vector<16xi32>
      %select_n3A_709 = arith.select %gt3A_702, %select_n3A_687, %select_n3A_708 : vector<16xi1>, vector<16xi32>
      %select_n3A_710 = arith.select %gt3A_705, %get3A_697, %select_n3A_683 : vector<16xi1>, vector<16xf32>
      %select_n3A_711 = arith.select %gt3A_703, %select_n3A_688, %select_n3A_710 : vector<16xi1>, vector<16xf32>
      %select_n3A_712 = arith.select %gt3A_705, %broadcast_in_dim3A_701, %select_n3A_685 : vector<16xi1>, vector<16xi32>
      %select_n3A_713 = arith.select %gt3A_703, %select_n3A_689, %select_n3A_712 : vector<16xi1>, vector<16xi32>
      %select_n3A_714 = arith.select %gt3A_702, %get3A_693, %select_n3A_686 : vector<16xi1>, vector<16xf32>
      %select_n3A_715 = arith.select %gt3A_702, %broadcast_in_dim3A_699, %select_n3A_687 : vector<16xi1>, vector<16xi32>
      %select_n3A_716 = arith.select %gt3A_703, %get3A_697, %select_n3A_688 : vector<16xi1>, vector<16xf32>
      %select_n3A_717 = arith.select %gt3A_703, %broadcast_in_dim3A_701, %select_n3A_689 : vector<16xi1>, vector<16xi32>
      %get3A_718 = arith.constant 48 : i32
      %get3A_719 = arith.index_cast %get3A_718 : i32 to index
      %get3A_720 = arith.index_cast %mul3A_56 : i32 to index
      %get3A_721 = tpu.vector_load %arg4[%get3A_719, %get3A_720] {strides = array<i32>} : memref<64x512xf32, #tpu.memory_space<vmem>>, vector<16xf32>,
      %get3A_722 = arith.constant 49 : i32
      %get3A_723 = arith.index_cast %get3A_722 : i32 to index
      %get3A_724 = arith.index_cast %mul3A_56 : i32 to index
      %get3A_725 = tpu.vector_load %arg4[%get3A_723, %get3A_724] {strides = array<i32>} : memref<64x512xf32, #tpu.memory_space<vmem>>, vector<16xf32>,
      %broadcast_in_dim3A_726 = arith.constant 48 : i32
      %broadcast_in_dim3A_727 = vector.broadcast %broadcast_in_dim3A_726 : i32 to vector<16xi32>
      %broadcast_in_dim3A_728 = arith.constant 49 : i32
      %broadcast_in_dim3A_729 = vector.broadcast %broadcast_in_dim3A_728 : i32 to vector<16xi32>
      %gt3A_730 = arith.cmpf ogt, %get3A_721, %select_n3A_714 : vector<16xf32>
      %gt3A_731 = arith.cmpf ogt, %get3A_725, %select_n3A_716 : vector<16xf32>
      %gt3A_732 = arith.cmpf ogt, %get3A_721, %select_n3A_707 : vector<16xf32>
      %gt3A_733 = arith.cmpf ogt, %get3A_725, %select_n3A_711 : vector<16xf32>
      %select_n3A_734 = arith.select %gt3A_732, %get3A_721, %select_n3A_707 : vector<16xi1>, vector<16xf32>
      %select_n3A_735 = arith.select %gt3A_730, %select_n3A_714, %select_n3A_734 : vector<16xi1>, vector<16xf32>
      %select_n3A_736 = arith.select %gt3A_732, %broadcast_in_dim3A_727, %select_n3A_709 : vector<16xi1>, vector<16xi32>
      %select_n3A_737 = arith.select %gt3A_730, %select_n3A_715, %select_n3A_736 : vector<16xi1>, vector<16xi32>
      %select_n3A_738 = arith.select %gt3A_733, %get3A_725, %select_n3A_711 : vector<16xi1>, vector<16xf32>
      %select_n3A_739 = arith.select %gt3A_731, %select_n3A_716, %select_n3A_738 : vector<16xi1>, vector<16xf32>
      %select_n3A_740 = arith.select %gt3A_733, %broadcast_in_dim3A_729, %select_n3A_713 : vector<16xi1>, vector<16xi32>
      %select_n3A_741 = arith.select %gt3A_731, %select_n3A_717, %select_n3A_740 : vector<16xi1>, vector<16xi32>
      %select_n3A_742 = arith.select %gt3A_730, %get3A_721, %select_n3A_714 : vector<16xi1>, vector<16xf32>
      %select_n3A_743 = arith.select %gt3A_730, %broadcast_in_dim3A_727, %select_n3A_715 : vector<16xi1>, vector<16xi32>
      %select_n3A_744 = arith.select %gt3A_731, %get3A_725, %select_n3A_716 : vector<16xi1>, vector<16xf32>
      %select_n3A_745 = arith.select %gt3A_731, %broadcast_in_dim3A_729, %select_n3A_717 : vector<16xi1>, vector<16xi32>
      %get3A_746 = arith.constant 50 : i32
      %get3A_747 = arith.index_cast %get3A_746 : i32 to index
      %get3A_748 = arith.index_cast %mul3A_56 : i32 to index
      %get3A_749 = tpu.vector_load %arg4[%get3A_747, %get3A_748] {strides = array<i32>} : memref<64x512xf32, #tpu.memory_space<vmem>>, vector<16xf32>,
      %get3A_750 = arith.constant 51 : i32
      %get3A_751 = arith.index_cast %get3A_750 : i32 to index
      %get3A_752 = arith.index_cast %mul3A_56 : i32 to index
      %get3A_753 = tpu.vector_load %arg4[%get3A_751, %get3A_752] {strides = array<i32>} : memref<64x512xf32, #tpu.memory_space<vmem>>, vector<16xf32>,
      %broadcast_in_dim3A_754 = arith.constant 50 : i32
      %broadcast_in_dim3A_755 = vector.broadcast %broadcast_in_dim3A_754 : i32 to vector<16xi32>
      %broadcast_in_dim3A_756 = arith.constant 51 : i32
      %broadcast_in_dim3A_757 = vector.broadcast %broadcast_in_dim3A_756 : i32 to vector<16xi32>
      %gt3A_758 = arith.cmpf ogt, %get3A_749, %select_n3A_742 : vector<16xf32>
      %gt3A_759 = arith.cmpf ogt, %get3A_753, %select_n3A_744 : vector<16xf32>
      %gt3A_760 = arith.cmpf ogt, %get3A_749, %select_n3A_735 : vector<16xf32>
      %gt3A_761 = arith.cmpf ogt, %get3A_753, %select_n3A_739 : vector<16xf32>
      %select_n3A_762 = arith.select %gt3A_760, %get3A_749, %select_n3A_735 : vector<16xi1>, vector<16xf32>
      %select_n3A_763 = arith.select %gt3A_758, %select_n3A_742, %select_n3A_762 : vector<16xi1>, vector<16xf32>
      %select_n3A_764 = arith.select %gt3A_760, %broadcast_in_dim3A_755, %select_n3A_737 : vector<16xi1>, vector<16xi32>
      %select_n3A_765 = arith.select %gt3A_758, %select_n3A_743, %select_n3A_764 : vector<16xi1>, vector<16xi32>
      %select_n3A_766 = arith.select %gt3A_761, %get3A_753, %select_n3A_739 : vector<16xi1>, vector<16xf32>
      %select_n3A_767 = arith.select %gt3A_759, %select_n3A_744, %select_n3A_766 : vector<16xi1>, vector<16xf32>
      %select_n3A_768 = arith.select %gt3A_761, %broadcast_in_dim3A_757, %select_n3A_741 : vector<16xi1>, vector<16xi32>
      %select_n3A_769 = arith.select %gt3A_759, %select_n3A_745, %select_n3A_768 : vector<16xi1>, vector<16xi32>
      %select_n3A_770 = arith.select %gt3A_758, %get3A_749, %select_n3A_742 : vector<16xi1>, vector<16xf32>
      %select_n3A_771 = arith.select %gt3A_758, %broadcast_in_dim3A_755, %select_n3A_743 : vector<16xi1>, vector<16xi32>
      %select_n3A_772 = arith.select %gt3A_759, %get3A_753, %select_n3A_744 : vector<16xi1>, vector<16xf32>
      %select_n3A_773 = arith.select %gt3A_759, %broadcast_in_dim3A_757, %select_n3A_745 : vector<16xi1>, vector<16xi32>
      %get3A_774 = arith.constant 52 : i32
      %get3A_775 = arith.index_cast %get3A_774 : i32 to index
      %get3A_776 = arith.index_cast %mul3A_56 : i32 to index
      %get3A_777 = tpu.vector_load %arg4[%get3A_775, %get3A_776] {strides = array<i32>} : memref<64x512xf32, #tpu.memory_space<vmem>>, vector<16xf32>,
      %get3A_778 = arith.constant 53 : i32
      %get3A_779 = arith.index_cast %get3A_778 : i32 to index
      %get3A_780 = arith.index_cast %mul3A_56 : i32 to index
      %get3A_781 = tpu.vector_load %arg4[%get3A_779, %get3A_780] {strides = array<i32>} : memref<64x512xf32, #tpu.memory_space<vmem>>, vector<16xf32>,
      %broadcast_in_dim3A_782 = arith.constant 52 : i32
      %broadcast_in_dim3A_783 = vector.broadcast %broadcast_in_dim3A_782 : i32 to vector<16xi32>
      %broadcast_in_dim3A_784 = arith.constant 53 : i32
      %broadcast_in_dim3A_785 = vector.broadcast %broadcast_in_dim3A_784 : i32 to vector<16xi32>
      %gt3A_786 = arith.cmpf ogt, %get3A_777, %select_n3A_770 : vector<16xf32>
      %gt3A_787 = arith.cmpf ogt, %get3A_781, %select_n3A_772 : vector<16xf32>
      %gt3A_788 = arith.cmpf ogt, %get3A_777, %select_n3A_763 : vector<16xf32>
      %gt3A_789 = arith.cmpf ogt, %get3A_781, %select_n3A_767 : vector<16xf32>
      %select_n3A_790 = arith.select %gt3A_788, %get3A_777, %select_n3A_763 : vector<16xi1>, vector<16xf32>
      %select_n3A_791 = arith.select %gt3A_786, %select_n3A_770, %select_n3A_790 : vector<16xi1>, vector<16xf32>
      %select_n3A_792 = arith.select %gt3A_788, %broadcast_in_dim3A_783, %select_n3A_765 : vector<16xi1>, vector<16xi32>
      %select_n3A_793 = arith.select %gt3A_786, %select_n3A_771, %select_n3A_792 : vector<16xi1>, vector<16xi32>
      %select_n3A_794 = arith.select %gt3A_789, %get3A_781, %select_n3A_767 : vector<16xi1>, vector<16xf32>
      %select_n3A_795 = arith.select %gt3A_787, %select_n3A_772, %select_n3A_794 : vector<16xi1>, vector<16xf32>
      %select_n3A_796 = arith.select %gt3A_789, %broadcast_in_dim3A_785, %select_n3A_769 : vector<16xi1>, vector<16xi32>
      %select_n3A_797 = arith.select %gt3A_787, %select_n3A_773, %select_n3A_796 : vector<16xi1>, vector<16xi32>
      %select_n3A_798 = arith.select %gt3A_786, %get3A_777, %select_n3A_770 : vector<16xi1>, vector<16xf32>
      %select_n3A_799 = arith.select %gt3A_786, %broadcast_in_dim3A_783, %select_n3A_771 : vector<16xi1>, vector<16xi32>
      %select_n3A_800 = arith.select %gt3A_787, %get3A_781, %select_n3A_772 : vector<16xi1>, vector<16xf32>
      %select_n3A_801 = arith.select %gt3A_787, %broadcast_in_dim3A_785, %select_n3A_773 : vector<16xi1>, vector<16xi32>
      %get3A_802 = arith.constant 54 : i32
      %get3A_803 = arith.index_cast %get3A_802 : i32 to index
      %get3A_804 = arith.index_cast %mul3A_56 : i32 to index
      %get3A_805 = tpu.vector_load %arg4[%get3A_803, %get3A_804] {strides = array<i32>} : memref<64x512xf32, #tpu.memory_space<vmem>>, vector<16xf32>,
      %get3A_806 = arith.constant 55 : i32
      %get3A_807 = arith.index_cast %get3A_806 : i32 to index
      %get3A_808 = arith.index_cast %mul3A_56 : i32 to index
      %get3A_809 = tpu.vector_load %arg4[%get3A_807, %get3A_808] {strides = array<i32>} : memref<64x512xf32, #tpu.memory_space<vmem>>, vector<16xf32>,
      %broadcast_in_dim3A_810 = arith.constant 54 : i32
      %broadcast_in_dim3A_811 = vector.broadcast %broadcast_in_dim3A_810 : i32 to vector<16xi32>
      %broadcast_in_dim3A_812 = arith.constant 55 : i32
      %broadcast_in_dim3A_813 = vector.broadcast %broadcast_in_dim3A_812 : i32 to vector<16xi32>
      %gt3A_814 = arith.cmpf ogt, %get3A_805, %select_n3A_798 : vector<16xf32>
      %gt3A_815 = arith.cmpf ogt, %get3A_809, %select_n3A_800 : vector<16xf32>
      %gt3A_816 = arith.cmpf ogt, %get3A_805, %select_n3A_791 : vector<16xf32>
      %gt3A_817 = arith.cmpf ogt, %get3A_809, %select_n3A_795 : vector<16xf32>
      %select_n3A_818 = arith.select %gt3A_816, %get3A_805, %select_n3A_791 : vector<16xi1>, vector<16xf32>
      %select_n3A_819 = arith.select %gt3A_814, %select_n3A_798, %select_n3A_818 : vector<16xi1>, vector<16xf32>
      %select_n3A_820 = arith.select %gt3A_816, %broadcast_in_dim3A_811, %select_n3A_793 : vector<16xi1>, vector<16xi32>
      %select_n3A_821 = arith.select %gt3A_814, %select_n3A_799, %select_n3A_820 : vector<16xi1>, vector<16xi32>
      %select_n3A_822 = arith.select %gt3A_817, %get3A_809, %select_n3A_795 : vector<16xi1>, vector<16xf32>
      %select_n3A_823 = arith.select %gt3A_815, %select_n3A_800, %select_n3A_822 : vector<16xi1>, vector<16xf32>
      %select_n3A_824 = arith.select %gt3A_817, %broadcast_in_dim3A_813, %select_n3A_797 : vector<16xi1>, vector<16xi32>
      %select_n3A_825 = arith.select %gt3A_815, %select_n3A_801, %select_n3A_824 : vector<16xi1>, vector<16xi32>
      %select_n3A_826 = arith.select %gt3A_814, %get3A_805, %select_n3A_798 : vector<16xi1>, vector<16xf32>
      %select_n3A_827 = arith.select %gt3A_814, %broadcast_in_dim3A_811, %select_n3A_799 : vector<16xi1>, vector<16xi32>
      %select_n3A_828 = arith.select %gt3A_815, %get3A_809, %select_n3A_800 : vector<16xi1>, vector<16xf32>
      %select_n3A_829 = arith.select %gt3A_815, %broadcast_in_dim3A_813, %select_n3A_801 : vector<16xi1>, vector<16xi32>
      %get3A_830 = arith.constant 56 : i32
      %get3A_831 = arith.index_cast %get3A_830 : i32 to index
      %get3A_832 = arith.index_cast %mul3A_56 : i32 to index
      %get3A_833 = tpu.vector_load %arg4[%get3A_831, %get3A_832] {strides = array<i32>} : memref<64x512xf32, #tpu.memory_space<vmem>>, vector<16xf32>,
      %get3A_834 = arith.constant 57 : i32
      %get3A_835 = arith.index_cast %get3A_834 : i32 to index
      %get3A_836 = arith.index_cast %mul3A_56 : i32 to index
      %get3A_837 = tpu.vector_load %arg4[%get3A_835, %get3A_836] {strides = array<i32>} : memref<64x512xf32, #tpu.memory_space<vmem>>, vector<16xf32>,
      %broadcast_in_dim3A_838 = arith.constant 56 : i32
      %broadcast_in_dim3A_839 = vector.broadcast %broadcast_in_dim3A_838 : i32 to vector<16xi32>
      %broadcast_in_dim3A_840 = arith.constant 57 : i32
      %broadcast_in_dim3A_841 = vector.broadcast %broadcast_in_dim3A_840 : i32 to vector<16xi32>
      %gt3A_842 = arith.cmpf ogt, %get3A_833, %select_n3A_826 : vector<16xf32>
      %gt3A_843 = arith.cmpf ogt, %get3A_837, %select_n3A_828 : vector<16xf32>
      %gt3A_844 = arith.cmpf ogt, %get3A_833, %select_n3A_819 : vector<16xf32>
      %gt3A_845 = arith.cmpf ogt, %get3A_837, %select_n3A_823 : vector<16xf32>
      %select_n3A_846 = arith.select %gt3A_844, %get3A_833, %select_n3A_819 : vector<16xi1>, vector<16xf32>
      %select_n3A_847 = arith.select %gt3A_842, %select_n3A_826, %select_n3A_846 : vector<16xi1>, vector<16xf32>
      %select_n3A_848 = arith.select %gt3A_844, %broadcast_in_dim3A_839, %select_n3A_821 : vector<16xi1>, vector<16xi32>
      %select_n3A_849 = arith.select %gt3A_842, %select_n3A_827, %select_n3A_848 : vector<16xi1>, vector<16xi32>
      %select_n3A_850 = arith.select %gt3A_845, %get3A_837, %select_n3A_823 : vector<16xi1>, vector<16xf32>
      %select_n3A_851 = arith.select %gt3A_843, %select_n3A_828, %select_n3A_850 : vector<16xi1>, vector<16xf32>
      %select_n3A_852 = arith.select %gt3A_845, %broadcast_in_dim3A_841, %select_n3A_825 : vector<16xi1>, vector<16xi32>
      %select_n3A_853 = arith.select %gt3A_843, %select_n3A_829, %select_n3A_852 : vector<16xi1>, vector<16xi32>
      %select_n3A_854 = arith.select %gt3A_842, %get3A_833, %select_n3A_826 : vector<16xi1>, vector<16xf32>
      %select_n3A_855 = arith.select %gt3A_842, %broadcast_in_dim3A_839, %select_n3A_827 : vector<16xi1>, vector<16xi32>
      %select_n3A_856 = arith.select %gt3A_843, %get3A_837, %select_n3A_828 : vector<16xi1>, vector<16xf32>
      %select_n3A_857 = arith.select %gt3A_843, %broadcast_in_dim3A_841, %select_n3A_829 : vector<16xi1>, vector<16xi32>
      %get3A_858 = arith.constant 58 : i32
      %get3A_859 = arith.index_cast %get3A_858 : i32 to index
      %get3A_860 = arith.index_cast %mul3A_56 : i32 to index
      %get3A_861 = tpu.vector_load %arg4[%get3A_859, %get3A_860] {strides = array<i32>} : memref<64x512xf32, #tpu.memory_space<vmem>>, vector<16xf32>,
      %get3A_862 = arith.constant 59 : i32
      %get3A_863 = arith.index_cast %get3A_862 : i32 to index
      %get3A_864 = arith.index_cast %mul3A_56 : i32 to index
      %get3A_865 = tpu.vector_load %arg4[%get3A_863, %get3A_864] {strides = array<i32>} : memref<64x512xf32, #tpu.memory_space<vmem>>, vector<16xf32>,
      %broadcast_in_dim3A_866 = arith.constant 58 : i32
      %broadcast_in_dim3A_867 = vector.broadcast %broadcast_in_dim3A_866 : i32 to vector<16xi32>
      %broadcast_in_dim3A_868 = arith.constant 59 : i32
      %broadcast_in_dim3A_869 = vector.broadcast %broadcast_in_dim3A_868 : i32 to vector<16xi32>
      %gt3A_870 = arith.cmpf ogt, %get3A_861, %select_n3A_854 : vector<16xf32>
      %gt3A_871 = arith.cmpf ogt, %get3A_865, %select_n3A_856 : vector<16xf32>
      %gt3A_872 = arith.cmpf ogt, %get3A_861, %select_n3A_847 : vector<16xf32>
      %gt3A_873 = arith.cmpf ogt, %get3A_865, %select_n3A_851 : vector<16xf32>
      %select_n3A_874 = arith.select %gt3A_872, %get3A_861, %select_n3A_847 : vector<16xi1>, vector<16xf32>
      %select_n3A_875 = arith.select %gt3A_870, %select_n3A_854, %select_n3A_874 : vector<16xi1>, vector<16xf32>
      %select_n3A_876 = arith.select %gt3A_872, %broadcast_in_dim3A_867, %select_n3A_849 : vector<16xi1>, vector<16xi32>
      %select_n3A_877 = arith.select %gt3A_870, %select_n3A_855, %select_n3A_876 : vector<16xi1>, vector<16xi32>
      %select_n3A_878 = arith.select %gt3A_873, %get3A_865, %select_n3A_851 : vector<16xi1>, vector<16xf32>
      %select_n3A_879 = arith.select %gt3A_871, %select_n3A_856, %select_n3A_878 : vector<16xi1>, vector<16xf32>
      %select_n3A_880 = arith.select %gt3A_873, %broadcast_in_dim3A_869, %select_n3A_853 : vector<16xi1>, vector<16xi32>
      %select_n3A_881 = arith.select %gt3A_871, %select_n3A_857, %select_n3A_880 : vector<16xi1>, vector<16xi32>
      %select_n3A_882 = arith.select %gt3A_870, %get3A_861, %select_n3A_854 : vector<16xi1>, vector<16xf32>
      %select_n3A_883 = arith.select %gt3A_870, %broadcast_in_dim3A_867, %select_n3A_855 : vector<16xi1>, vector<16xi32>
      %select_n3A_884 = arith.select %gt3A_871, %get3A_865, %select_n3A_856 : vector<16xi1>, vector<16xf32>
      %select_n3A_885 = arith.select %gt3A_871, %broadcast_in_dim3A_869, %select_n3A_857 : vector<16xi1>, vector<16xi32>
      %get3A_886 = arith.constant 60 : i32
      %get3A_887 = arith.index_cast %get3A_886 : i32 to index
      %get3A_888 = arith.index_cast %mul3A_56 : i32 to index
      %get3A_889 = tpu.vector_load %arg4[%get3A_887, %get3A_888] {strides = array<i32>} : memref<64x512xf32, #tpu.memory_space<vmem>>, vector<16xf32>,
      %get3A_890 = arith.constant 61 : i32
      %get3A_891 = arith.index_cast %get3A_890 : i32 to index
      %get3A_892 = arith.index_cast %mul3A_56 : i32 to index
      %get3A_893 = tpu.vector_load %arg4[%get3A_891, %get3A_892] {strides = array<i32>} : memref<64x512xf32, #tpu.memory_space<vmem>>, vector<16xf32>,
      %broadcast_in_dim3A_894 = arith.constant 60 : i32
      %broadcast_in_dim3A_895 = vector.broadcast %broadcast_in_dim3A_894 : i32 to vector<16xi32>
      %broadcast_in_dim3A_896 = arith.constant 61 : i32
      %broadcast_in_dim3A_897 = vector.broadcast %broadcast_in_dim3A_896 : i32 to vector<16xi32>
      %gt3A_898 = arith.cmpf ogt, %get3A_889, %select_n3A_882 : vector<16xf32>
      %gt3A_899 = arith.cmpf ogt, %get3A_893, %select_n3A_884 : vector<16xf32>
      %gt3A_900 = arith.cmpf ogt, %get3A_889, %select_n3A_875 : vector<16xf32>
      %gt3A_901 = arith.cmpf ogt, %get3A_893, %select_n3A_879 : vector<16xf32>
      %select_n3A_902 = arith.select %gt3A_900, %get3A_889, %select_n3A_875 : vector<16xi1>, vector<16xf32>
      %select_n3A_903 = arith.select %gt3A_898, %select_n3A_882, %select_n3A_902 : vector<16xi1>, vector<16xf32>
      %select_n3A_904 = arith.select %gt3A_900, %broadcast_in_dim3A_895, %select_n3A_877 : vector<16xi1>, vector<16xi32>
      %select_n3A_905 = arith.select %gt3A_898, %select_n3A_883, %select_n3A_904 : vector<16xi1>, vector<16xi32>
      %select_n3A_906 = arith.select %gt3A_901, %get3A_893, %select_n3A_879 : vector<16xi1>, vector<16xf32>
      %select_n3A_907 = arith.select %gt3A_899, %select_n3A_884, %select_n3A_906 : vector<16xi1>, vector<16xf32>
      %select_n3A_908 = arith.select %gt3A_901, %broadcast_in_dim3A_897, %select_n3A_881 : vector<16xi1>, vector<16xi32>
      %select_n3A_909 = arith.select %gt3A_899, %select_n3A_885, %select_n3A_908 : vector<16xi1>, vector<16xi32>
      %select_n3A_910 = arith.select %gt3A_898, %get3A_889, %select_n3A_882 : vector<16xi1>, vector<16xf32>
      %select_n3A_911 = arith.select %gt3A_898, %broadcast_in_dim3A_895, %select_n3A_883 : vector<16xi1>, vector<16xi32>
      %select_n3A_912 = arith.select %gt3A_899, %get3A_893, %select_n3A_884 : vector<16xi1>, vector<16xf32>
      %select_n3A_913 = arith.select %gt3A_899, %broadcast_in_dim3A_897, %select_n3A_885 : vector<16xi1>, vector<16xi32>
      %get3A_914 = arith.constant 62 : i32
      %get3A_915 = arith.index_cast %get3A_914 : i32 to index
      %get3A_916 = arith.index_cast %mul3A_56 : i32 to index
      %get3A_917 = tpu.vector_load %arg4[%get3A_915, %get3A_916] {strides = array<i32>} : memref<64x512xf32, #tpu.memory_space<vmem>>, vector<16xf32>,
      %get3A_918 = arith.constant 63 : i32
      %get3A_919 = arith.index_cast %get3A_918 : i32 to index
      %get3A_920 = arith.index_cast %mul3A_56 : i32 to index
      %get3A_921 = tpu.vector_load %arg4[%get3A_919, %get3A_920] {strides = array<i32>} : memref<64x512xf32, #tpu.memory_space<vmem>>, vector<16xf32>,
      %broadcast_in_dim3A_922 = arith.constant 62 : i32
      %broadcast_in_dim3A_923 = vector.broadcast %broadcast_in_dim3A_922 : i32 to vector<16xi32>
      %broadcast_in_dim3A_924 = arith.constant 63 : i32
      %broadcast_in_dim3A_925 = vector.broadcast %broadcast_in_dim3A_924 : i32 to vector<16xi32>
      %gt3A_926 = arith.cmpf ogt, %get3A_917, %select_n3A_910 : vector<16xf32>
      %gt3A_927 = arith.cmpf ogt, %get3A_921, %select_n3A_912 : vector<16xf32>
      %gt3A_928 = arith.cmpf ogt, %get3A_917, %select_n3A_903 : vector<16xf32>
      %gt3A_929 = arith.cmpf ogt, %get3A_921, %select_n3A_907 : vector<16xf32>
      %select_n3A_930 = arith.select %gt3A_928, %get3A_917, %select_n3A_903 : vector<16xi1>, vector<16xf32>
      %select_n3A_931 = arith.select %gt3A_926, %select_n3A_910, %select_n3A_930 : vector<16xi1>, vector<16xf32>
      %select_n3A_932 = arith.select %gt3A_928, %broadcast_in_dim3A_923, %select_n3A_905 : vector<16xi1>, vector<16xi32>
      %select_n3A_933 = arith.select %gt3A_926, %select_n3A_911, %select_n3A_932 : vector<16xi1>, vector<16xi32>
      %select_n3A_934 = arith.select %gt3A_929, %get3A_921, %select_n3A_907 : vector<16xi1>, vector<16xf32>
      %select_n3A_935 = arith.select %gt3A_927, %select_n3A_912, %select_n3A_934 : vector<16xi1>, vector<16xf32>
      %select_n3A_936 = arith.select %gt3A_929, %broadcast_in_dim3A_925, %select_n3A_909 : vector<16xi1>, vector<16xi32>
      %select_n3A_937 = arith.select %gt3A_927, %select_n3A_913, %select_n3A_936 : vector<16xi1>, vector<16xi32>
      %select_n3A_938 = arith.select %gt3A_926, %get3A_917, %select_n3A_910 : vector<16xi1>, vector<16xf32>
      %select_n3A_939 = arith.select %gt3A_926, %broadcast_in_dim3A_923, %select_n3A_911 : vector<16xi1>, vector<16xi32>
      %select_n3A_940 = arith.select %gt3A_927, %get3A_921, %select_n3A_912 : vector<16xi1>, vector<16xf32>
      %select_n3A_941 = arith.select %gt3A_927, %broadcast_in_dim3A_925, %select_n3A_913 : vector<16xi1>, vector<16xi32>
      %gt3A_942 = arith.cmpf ogt, %select_n3A_940, %select_n3A_938 : vector<16xf32>
      %eq3A = arith.cmpf oeq, %select_n3A_940, %select_n3A_938 : vector<16xf32>
      %lt3A = arith.cmpi slt, %select_n3A_941, %select_n3A_939 : vector<16xi32>
      %and3A = arith.andi %eq3A, %lt3A : vector<16xi1>
      %or3A = arith.ori %gt3A_942, %and3A : vector<16xi1>
      %select_n3A_943 = arith.select %or3A, %select_n3A_940, %select_n3A_938 : vector<16xi1>, vector<16xf32>
      %select_n3A_944 = arith.select %or3A, %select_n3A_941, %select_n3A_939 : vector<16xi1>, vector<16xi32>
      %select_n3A_945 = arith.select %or3A, %select_n3A_938, %select_n3A_940 : vector<16xi1>, vector<16xf32>
      %select_n3A_946 = arith.select %or3A, %select_n3A_939, %select_n3A_941 : vector<16xi1>, vector<16xi32>
      %gt3A_947 = arith.cmpf ogt, %select_n3A_931, %select_n3A_945 : vector<16xf32>
      %eq3A_948 = arith.cmpf oeq, %select_n3A_931, %select_n3A_945 : vector<16xf32>
      %lt3A_949 = arith.cmpi slt, %select_n3A_933, %select_n3A_946 : vector<16xi32>
      %and3A_950 = arith.andi %eq3A_948, %lt3A_949 : vector<16xi1>
      %or3A_951 = arith.ori %gt3A_947, %and3A_950 : vector<16xi1>
      %select_n3A_952 = arith.select %or3A_951, %select_n3A_931, %select_n3A_945 : vector<16xi1>, vector<16xf32>
      %select_n3A_953 = arith.select %or3A_951, %select_n3A_933, %select_n3A_946 : vector<16xi1>, vector<16xi32>
      %gt3A_954 = arith.cmpf ogt, %select_n3A_935, %select_n3A_952 : vector<16xf32>
      %eq3A_955 = arith.cmpf oeq, %select_n3A_935, %select_n3A_952 : vector<16xf32>
      %lt3A_956 = arith.cmpi slt, %select_n3A_937, %select_n3A_953 : vector<16xi32>
      %and3A_957 = arith.andi %eq3A_955, %lt3A_956 : vector<16xi1>
      %or3A_958 = arith.ori %gt3A_954, %and3A_957 : vector<16xi1>
      %select_n3A_959 = arith.select %or3A_958, %select_n3A_935, %select_n3A_952 : vector<16xi1>, vector<16xf32>
      %select_n3A_960 = arith.select %or3A_958, %select_n3A_937, %select_n3A_953 : vector<16xi1>, vector<16xi32>
      %sub3A = arith.subf %select_n3A_959, %select_n3A_943 : vector<16xf32>
      %exp3A = math.exp %sub3A : vector<16xf32>
      %add3A_961 = arith.constant 1.000000e+00 : f32
      %add3A_962 = vector.broadcast %add3A_961 : f32 to vector<16xf32>
      %add3A_963 = arith.addf %add3A_962, %exp3A : vector<16xf32>
      %div3A = arith.divf %exp3A, %add3A_963 : vector<16xf32>
      %sub3A_964 = arith.constant 1.000000e+00 : f32
      %sub3A_965 = vector.broadcast %sub3A_964 : f32 to vector<16xf32>
      %sub3A_966 = arith.subf %sub3A_965, %div3A : vector<16xf32>
      %mul3A_967 = arith.constant 16 : i32
      %mul3A_968 = arith.muli %scan3A_53, %mul3A_967 : i32
      %add3A_969 = vector.broadcast %mul3A_968 : i32 to vector<16xi32>
      %add3A_970 = arith.addi %iota3A, %add3A_969 : vector<16xi32>
      tpu.vector_store_idx %arg5[%add3A_970, %select_n3A_944], %sub3A_966 : memref<512x64xf32, #tpu.memory_space<vmem>>[vector<16xi32>, vector<16xi32>], vector<16xf32>,
      tpu.vector_store_idx %arg5[%add3A_970, %select_n3A_960], %div3A : memref<512x64xf32, #tpu.memory_space<vmem>>[vector<16xi32>, vector<16xi32>], vector<16xf32>,
      %mul3A_971 = arith.constant 2 : i32
      %mul3A_972 = arith.muli %mul3A_971, %scan3A_53 : i32
      %swap3A = arith.index_cast %mul3A_972 : i32 to index
      %swap3A_973 = arith.constant 0 : index
      %swap3A_974 = tpu.vector_load %arg6[%swap3A, %swap3A_973] {strides = array<i32>} : memref<64x16xi32, #tpu.memory_space<vmem>>, vector<16xi32>,
      tpu.vector_store %arg6[%swap3A, %swap3A_973], %select_n3A_944 {strides = array<i32>} : memref<64x16xi32, #tpu.memory_space<vmem>>, vector<16xi32>,
      %mul3A_975 = arith.constant 2 : i32
      %mul3A_976 = arith.muli %mul3A_975, %scan3A_53 : i32
      %add3A_977 = arith.constant 1 : i32
      %add3A_978 = arith.addi %mul3A_976, %add3A_977 : i32
      %swap3A_979 = arith.index_cast %add3A_978 : i32 to index
      %swap3A_980 = arith.constant 0 : index
      %swap3A_981 = tpu.vector_load %arg6[%swap3A_979, %swap3A_980] {strides = array<i32>} : memref<64x16xi32, #tpu.memory_space<vmem>>, vector<16xi32>,
      tpu.vector_store %arg6[%swap3A_979, %swap3A_980], %select_n3A_960 {strides = array<i32>} : memref<64x16xi32, #tpu.memory_space<vmem>>, vector<16xi32>,
      %scan3A_982 = arith.constant 0 : i32
      scf.yield %scan3A_982 : i32
    }
    %scan3A_30 = arith.constant 32 : i32
    %mul3A_31 = arith.constant 1024 : i32
    %mul3A_32 = arith.muli %add3A, %mul3A_31 : i32
    %add3A_33 = arith.constant 0 : i32
    %add3A_34 = arith.addi %mul3A_32, %add3A_33 : i32
    "tpu.region"() ({
      %run_scoped3A_53 = tpu.sem_alloc : memref<!tpu.dma_semaphore, #tpu.memory_space<semaphore_mem>>
      %dma_start3A_54 = arith.constant 0 : i32
      %dma_start3A_55 = tpu.memref_slice %arg3[%add3A_34, %dma_start3A_54] : memref<32768x64xf32, #tpu.memory_space<hbm>> -> memref<512x64xf32, #tpu.memory_space<hbm>>
      %dma_start3A_56 = arith.constant 0 : i32
      %dma_start3A_57 = tpu.memref_slice %arg3[%add3A_34, %dma_start3A_56] : memref<32768x64xf32, #tpu.memory_space<hbm>> -> memref<512x64xf32, #tpu.memory_space<hbm>>
      tpu.enqueue_dma source(%arg5 : memref<512x64xf32, #tpu.memory_space<vmem>>) target(%dma_start3A_57 : memref<512x64xf32, #tpu.memory_space<hbm>>) target_semaphore(%run_scoped3A_53 : memref<!tpu.dma_semaphore, #tpu.memory_space<semaphore_mem>>)
      %dma_wait3A_58 = arith.constant 0 : i32
      %dma_wait3A_59 = tpu.memref_slice %arg3[%add3A_34, %dma_wait3A_58] : memref<32768x64xf32, #tpu.memory_space<hbm>> -> memref<512x64xf32, #tpu.memory_space<hbm>>
      %dma_wait3A_60 = arith.constant 0 : i32
      %dma_wait3A_61 = tpu.memref_slice %arg3[%add3A_34, %dma_wait3A_60] : memref<32768x64xf32, #tpu.memory_space<hbm>> -> memref<512x64xf32, #tpu.memory_space<hbm>>
      tpu.wait_dma2 semaphore(%run_scoped3A_53 : memref<!tpu.dma_semaphore, #tpu.memory_space<semaphore_mem>>) src(%arg5 : memref<512x64xf32, #tpu.memory_space<vmem>>) dst(%dma_wait3A_61 : memref<512x64xf32, #tpu.memory_space<hbm>>)
      tpu.yield
    }) : () -> ()
    %run_scoped3A = arith.constant 1 : i32
    "tpu.region"() ({
      %run_scoped3A_53 = tpu.sem_alloc : memref<!tpu.dma_semaphore, #tpu.memory_space<semaphore_mem>>
      %dma_start3A_54 = arith.constant 0 : i32
      %dma_start3A_55 = arith.constant 0 : i32
      %dma_start3A_56 = tpu.memref_slice %arg2[%add3A, %run_scoped3A, %dma_start3A_54, %dma_start3A_55] : memref<32x2x64x512xf32, #tpu.memory_space<hbm>> -> memref<1x1x64x512xf32, #tpu.memory_space<hbm>>
      %dma_start3A_57 = tpu.memref_squeeze %dma_start3A_56 : memref<1x1x64x512xf32, #tpu.memory_space<hbm>> -> memref<64x512xf32, #tpu.memory_space<hbm>>
      %dma_start3A_58 = arith.constant 0 : i32
      %dma_start3A_59 = arith.constant 0 : i32
      %dma_start3A_60 = tpu.memref_slice %arg2[%add3A, %run_scoped3A, %dma_start3A_58, %dma_start3A_59] : memref<32x2x64x512xf32, #tpu.memory_space<hbm>> -> memref<1x1x64x512xf32, #tpu.memory_space<hbm>>
      %dma_start3A_61 = tpu.memref_squeeze %dma_start3A_60 : memref<1x1x64x512xf32, #tpu.memory_space<hbm>> -> memref<64x512xf32, #tpu.memory_space<hbm>>
      tpu.enqueue_dma source(%dma_start3A_61 : memref<64x512xf32, #tpu.memory_space<hbm>>) target(%arg4 : memref<64x512xf32, #tpu.memory_space<vmem>>) target_semaphore(%run_scoped3A_53 : memref<!tpu.dma_semaphore, #tpu.memory_space<semaphore_mem>>)
      %dma_wait3A_62 = arith.constant 0 : i32
      %dma_wait3A_63 = arith.constant 0 : i32
      %dma_wait3A_64 = tpu.memref_slice %arg2[%add3A, %run_scoped3A, %dma_wait3A_62, %dma_wait3A_63] : memref<32x2x64x512xf32, #tpu.memory_space<hbm>> -> memref<1x1x64x512xf32, #tpu.memory_space<hbm>>
      %dma_wait3A_65 = tpu.memref_squeeze %dma_wait3A_64 : memref<1x1x64x512xf32, #tpu.memory_space<hbm>> -> memref<64x512xf32, #tpu.memory_space<hbm>>
      %dma_wait3A_66 = arith.constant 0 : i32
      %dma_wait3A_67 = arith.constant 0 : i32
      %dma_wait3A_68 = tpu.memref_slice %arg2[%add3A, %run_scoped3A, %dma_wait3A_66, %dma_wait3A_67] : memref<32x2x64x512xf32, #tpu.memory_space<hbm>> -> memref<1x1x64x512xf32, #tpu.memory_space<hbm>>
      %dma_wait3A_69 = tpu.memref_squeeze %dma_wait3A_68 : memref<1x1x64x512xf32, #tpu.memory_space<hbm>> -> memref<64x512xf32, #tpu.memory_space<hbm>>
      tpu.wait_dma2 semaphore(%run_scoped3A_53 : memref<!tpu.dma_semaphore, #tpu.memory_space<semaphore_mem>>) src(%dma_wait3A_69 : memref<64x512xf32, #tpu.memory_space<hbm>>) dst(%arg4 : memref<64x512xf32, #tpu.memory_space<vmem>>)
      tpu.yield
    }) : () -> ()
    %scan3A_35 = arith.constant 0 : i32
    %scan3A_36 = arith.constant 0 : i32
    %scan3A_37 = arith.constant 32 : i32
    %scan3A_38 = arith.addi %scan3A_36, %scan3A_37 : i32
    %scan3A_39 = arith.constant 1 : i32
    %scan3A_40 = scf.for %scan3A_53 = %scan3A_36 to %scan3A_38 step %scan3A_39 iter_args(%scan3A_54 = %scan3A_35) -> (i32)  : i32 {
      %mul3A_55 = arith.constant 16 : i32
      %mul3A_56 = arith.muli %scan3A_53, %mul3A_55 : i32
      %add3A_57 = vector.broadcast %mul3A_56 : i32 to vector<16xi32>
      %add3A_58 = arith.addi %iota3A, %add3A_57 : vector<16xi32>
      %mul3A_59 = arith.constant 2 : i32
      %mul3A_60 = arith.muli %mul3A_59, %scan3A_53 : i32
      %get3A = arith.index_cast %mul3A_60 : i32 to index
      %get3A_61 = arith.constant 0 : index
      %get3A_62 = tpu.vector_load %arg6[%get3A, %get3A_61] {strides = array<i32>} : memref<64x16xi32, #tpu.memory_space<vmem>>, vector<16xi32>,
      tpu.vector_store_idx %arg5[%add3A_58, %get3A_62], %broadcast_in_dim3A_1 : memref<512x64xf32, #tpu.memory_space<vmem>>[vector<16xi32>, vector<16xi32>], vector<16xf32>,
      %mul3A_63 = arith.constant 2 : i32
      %mul3A_64 = arith.muli %mul3A_63, %scan3A_53 : i32
      %add3A_65 = arith.constant 1 : i32
      %add3A_66 = arith.addi %mul3A_64, %add3A_65 : i32
      %get3A_67 = arith.index_cast %add3A_66 : i32 to index
      %get3A_68 = arith.constant 0 : index
      %get3A_69 = tpu.vector_load %arg6[%get3A_67, %get3A_68] {strides = array<i32>} : memref<64x16xi32, #tpu.memory_space<vmem>>, vector<16xi32>,
      tpu.vector_store_idx %arg5[%add3A_58, %get3A_69], %broadcast_in_dim3A_1 : memref<512x64xf32, #tpu.memory_space<vmem>>[vector<16xi32>, vector<16xi32>], vector<16xf32>,
      %scan3A_70 = arith.constant 0 : i32
      scf.yield %scan3A_70 : i32
    }
    %scan3A_41 = arith.constant 32 : i32
    %scan3A_42 = arith.constant 0 : i32
    %scan3A_43 = arith.constant 0 : i32
    %scan3A_44 = arith.constant 32 : i32
    %scan3A_45 = arith.addi %scan3A_43, %scan3A_44 : i32
    %scan3A_46 = arith.constant 1 : i32
    %scan3A_47 = scf.for %scan3A_53 = %scan3A_43 to %scan3A_45 step %scan3A_46 iter_args(%scan3A_54 = %scan3A_42) -> (i32)  : i32 {
      %mul3A_55 = arith.constant 16 : i32
      %mul3A_56 = arith.muli %scan3A_53, %mul3A_55 : i32
      %get3A = arith.constant 0 : i32
      %get3A_57 = arith.index_cast %get3A : i32 to index
      %get3A_58 = arith.index_cast %mul3A_56 : i32 to index
      %get3A_59 = tpu.vector_load %arg4[%get3A_57, %get3A_58] {strides = array<i32>} : memref<64x512xf32, #tpu.memory_space<vmem>>, vector<16xf32>,
      %get3A_60 = arith.constant 1 : i32
      %get3A_61 = arith.index_cast %get3A_60 : i32 to index
      %get3A_62 = arith.index_cast %mul3A_56 : i32 to index
      %get3A_63 = tpu.vector_load %arg4[%get3A_61, %get3A_62] {strides = array<i32>} : memref<64x512xf32, #tpu.memory_space<vmem>>, vector<16xf32>,
      %broadcast_in_dim3A_64 = arith.constant 0 : i32
      %broadcast_in_dim3A_65 = vector.broadcast %broadcast_in_dim3A_64 : i32 to vector<16xi32>
      %broadcast_in_dim3A_66 = arith.constant 1 : i32
      %broadcast_in_dim3A_67 = vector.broadcast %broadcast_in_dim3A_66 : i32 to vector<16xi32>
      %broadcast_in_dim3A_68 = arith.constant 0xFF800000 : f32
      %broadcast_in_dim3A_69 = vector.broadcast %broadcast_in_dim3A_68 : f32 to vector<16xf32>
      %broadcast_in_dim3A_70 = arith.constant 0xFF800000 : f32
      %broadcast_in_dim3A_71 = vector.broadcast %broadcast_in_dim3A_70 : f32 to vector<16xf32>
      %broadcast_in_dim3A_72 = arith.constant 0 : i32
      %broadcast_in_dim3A_73 = vector.broadcast %broadcast_in_dim3A_72 : i32 to vector<16xi32>
      %broadcast_in_dim3A_74 = arith.constant 0 : i32
      %broadcast_in_dim3A_75 = vector.broadcast %broadcast_in_dim3A_74 : i32 to vector<16xi32>
      %get3A_76 = arith.constant 2 : i32
      %get3A_77 = arith.index_cast %get3A_76 : i32 to index
      %get3A_78 = arith.index_cast %mul3A_56 : i32 to index
      %get3A_79 = tpu.vector_load %arg4[%get3A_77, %get3A_78] {strides = array<i32>} : memref<64x512xf32, #tpu.memory_space<vmem>>, vector<16xf32>,
      %get3A_80 = arith.constant 3 : i32
      %get3A_81 = arith.index_cast %get3A_80 : i32 to index
      %get3A_82 = arith.index_cast %mul3A_56 : i32 to index
      %get3A_83 = tpu.vector_load %arg4[%get3A_81, %get3A_82] {strides = array<i32>} : memref<64x512xf32, #tpu.memory_space<vmem>>, vector<16xf32>,
      %broadcast_in_dim3A_84 = arith.constant 2 : i32
      %broadcast_in_dim3A_85 = vector.broadcast %broadcast_in_dim3A_84 : i32 to vector<16xi32>
      %broadcast_in_dim3A_86 = arith.constant 3 : i32
      %broadcast_in_dim3A_87 = vector.broadcast %broadcast_in_dim3A_86 : i32 to vector<16xi32>
      %gt3A = arith.cmpf ogt, %get3A_79, %get3A_59 : vector<16xf32>
      %gt3A_88 = arith.cmpf ogt, %get3A_83, %get3A_63 : vector<16xf32>
      %gt3A_89 = arith.cmpf ogt, %get3A_79, %broadcast_in_dim3A_69 : vector<16xf32>
      %gt3A_90 = arith.cmpf ogt, %get3A_83, %broadcast_in_dim3A_71 : vector<16xf32>
      %select_n3A = arith.select %gt3A_89, %get3A_79, %broadcast_in_dim3A_69 : vector<16xi1>, vector<16xf32>
      %select_n3A_91 = arith.select %gt3A, %get3A_59, %select_n3A : vector<16xi1>, vector<16xf32>
      %select_n3A_92 = arith.select %gt3A_89, %broadcast_in_dim3A_85, %broadcast_in_dim3A_73 : vector<16xi1>, vector<16xi32>
      %select_n3A_93 = arith.select %gt3A, %broadcast_in_dim3A_65, %select_n3A_92 : vector<16xi1>, vector<16xi32>
      %select_n3A_94 = arith.select %gt3A_90, %get3A_83, %broadcast_in_dim3A_71 : vector<16xi1>, vector<16xf32>
      %select_n3A_95 = arith.select %gt3A_88, %get3A_63, %select_n3A_94 : vector<16xi1>, vector<16xf32>
      %select_n3A_96 = arith.select %gt3A_90, %broadcast_in_dim3A_87, %broadcast_in_dim3A_75 : vector<16xi1>, vector<16xi32>
      %select_n3A_97 = arith.select %gt3A_88, %broadcast_in_dim3A_67, %select_n3A_96 : vector<16xi1>, vector<16xi32>
      %select_n3A_98 = arith.select %gt3A, %get3A_79, %get3A_59 : vector<16xi1>, vector<16xf32>
      %select_n3A_99 = arith.select %gt3A, %broadcast_in_dim3A_85, %broadcast_in_dim3A_65 : vector<16xi1>, vector<16xi32>
      %select_n3A_100 = arith.select %gt3A_88, %get3A_83, %get3A_63 : vector<16xi1>, vector<16xf32>
      %select_n3A_101 = arith.select %gt3A_88, %broadcast_in_dim3A_87, %broadcast_in_dim3A_67 : vector<16xi1>, vector<16xi32>
      %get3A_102 = arith.constant 4 : i32
      %get3A_103 = arith.index_cast %get3A_102 : i32 to index
      %get3A_104 = arith.index_cast %mul3A_56 : i32 to index
      %get3A_105 = tpu.vector_load %arg4[%get3A_103, %get3A_104] {strides = array<i32>} : memref<64x512xf32, #tpu.memory_space<vmem>>, vector<16xf32>,
      %get3A_106 = arith.constant 5 : i32
      %get3A_107 = arith.index_cast %get3A_106 : i32 to index
      %get3A_108 = arith.index_cast %mul3A_56 : i32 to index
      %get3A_109 = tpu.vector_load %arg4[%get3A_107, %get3A_108] {strides = array<i32>} : memref<64x512xf32, #tpu.memory_space<vmem>>, vector<16xf32>,
      %broadcast_in_dim3A_110 = arith.constant 4 : i32
      %broadcast_in_dim3A_111 = vector.broadcast %broadcast_in_dim3A_110 : i32 to vector<16xi32>
      %broadcast_in_dim3A_112 = arith.constant 5 : i32
      %broadcast_in_dim3A_113 = vector.broadcast %broadcast_in_dim3A_112 : i32 to vector<16xi32>
      %gt3A_114 = arith.cmpf ogt, %get3A_105, %select_n3A_98 : vector<16xf32>
      %gt3A_115 = arith.cmpf ogt, %get3A_109, %select_n3A_100 : vector<16xf32>
      %gt3A_116 = arith.cmpf ogt, %get3A_105, %select_n3A_91 : vector<16xf32>
      %gt3A_117 = arith.cmpf ogt, %get3A_109, %select_n3A_95 : vector<16xf32>
      %select_n3A_118 = arith.select %gt3A_116, %get3A_105, %select_n3A_91 : vector<16xi1>, vector<16xf32>
      %select_n3A_119 = arith.select %gt3A_114, %select_n3A_98, %select_n3A_118 : vector<16xi1>, vector<16xf32>
      %select_n3A_120 = arith.select %gt3A_116, %broadcast_in_dim3A_111, %select_n3A_93 : vector<16xi1>, vector<16xi32>
      %select_n3A_121 = arith.select %gt3A_114, %select_n3A_99, %select_n3A_120 : vector<16xi1>, vector<16xi32>
      %select_n3A_122 = arith.select %gt3A_117, %get3A_109, %select_n3A_95 : vector<16xi1>, vector<16xf32>
      %select_n3A_123 = arith.select %gt3A_115, %select_n3A_100, %select_n3A_122 : vector<16xi1>, vector<16xf32>
      %select_n3A_124 = arith.select %gt3A_117, %broadcast_in_dim3A_113, %select_n3A_97 : vector<16xi1>, vector<16xi32>
      %select_n3A_125 = arith.select %gt3A_115, %select_n3A_101, %select_n3A_124 : vector<16xi1>, vector<16xi32>
      %select_n3A_126 = arith.select %gt3A_114, %get3A_105, %select_n3A_98 : vector<16xi1>, vector<16xf32>
      %select_n3A_127 = arith.select %gt3A_114, %broadcast_in_dim3A_111, %select_n3A_99 : vector<16xi1>, vector<16xi32>
      %select_n3A_128 = arith.select %gt3A_115, %get3A_109, %select_n3A_100 : vector<16xi1>, vector<16xf32>
      %select_n3A_129 = arith.select %gt3A_115, %broadcast_in_dim3A_113, %select_n3A_101 : vector<16xi1>, vector<16xi32>
      %get3A_130 = arith.constant 6 : i32
      %get3A_131 = arith.index_cast %get3A_130 : i32 to index
      %get3A_132 = arith.index_cast %mul3A_56 : i32 to index
      %get3A_133 = tpu.vector_load %arg4[%get3A_131, %get3A_132] {strides = array<i32>} : memref<64x512xf32, #tpu.memory_space<vmem>>, vector<16xf32>,
      %get3A_134 = arith.constant 7 : i32
      %get3A_135 = arith.index_cast %get3A_134 : i32 to index
      %get3A_136 = arith.index_cast %mul3A_56 : i32 to index
      %get3A_137 = tpu.vector_load %arg4[%get3A_135, %get3A_136] {strides = array<i32>} : memref<64x512xf32, #tpu.memory_space<vmem>>, vector<16xf32>,
      %broadcast_in_dim3A_138 = arith.constant 6 : i32
      %broadcast_in_dim3A_139 = vector.broadcast %broadcast_in_dim3A_138 : i32 to vector<16xi32>
      %broadcast_in_dim3A_140 = arith.constant 7 : i32
      %broadcast_in_dim3A_141 = vector.broadcast %broadcast_in_dim3A_140 : i32 to vector<16xi32>
      %gt3A_142 = arith.cmpf ogt, %get3A_133, %select_n3A_126 : vector<16xf32>
      %gt3A_143 = arith.cmpf ogt, %get3A_137, %select_n3A_128 : vector<16xf32>
      %gt3A_144 = arith.cmpf ogt, %get3A_133, %select_n3A_119 : vector<16xf32>
      %gt3A_145 = arith.cmpf ogt, %get3A_137, %select_n3A_123 : vector<16xf32>
      %select_n3A_146 = arith.select %gt3A_144, %get3A_133, %select_n3A_119 : vector<16xi1>, vector<16xf32>
      %select_n3A_147 = arith.select %gt3A_142, %select_n3A_126, %select_n3A_146 : vector<16xi1>, vector<16xf32>
      %select_n3A_148 = arith.select %gt3A_144, %broadcast_in_dim3A_139, %select_n3A_121 : vector<16xi1>, vector<16xi32>
      %select_n3A_149 = arith.select %gt3A_142, %select_n3A_127, %select_n3A_148 : vector<16xi1>, vector<16xi32>
      %select_n3A_150 = arith.select %gt3A_145, %get3A_137, %select_n3A_123 : vector<16xi1>, vector<16xf32>
      %select_n3A_151 = arith.select %gt3A_143, %select_n3A_128, %select_n3A_150 : vector<16xi1>, vector<16xf32>
      %select_n3A_152 = arith.select %gt3A_145, %broadcast_in_dim3A_141, %select_n3A_125 : vector<16xi1>, vector<16xi32>
      %select_n3A_153 = arith.select %gt3A_143, %select_n3A_129, %select_n3A_152 : vector<16xi1>, vector<16xi32>
      %select_n3A_154 = arith.select %gt3A_142, %get3A_133, %select_n3A_126 : vector<16xi1>, vector<16xf32>
      %select_n3A_155 = arith.select %gt3A_142, %broadcast_in_dim3A_139, %select_n3A_127 : vector<16xi1>, vector<16xi32>
      %select_n3A_156 = arith.select %gt3A_143, %get3A_137, %select_n3A_128 : vector<16xi1>, vector<16xf32>
      %select_n3A_157 = arith.select %gt3A_143, %broadcast_in_dim3A_141, %select_n3A_129 : vector<16xi1>, vector<16xi32>
      %get3A_158 = arith.constant 8 : i32
      %get3A_159 = arith.index_cast %get3A_158 : i32 to index
      %get3A_160 = arith.index_cast %mul3A_56 : i32 to index
      %get3A_161 = tpu.vector_load %arg4[%get3A_159, %get3A_160] {strides = array<i32>} : memref<64x512xf32, #tpu.memory_space<vmem>>, vector<16xf32>,
      %get3A_162 = arith.constant 9 : i32
      %get3A_163 = arith.index_cast %get3A_162 : i32 to index
      %get3A_164 = arith.index_cast %mul3A_56 : i32 to index
      %get3A_165 = tpu.vector_load %arg4[%get3A_163, %get3A_164] {strides = array<i32>} : memref<64x512xf32, #tpu.memory_space<vmem>>, vector<16xf32>,
      %broadcast_in_dim3A_166 = arith.constant 8 : i32
      %broadcast_in_dim3A_167 = vector.broadcast %broadcast_in_dim3A_166 : i32 to vector<16xi32>
      %broadcast_in_dim3A_168 = arith.constant 9 : i32
      %broadcast_in_dim3A_169 = vector.broadcast %broadcast_in_dim3A_168 : i32 to vector<16xi32>
      %gt3A_170 = arith.cmpf ogt, %get3A_161, %select_n3A_154 : vector<16xf32>
      %gt3A_171 = arith.cmpf ogt, %get3A_165, %select_n3A_156 : vector<16xf32>
      %gt3A_172 = arith.cmpf ogt, %get3A_161, %select_n3A_147 : vector<16xf32>
      %gt3A_173 = arith.cmpf ogt, %get3A_165, %select_n3A_151 : vector<16xf32>
      %select_n3A_174 = arith.select %gt3A_172, %get3A_161, %select_n3A_147 : vector<16xi1>, vector<16xf32>
      %select_n3A_175 = arith.select %gt3A_170, %select_n3A_154, %select_n3A_174 : vector<16xi1>, vector<16xf32>
      %select_n3A_176 = arith.select %gt3A_172, %broadcast_in_dim3A_167, %select_n3A_149 : vector<16xi1>, vector<16xi32>
      %select_n3A_177 = arith.select %gt3A_170, %select_n3A_155, %select_n3A_176 : vector<16xi1>, vector<16xi32>
      %select_n3A_178 = arith.select %gt3A_173, %get3A_165, %select_n3A_151 : vector<16xi1>, vector<16xf32>
      %select_n3A_179 = arith.select %gt3A_171, %select_n3A_156, %select_n3A_178 : vector<16xi1>, vector<16xf32>
      %select_n3A_180 = arith.select %gt3A_173, %broadcast_in_dim3A_169, %select_n3A_153 : vector<16xi1>, vector<16xi32>
      %select_n3A_181 = arith.select %gt3A_171, %select_n3A_157, %select_n3A_180 : vector<16xi1>, vector<16xi32>
      %select_n3A_182 = arith.select %gt3A_170, %get3A_161, %select_n3A_154 : vector<16xi1>, vector<16xf32>
      %select_n3A_183 = arith.select %gt3A_170, %broadcast_in_dim3A_167, %select_n3A_155 : vector<16xi1>, vector<16xi32>
      %select_n3A_184 = arith.select %gt3A_171, %get3A_165, %select_n3A_156 : vector<16xi1>, vector<16xf32>
      %select_n3A_185 = arith.select %gt3A_171, %broadcast_in_dim3A_169, %select_n3A_157 : vector<16xi1>, vector<16xi32>
      %get3A_186 = arith.constant 10 : i32
      %get3A_187 = arith.index_cast %get3A_186 : i32 to index
      %get3A_188 = arith.index_cast %mul3A_56 : i32 to index
      %get3A_189 = tpu.vector_load %arg4[%get3A_187, %get3A_188] {strides = array<i32>} : memref<64x512xf32, #tpu.memory_space<vmem>>, vector<16xf32>,
      %get3A_190 = arith.constant 11 : i32
      %get3A_191 = arith.index_cast %get3A_190 : i32 to index
      %get3A_192 = arith.index_cast %mul3A_56 : i32 to index
      %get3A_193 = tpu.vector_load %arg4[%get3A_191, %get3A_192] {strides = array<i32>} : memref<64x512xf32, #tpu.memory_space<vmem>>, vector<16xf32>,
      %broadcast_in_dim3A_194 = arith.constant 10 : i32
      %broadcast_in_dim3A_195 = vector.broadcast %broadcast_in_dim3A_194 : i32 to vector<16xi32>
      %broadcast_in_dim3A_196 = arith.constant 11 : i32
      %broadcast_in_dim3A_197 = vector.broadcast %broadcast_in_dim3A_196 : i32 to vector<16xi32>
      %gt3A_198 = arith.cmpf ogt, %get3A_189, %select_n3A_182 : vector<16xf32>
      %gt3A_199 = arith.cmpf ogt, %get3A_193, %select_n3A_184 : vector<16xf32>
      %gt3A_200 = arith.cmpf ogt, %get3A_189, %select_n3A_175 : vector<16xf32>
      %gt3A_201 = arith.cmpf ogt, %get3A_193, %select_n3A_179 : vector<16xf32>
      %select_n3A_202 = arith.select %gt3A_200, %get3A_189, %select_n3A_175 : vector<16xi1>, vector<16xf32>
      %select_n3A_203 = arith.select %gt3A_198, %select_n3A_182, %select_n3A_202 : vector<16xi1>, vector<16xf32>
      %select_n3A_204 = arith.select %gt3A_200, %broadcast_in_dim3A_195, %select_n3A_177 : vector<16xi1>, vector<16xi32>
      %select_n3A_205 = arith.select %gt3A_198, %select_n3A_183, %select_n3A_204 : vector<16xi1>, vector<16xi32>
      %select_n3A_206 = arith.select %gt3A_201, %get3A_193, %select_n3A_179 : vector<16xi1>, vector<16xf32>
      %select_n3A_207 = arith.select %gt3A_199, %select_n3A_184, %select_n3A_206 : vector<16xi1>, vector<16xf32>
      %select_n3A_208 = arith.select %gt3A_201, %broadcast_in_dim3A_197, %select_n3A_181 : vector<16xi1>, vector<16xi32>
      %select_n3A_209 = arith.select %gt3A_199, %select_n3A_185, %select_n3A_208 : vector<16xi1>, vector<16xi32>
      %select_n3A_210 = arith.select %gt3A_198, %get3A_189, %select_n3A_182 : vector<16xi1>, vector<16xf32>
      %select_n3A_211 = arith.select %gt3A_198, %broadcast_in_dim3A_195, %select_n3A_183 : vector<16xi1>, vector<16xi32>
      %select_n3A_212 = arith.select %gt3A_199, %get3A_193, %select_n3A_184 : vector<16xi1>, vector<16xf32>
      %select_n3A_213 = arith.select %gt3A_199, %broadcast_in_dim3A_197, %select_n3A_185 : vector<16xi1>, vector<16xi32>
      %get3A_214 = arith.constant 12 : i32
      %get3A_215 = arith.index_cast %get3A_214 : i32 to index
      %get3A_216 = arith.index_cast %mul3A_56 : i32 to index
      %get3A_217 = tpu.vector_load %arg4[%get3A_215, %get3A_216] {strides = array<i32>} : memref<64x512xf32, #tpu.memory_space<vmem>>, vector<16xf32>,
      %get3A_218 = arith.constant 13 : i32
      %get3A_219 = arith.index_cast %get3A_218 : i32 to index
      %get3A_220 = arith.index_cast %mul3A_56 : i32 to index
      %get3A_221 = tpu.vector_load %arg4[%get3A_219, %get3A_220] {strides = array<i32>} : memref<64x512xf32, #tpu.memory_space<vmem>>, vector<16xf32>,
      %broadcast_in_dim3A_222 = arith.constant 12 : i32
      %broadcast_in_dim3A_223 = vector.broadcast %broadcast_in_dim3A_222 : i32 to vector<16xi32>
      %broadcast_in_dim3A_224 = arith.constant 13 : i32
      %broadcast_in_dim3A_225 = vector.broadcast %broadcast_in_dim3A_224 : i32 to vector<16xi32>
      %gt3A_226 = arith.cmpf ogt, %get3A_217, %select_n3A_210 : vector<16xf32>
      %gt3A_227 = arith.cmpf ogt, %get3A_221, %select_n3A_212 : vector<16xf32>
      %gt3A_228 = arith.cmpf ogt, %get3A_217, %select_n3A_203 : vector<16xf32>
      %gt3A_229 = arith.cmpf ogt, %get3A_221, %select_n3A_207 : vector<16xf32>
      %select_n3A_230 = arith.select %gt3A_228, %get3A_217, %select_n3A_203 : vector<16xi1>, vector<16xf32>
      %select_n3A_231 = arith.select %gt3A_226, %select_n3A_210, %select_n3A_230 : vector<16xi1>, vector<16xf32>
      %select_n3A_232 = arith.select %gt3A_228, %broadcast_in_dim3A_223, %select_n3A_205 : vector<16xi1>, vector<16xi32>
      %select_n3A_233 = arith.select %gt3A_226, %select_n3A_211, %select_n3A_232 : vector<16xi1>, vector<16xi32>
      %select_n3A_234 = arith.select %gt3A_229, %get3A_221, %select_n3A_207 : vector<16xi1>, vector<16xf32>
      %select_n3A_235 = arith.select %gt3A_227, %select_n3A_212, %select_n3A_234 : vector<16xi1>, vector<16xf32>
      %select_n3A_236 = arith.select %gt3A_229, %broadcast_in_dim3A_225, %select_n3A_209 : vector<16xi1>, vector<16xi32>
      %select_n3A_237 = arith.select %gt3A_227, %select_n3A_213, %select_n3A_236 : vector<16xi1>, vector<16xi32>
      %select_n3A_238 = arith.select %gt3A_226, %get3A_217, %select_n3A_210 : vector<16xi1>, vector<16xf32>
      %select_n3A_239 = arith.select %gt3A_226, %broadcast_in_dim3A_223, %select_n3A_211 : vector<16xi1>, vector<16xi32>
      %select_n3A_240 = arith.select %gt3A_227, %get3A_221, %select_n3A_212 : vector<16xi1>, vector<16xf32>
      %select_n3A_241 = arith.select %gt3A_227, %broadcast_in_dim3A_225, %select_n3A_213 : vector<16xi1>, vector<16xi32>
      %get3A_242 = arith.constant 14 : i32
      %get3A_243 = arith.index_cast %get3A_242 : i32 to index
      %get3A_244 = arith.index_cast %mul3A_56 : i32 to index
      %get3A_245 = tpu.vector_load %arg4[%get3A_243, %get3A_244] {strides = array<i32>} : memref<64x512xf32, #tpu.memory_space<vmem>>, vector<16xf32>,
      %get3A_246 = arith.constant 15 : i32
      %get3A_247 = arith.index_cast %get3A_246 : i32 to index
      %get3A_248 = arith.index_cast %mul3A_56 : i32 to index
      %get3A_249 = tpu.vector_load %arg4[%get3A_247, %get3A_248] {strides = array<i32>} : memref<64x512xf32, #tpu.memory_space<vmem>>, vector<16xf32>,
      %broadcast_in_dim3A_250 = arith.constant 14 : i32
      %broadcast_in_dim3A_251 = vector.broadcast %broadcast_in_dim3A_250 : i32 to vector<16xi32>
      %broadcast_in_dim3A_252 = arith.constant 15 : i32
      %broadcast_in_dim3A_253 = vector.broadcast %broadcast_in_dim3A_252 : i32 to vector<16xi32>
      %gt3A_254 = arith.cmpf ogt, %get3A_245, %select_n3A_238 : vector<16xf32>
      %gt3A_255 = arith.cmpf ogt, %get3A_249, %select_n3A_240 : vector<16xf32>
      %gt3A_256 = arith.cmpf ogt, %get3A_245, %select_n3A_231 : vector<16xf32>
      %gt3A_257 = arith.cmpf ogt, %get3A_249, %select_n3A_235 : vector<16xf32>
      %select_n3A_258 = arith.select %gt3A_256, %get3A_245, %select_n3A_231 : vector<16xi1>, vector<16xf32>
      %select_n3A_259 = arith.select %gt3A_254, %select_n3A_238, %select_n3A_258 : vector<16xi1>, vector<16xf32>
      %select_n3A_260 = arith.select %gt3A_256, %broadcast_in_dim3A_251, %select_n3A_233 : vector<16xi1>, vector<16xi32>
      %select_n3A_261 = arith.select %gt3A_254, %select_n3A_239, %select_n3A_260 : vector<16xi1>, vector<16xi32>
      %select_n3A_262 = arith.select %gt3A_257, %get3A_249, %select_n3A_235 : vector<16xi1>, vector<16xf32>
      %select_n3A_263 = arith.select %gt3A_255, %select_n3A_240, %select_n3A_262 : vector<16xi1>, vector<16xf32>
      %select_n3A_264 = arith.select %gt3A_257, %broadcast_in_dim3A_253, %select_n3A_237 : vector<16xi1>, vector<16xi32>
      %select_n3A_265 = arith.select %gt3A_255, %select_n3A_241, %select_n3A_264 : vector<16xi1>, vector<16xi32>
      %select_n3A_266 = arith.select %gt3A_254, %get3A_245, %select_n3A_238 : vector<16xi1>, vector<16xf32>
      %select_n3A_267 = arith.select %gt3A_254, %broadcast_in_dim3A_251, %select_n3A_239 : vector<16xi1>, vector<16xi32>
      %select_n3A_268 = arith.select %gt3A_255, %get3A_249, %select_n3A_240 : vector<16xi1>, vector<16xf32>
      %select_n3A_269 = arith.select %gt3A_255, %broadcast_in_dim3A_253, %select_n3A_241 : vector<16xi1>, vector<16xi32>
      %get3A_270 = arith.constant 16 : i32
      %get3A_271 = arith.index_cast %get3A_270 : i32 to index
      %get3A_272 = arith.index_cast %mul3A_56 : i32 to index
      %get3A_273 = tpu.vector_load %arg4[%get3A_271, %get3A_272] {strides = array<i32>} : memref<64x512xf32, #tpu.memory_space<vmem>>, vector<16xf32>,
      %get3A_274 = arith.constant 17 : i32
      %get3A_275 = arith.index_cast %get3A_274 : i32 to index
      %get3A_276 = arith.index_cast %mul3A_56 : i32 to index
      %get3A_277 = tpu.vector_load %arg4[%get3A_275, %get3A_276] {strides = array<i32>} : memref<64x512xf32, #tpu.memory_space<vmem>>, vector<16xf32>,
      %broadcast_in_dim3A_278 = arith.constant 16 : i32
      %broadcast_in_dim3A_279 = vector.broadcast %broadcast_in_dim3A_278 : i32 to vector<16xi32>
      %broadcast_in_dim3A_280 = arith.constant 17 : i32
      %broadcast_in_dim3A_281 = vector.broadcast %broadcast_in_dim3A_280 : i32 to vector<16xi32>
      %gt3A_282 = arith.cmpf ogt, %get3A_273, %select_n3A_266 : vector<16xf32>
      %gt3A_283 = arith.cmpf ogt, %get3A_277, %select_n3A_268 : vector<16xf32>
      %gt3A_284 = arith.cmpf ogt, %get3A_273, %select_n3A_259 : vector<16xf32>
      %gt3A_285 = arith.cmpf ogt, %get3A_277, %select_n3A_263 : vector<16xf32>
      %select_n3A_286 = arith.select %gt3A_284, %get3A_273, %select_n3A_259 : vector<16xi1>, vector<16xf32>
      %select_n3A_287 = arith.select %gt3A_282, %select_n3A_266, %select_n3A_286 : vector<16xi1>, vector<16xf32>
      %select_n3A_288 = arith.select %gt3A_284, %broadcast_in_dim3A_279, %select_n3A_261 : vector<16xi1>, vector<16xi32>
      %select_n3A_289 = arith.select %gt3A_282, %select_n3A_267, %select_n3A_288 : vector<16xi1>, vector<16xi32>
      %select_n3A_290 = arith.select %gt3A_285, %get3A_277, %select_n3A_263 : vector<16xi1>, vector<16xf32>
      %select_n3A_291 = arith.select %gt3A_283, %select_n3A_268, %select_n3A_290 : vector<16xi1>, vector<16xf32>
      %select_n3A_292 = arith.select %gt3A_285, %broadcast_in_dim3A_281, %select_n3A_265 : vector<16xi1>, vector<16xi32>
      %select_n3A_293 = arith.select %gt3A_283, %select_n3A_269, %select_n3A_292 : vector<16xi1>, vector<16xi32>
      %select_n3A_294 = arith.select %gt3A_282, %get3A_273, %select_n3A_266 : vector<16xi1>, vector<16xf32>
      %select_n3A_295 = arith.select %gt3A_282, %broadcast_in_dim3A_279, %select_n3A_267 : vector<16xi1>, vector<16xi32>
      %select_n3A_296 = arith.select %gt3A_283, %get3A_277, %select_n3A_268 : vector<16xi1>, vector<16xf32>
      %select_n3A_297 = arith.select %gt3A_283, %broadcast_in_dim3A_281, %select_n3A_269 : vector<16xi1>, vector<16xi32>
      %get3A_298 = arith.constant 18 : i32
      %get3A_299 = arith.index_cast %get3A_298 : i32 to index
      %get3A_300 = arith.index_cast %mul3A_56 : i32 to index
      %get3A_301 = tpu.vector_load %arg4[%get3A_299, %get3A_300] {strides = array<i32>} : memref<64x512xf32, #tpu.memory_space<vmem>>, vector<16xf32>,
      %get3A_302 = arith.constant 19 : i32
      %get3A_303 = arith.index_cast %get3A_302 : i32 to index
      %get3A_304 = arith.index_cast %mul3A_56 : i32 to index
      %get3A_305 = tpu.vector_load %arg4[%get3A_303, %get3A_304] {strides = array<i32>} : memref<64x512xf32, #tpu.memory_space<vmem>>, vector<16xf32>,
      %broadcast_in_dim3A_306 = arith.constant 18 : i32
      %broadcast_in_dim3A_307 = vector.broadcast %broadcast_in_dim3A_306 : i32 to vector<16xi32>
      %broadcast_in_dim3A_308 = arith.constant 19 : i32
      %broadcast_in_dim3A_309 = vector.broadcast %broadcast_in_dim3A_308 : i32 to vector<16xi32>
      %gt3A_310 = arith.cmpf ogt, %get3A_301, %select_n3A_294 : vector<16xf32>
      %gt3A_311 = arith.cmpf ogt, %get3A_305, %select_n3A_296 : vector<16xf32>
      %gt3A_312 = arith.cmpf ogt, %get3A_301, %select_n3A_287 : vector<16xf32>
      %gt3A_313 = arith.cmpf ogt, %get3A_305, %select_n3A_291 : vector<16xf32>
      %select_n3A_314 = arith.select %gt3A_312, %get3A_301, %select_n3A_287 : vector<16xi1>, vector<16xf32>
      %select_n3A_315 = arith.select %gt3A_310, %select_n3A_294, %select_n3A_314 : vector<16xi1>, vector<16xf32>
      %select_n3A_316 = arith.select %gt3A_312, %broadcast_in_dim3A_307, %select_n3A_289 : vector<16xi1>, vector<16xi32>
      %select_n3A_317 = arith.select %gt3A_310, %select_n3A_295, %select_n3A_316 : vector<16xi1>, vector<16xi32>
      %select_n3A_318 = arith.select %gt3A_313, %get3A_305, %select_n3A_291 : vector<16xi1>, vector<16xf32>
      %select_n3A_319 = arith.select %gt3A_311, %select_n3A_296, %select_n3A_318 : vector<16xi1>, vector<16xf32>
      %select_n3A_320 = arith.select %gt3A_313, %broadcast_in_dim3A_309, %select_n3A_293 : vector<16xi1>, vector<16xi32>
      %select_n3A_321 = arith.select %gt3A_311, %select_n3A_297, %select_n3A_320 : vector<16xi1>, vector<16xi32>
      %select_n3A_322 = arith.select %gt3A_310, %get3A_301, %select_n3A_294 : vector<16xi1>, vector<16xf32>
      %select_n3A_323 = arith.select %gt3A_310, %broadcast_in_dim3A_307, %select_n3A_295 : vector<16xi1>, vector<16xi32>
      %select_n3A_324 = arith.select %gt3A_311, %get3A_305, %select_n3A_296 : vector<16xi1>, vector<16xf32>
      %select_n3A_325 = arith.select %gt3A_311, %broadcast_in_dim3A_309, %select_n3A_297 : vector<16xi1>, vector<16xi32>
      %get3A_326 = arith.constant 20 : i32
      %get3A_327 = arith.index_cast %get3A_326 : i32 to index
      %get3A_328 = arith.index_cast %mul3A_56 : i32 to index
      %get3A_329 = tpu.vector_load %arg4[%get3A_327, %get3A_328] {strides = array<i32>} : memref<64x512xf32, #tpu.memory_space<vmem>>, vector<16xf32>,
      %get3A_330 = arith.constant 21 : i32
      %get3A_331 = arith.index_cast %get3A_330 : i32 to index
      %get3A_332 = arith.index_cast %mul3A_56 : i32 to index
      %get3A_333 = tpu.vector_load %arg4[%get3A_331, %get3A_332] {strides = array<i32>} : memref<64x512xf32, #tpu.memory_space<vmem>>, vector<16xf32>,
      %broadcast_in_dim3A_334 = arith.constant 20 : i32
      %broadcast_in_dim3A_335 = vector.broadcast %broadcast_in_dim3A_334 : i32 to vector<16xi32>
      %broadcast_in_dim3A_336 = arith.constant 21 : i32
      %broadcast_in_dim3A_337 = vector.broadcast %broadcast_in_dim3A_336 : i32 to vector<16xi32>
      %gt3A_338 = arith.cmpf ogt, %get3A_329, %select_n3A_322 : vector<16xf32>
      %gt3A_339 = arith.cmpf ogt, %get3A_333, %select_n3A_324 : vector<16xf32>
      %gt3A_340 = arith.cmpf ogt, %get3A_329, %select_n3A_315 : vector<16xf32>
      %gt3A_341 = arith.cmpf ogt, %get3A_333, %select_n3A_319 : vector<16xf32>
      %select_n3A_342 = arith.select %gt3A_340, %get3A_329, %select_n3A_315 : vector<16xi1>, vector<16xf32>
      %select_n3A_343 = arith.select %gt3A_338, %select_n3A_322, %select_n3A_342 : vector<16xi1>, vector<16xf32>
      %select_n3A_344 = arith.select %gt3A_340, %broadcast_in_dim3A_335, %select_n3A_317 : vector<16xi1>, vector<16xi32>
      %select_n3A_345 = arith.select %gt3A_338, %select_n3A_323, %select_n3A_344 : vector<16xi1>, vector<16xi32>
      %select_n3A_346 = arith.select %gt3A_341, %get3A_333, %select_n3A_319 : vector<16xi1>, vector<16xf32>
      %select_n3A_347 = arith.select %gt3A_339, %select_n3A_324, %select_n3A_346 : vector<16xi1>, vector<16xf32>
      %select_n3A_348 = arith.select %gt3A_341, %broadcast_in_dim3A_337, %select_n3A_321 : vector<16xi1>, vector<16xi32>
      %select_n3A_349 = arith.select %gt3A_339, %select_n3A_325, %select_n3A_348 : vector<16xi1>, vector<16xi32>
      %select_n3A_350 = arith.select %gt3A_338, %get3A_329, %select_n3A_322 : vector<16xi1>, vector<16xf32>
      %select_n3A_351 = arith.select %gt3A_338, %broadcast_in_dim3A_335, %select_n3A_323 : vector<16xi1>, vector<16xi32>
      %select_n3A_352 = arith.select %gt3A_339, %get3A_333, %select_n3A_324 : vector<16xi1>, vector<16xf32>
      %select_n3A_353 = arith.select %gt3A_339, %broadcast_in_dim3A_337, %select_n3A_325 : vector<16xi1>, vector<16xi32>
      %get3A_354 = arith.constant 22 : i32
      %get3A_355 = arith.index_cast %get3A_354 : i32 to index
      %get3A_356 = arith.index_cast %mul3A_56 : i32 to index
      %get3A_357 = tpu.vector_load %arg4[%get3A_355, %get3A_356] {strides = array<i32>} : memref<64x512xf32, #tpu.memory_space<vmem>>, vector<16xf32>,
      %get3A_358 = arith.constant 23 : i32
      %get3A_359 = arith.index_cast %get3A_358 : i32 to index
      %get3A_360 = arith.index_cast %mul3A_56 : i32 to index
      %get3A_361 = tpu.vector_load %arg4[%get3A_359, %get3A_360] {strides = array<i32>} : memref<64x512xf32, #tpu.memory_space<vmem>>, vector<16xf32>,
      %broadcast_in_dim3A_362 = arith.constant 22 : i32
      %broadcast_in_dim3A_363 = vector.broadcast %broadcast_in_dim3A_362 : i32 to vector<16xi32>
      %broadcast_in_dim3A_364 = arith.constant 23 : i32
      %broadcast_in_dim3A_365 = vector.broadcast %broadcast_in_dim3A_364 : i32 to vector<16xi32>
      %gt3A_366 = arith.cmpf ogt, %get3A_357, %select_n3A_350 : vector<16xf32>
      %gt3A_367 = arith.cmpf ogt, %get3A_361, %select_n3A_352 : vector<16xf32>
      %gt3A_368 = arith.cmpf ogt, %get3A_357, %select_n3A_343 : vector<16xf32>
      %gt3A_369 = arith.cmpf ogt, %get3A_361, %select_n3A_347 : vector<16xf32>
      %select_n3A_370 = arith.select %gt3A_368, %get3A_357, %select_n3A_343 : vector<16xi1>, vector<16xf32>
      %select_n3A_371 = arith.select %gt3A_366, %select_n3A_350, %select_n3A_370 : vector<16xi1>, vector<16xf32>
      %select_n3A_372 = arith.select %gt3A_368, %broadcast_in_dim3A_363, %select_n3A_345 : vector<16xi1>, vector<16xi32>
      %select_n3A_373 = arith.select %gt3A_366, %select_n3A_351, %select_n3A_372 : vector<16xi1>, vector<16xi32>
      %select_n3A_374 = arith.select %gt3A_369, %get3A_361, %select_n3A_347 : vector<16xi1>, vector<16xf32>
      %select_n3A_375 = arith.select %gt3A_367, %select_n3A_352, %select_n3A_374 : vector<16xi1>, vector<16xf32>
      %select_n3A_376 = arith.select %gt3A_369, %broadcast_in_dim3A_365, %select_n3A_349 : vector<16xi1>, vector<16xi32>
      %select_n3A_377 = arith.select %gt3A_367, %select_n3A_353, %select_n3A_376 : vector<16xi1>, vector<16xi32>
      %select_n3A_378 = arith.select %gt3A_366, %get3A_357, %select_n3A_350 : vector<16xi1>, vector<16xf32>
      %select_n3A_379 = arith.select %gt3A_366, %broadcast_in_dim3A_363, %select_n3A_351 : vector<16xi1>, vector<16xi32>
      %select_n3A_380 = arith.select %gt3A_367, %get3A_361, %select_n3A_352 : vector<16xi1>, vector<16xf32>
      %select_n3A_381 = arith.select %gt3A_367, %broadcast_in_dim3A_365, %select_n3A_353 : vector<16xi1>, vector<16xi32>
      %get3A_382 = arith.constant 24 : i32
      %get3A_383 = arith.index_cast %get3A_382 : i32 to index
      %get3A_384 = arith.index_cast %mul3A_56 : i32 to index
      %get3A_385 = tpu.vector_load %arg4[%get3A_383, %get3A_384] {strides = array<i32>} : memref<64x512xf32, #tpu.memory_space<vmem>>, vector<16xf32>,
      %get3A_386 = arith.constant 25 : i32
      %get3A_387 = arith.index_cast %get3A_386 : i32 to index
      %get3A_388 = arith.index_cast %mul3A_56 : i32 to index
      %get3A_389 = tpu.vector_load %arg4[%get3A_387, %get3A_388] {strides = array<i32>} : memref<64x512xf32, #tpu.memory_space<vmem>>, vector<16xf32>,
      %broadcast_in_dim3A_390 = arith.constant 24 : i32
      %broadcast_in_dim3A_391 = vector.broadcast %broadcast_in_dim3A_390 : i32 to vector<16xi32>
      %broadcast_in_dim3A_392 = arith.constant 25 : i32
      %broadcast_in_dim3A_393 = vector.broadcast %broadcast_in_dim3A_392 : i32 to vector<16xi32>
      %gt3A_394 = arith.cmpf ogt, %get3A_385, %select_n3A_378 : vector<16xf32>
      %gt3A_395 = arith.cmpf ogt, %get3A_389, %select_n3A_380 : vector<16xf32>
      %gt3A_396 = arith.cmpf ogt, %get3A_385, %select_n3A_371 : vector<16xf32>
      %gt3A_397 = arith.cmpf ogt, %get3A_389, %select_n3A_375 : vector<16xf32>
      %select_n3A_398 = arith.select %gt3A_396, %get3A_385, %select_n3A_371 : vector<16xi1>, vector<16xf32>
      %select_n3A_399 = arith.select %gt3A_394, %select_n3A_378, %select_n3A_398 : vector<16xi1>, vector<16xf32>
      %select_n3A_400 = arith.select %gt3A_396, %broadcast_in_dim3A_391, %select_n3A_373 : vector<16xi1>, vector<16xi32>
      %select_n3A_401 = arith.select %gt3A_394, %select_n3A_379, %select_n3A_400 : vector<16xi1>, vector<16xi32>
      %select_n3A_402 = arith.select %gt3A_397, %get3A_389, %select_n3A_375 : vector<16xi1>, vector<16xf32>
      %select_n3A_403 = arith.select %gt3A_395, %select_n3A_380, %select_n3A_402 : vector<16xi1>, vector<16xf32>
      %select_n3A_404 = arith.select %gt3A_397, %broadcast_in_dim3A_393, %select_n3A_377 : vector<16xi1>, vector<16xi32>
      %select_n3A_405 = arith.select %gt3A_395, %select_n3A_381, %select_n3A_404 : vector<16xi1>, vector<16xi32>
      %select_n3A_406 = arith.select %gt3A_394, %get3A_385, %select_n3A_378 : vector<16xi1>, vector<16xf32>
      %select_n3A_407 = arith.select %gt3A_394, %broadcast_in_dim3A_391, %select_n3A_379 : vector<16xi1>, vector<16xi32>
      %select_n3A_408 = arith.select %gt3A_395, %get3A_389, %select_n3A_380 : vector<16xi1>, vector<16xf32>
      %select_n3A_409 = arith.select %gt3A_395, %broadcast_in_dim3A_393, %select_n3A_381 : vector<16xi1>, vector<16xi32>
      %get3A_410 = arith.constant 26 : i32
      %get3A_411 = arith.index_cast %get3A_410 : i32 to index
      %get3A_412 = arith.index_cast %mul3A_56 : i32 to index
      %get3A_413 = tpu.vector_load %arg4[%get3A_411, %get3A_412] {strides = array<i32>} : memref<64x512xf32, #tpu.memory_space<vmem>>, vector<16xf32>,
      %get3A_414 = arith.constant 27 : i32
      %get3A_415 = arith.index_cast %get3A_414 : i32 to index
      %get3A_416 = arith.index_cast %mul3A_56 : i32 to index
      %get3A_417 = tpu.vector_load %arg4[%get3A_415, %get3A_416] {strides = array<i32>} : memref<64x512xf32, #tpu.memory_space<vmem>>, vector<16xf32>,
      %broadcast_in_dim3A_418 = arith.constant 26 : i32
      %broadcast_in_dim3A_419 = vector.broadcast %broadcast_in_dim3A_418 : i32 to vector<16xi32>
      %broadcast_in_dim3A_420 = arith.constant 27 : i32
      %broadcast_in_dim3A_421 = vector.broadcast %broadcast_in_dim3A_420 : i32 to vector<16xi32>
      %gt3A_422 = arith.cmpf ogt, %get3A_413, %select_n3A_406 : vector<16xf32>
      %gt3A_423 = arith.cmpf ogt, %get3A_417, %select_n3A_408 : vector<16xf32>
      %gt3A_424 = arith.cmpf ogt, %get3A_413, %select_n3A_399 : vector<16xf32>
      %gt3A_425 = arith.cmpf ogt, %get3A_417, %select_n3A_403 : vector<16xf32>
      %select_n3A_426 = arith.select %gt3A_424, %get3A_413, %select_n3A_399 : vector<16xi1>, vector<16xf32>
      %select_n3A_427 = arith.select %gt3A_422, %select_n3A_406, %select_n3A_426 : vector<16xi1>, vector<16xf32>
      %select_n3A_428 = arith.select %gt3A_424, %broadcast_in_dim3A_419, %select_n3A_401 : vector<16xi1>, vector<16xi32>
      %select_n3A_429 = arith.select %gt3A_422, %select_n3A_407, %select_n3A_428 : vector<16xi1>, vector<16xi32>
      %select_n3A_430 = arith.select %gt3A_425, %get3A_417, %select_n3A_403 : vector<16xi1>, vector<16xf32>
      %select_n3A_431 = arith.select %gt3A_423, %select_n3A_408, %select_n3A_430 : vector<16xi1>, vector<16xf32>
      %select_n3A_432 = arith.select %gt3A_425, %broadcast_in_dim3A_421, %select_n3A_405 : vector<16xi1>, vector<16xi32>
      %select_n3A_433 = arith.select %gt3A_423, %select_n3A_409, %select_n3A_432 : vector<16xi1>, vector<16xi32>
      %select_n3A_434 = arith.select %gt3A_422, %get3A_413, %select_n3A_406 : vector<16xi1>, vector<16xf32>
      %select_n3A_435 = arith.select %gt3A_422, %broadcast_in_dim3A_419, %select_n3A_407 : vector<16xi1>, vector<16xi32>
      %select_n3A_436 = arith.select %gt3A_423, %get3A_417, %select_n3A_408 : vector<16xi1>, vector<16xf32>
      %select_n3A_437 = arith.select %gt3A_423, %broadcast_in_dim3A_421, %select_n3A_409 : vector<16xi1>, vector<16xi32>
      %get3A_438 = arith.constant 28 : i32
      %get3A_439 = arith.index_cast %get3A_438 : i32 to index
      %get3A_440 = arith.index_cast %mul3A_56 : i32 to index
      %get3A_441 = tpu.vector_load %arg4[%get3A_439, %get3A_440] {strides = array<i32>} : memref<64x512xf32, #tpu.memory_space<vmem>>, vector<16xf32>,
      %get3A_442 = arith.constant 29 : i32
      %get3A_443 = arith.index_cast %get3A_442 : i32 to index
      %get3A_444 = arith.index_cast %mul3A_56 : i32 to index
      %get3A_445 = tpu.vector_load %arg4[%get3A_443, %get3A_444] {strides = array<i32>} : memref<64x512xf32, #tpu.memory_space<vmem>>, vector<16xf32>,
      %broadcast_in_dim3A_446 = arith.constant 28 : i32
      %broadcast_in_dim3A_447 = vector.broadcast %broadcast_in_dim3A_446 : i32 to vector<16xi32>
      %broadcast_in_dim3A_448 = arith.constant 29 : i32
      %broadcast_in_dim3A_449 = vector.broadcast %broadcast_in_dim3A_448 : i32 to vector<16xi32>
      %gt3A_450 = arith.cmpf ogt, %get3A_441, %select_n3A_434 : vector<16xf32>
      %gt3A_451 = arith.cmpf ogt, %get3A_445, %select_n3A_436 : vector<16xf32>
      %gt3A_452 = arith.cmpf ogt, %get3A_441, %select_n3A_427 : vector<16xf32>
      %gt3A_453 = arith.cmpf ogt, %get3A_445, %select_n3A_431 : vector<16xf32>
      %select_n3A_454 = arith.select %gt3A_452, %get3A_441, %select_n3A_427 : vector<16xi1>, vector<16xf32>
      %select_n3A_455 = arith.select %gt3A_450, %select_n3A_434, %select_n3A_454 : vector<16xi1>, vector<16xf32>
      %select_n3A_456 = arith.select %gt3A_452, %broadcast_in_dim3A_447, %select_n3A_429 : vector<16xi1>, vector<16xi32>
      %select_n3A_457 = arith.select %gt3A_450, %select_n3A_435, %select_n3A_456 : vector<16xi1>, vector<16xi32>
      %select_n3A_458 = arith.select %gt3A_453, %get3A_445, %select_n3A_431 : vector<16xi1>, vector<16xf32>
      %select_n3A_459 = arith.select %gt3A_451, %select_n3A_436, %select_n3A_458 : vector<16xi1>, vector<16xf32>
      %select_n3A_460 = arith.select %gt3A_453, %broadcast_in_dim3A_449, %select_n3A_433 : vector<16xi1>, vector<16xi32>
      %select_n3A_461 = arith.select %gt3A_451, %select_n3A_437, %select_n3A_460 : vector<16xi1>, vector<16xi32>
      %select_n3A_462 = arith.select %gt3A_450, %get3A_441, %select_n3A_434 : vector<16xi1>, vector<16xf32>
      %select_n3A_463 = arith.select %gt3A_450, %broadcast_in_dim3A_447, %select_n3A_435 : vector<16xi1>, vector<16xi32>
      %select_n3A_464 = arith.select %gt3A_451, %get3A_445, %select_n3A_436 : vector<16xi1>, vector<16xf32>
      %select_n3A_465 = arith.select %gt3A_451, %broadcast_in_dim3A_449, %select_n3A_437 : vector<16xi1>, vector<16xi32>
      %get3A_466 = arith.constant 30 : i32
      %get3A_467 = arith.index_cast %get3A_466 : i32 to index
      %get3A_468 = arith.index_cast %mul3A_56 : i32 to index
      %get3A_469 = tpu.vector_load %arg4[%get3A_467, %get3A_468] {strides = array<i32>} : memref<64x512xf32, #tpu.memory_space<vmem>>, vector<16xf32>,
      %get3A_470 = arith.constant 31 : i32
      %get3A_471 = arith.index_cast %get3A_470 : i32 to index
      %get3A_472 = arith.index_cast %mul3A_56 : i32 to index
      %get3A_473 = tpu.vector_load %arg4[%get3A_471, %get3A_472] {strides = array<i32>} : memref<64x512xf32, #tpu.memory_space<vmem>>, vector<16xf32>,
      %broadcast_in_dim3A_474 = arith.constant 30 : i32
      %broadcast_in_dim3A_475 = vector.broadcast %broadcast_in_dim3A_474 : i32 to vector<16xi32>
      %broadcast_in_dim3A_476 = arith.constant 31 : i32
      %broadcast_in_dim3A_477 = vector.broadcast %broadcast_in_dim3A_476 : i32 to vector<16xi32>
      %gt3A_478 = arith.cmpf ogt, %get3A_469, %select_n3A_462 : vector<16xf32>
      %gt3A_479 = arith.cmpf ogt, %get3A_473, %select_n3A_464 : vector<16xf32>
      %gt3A_480 = arith.cmpf ogt, %get3A_469, %select_n3A_455 : vector<16xf32>
      %gt3A_481 = arith.cmpf ogt, %get3A_473, %select_n3A_459 : vector<16xf32>
      %select_n3A_482 = arith.select %gt3A_480, %get3A_469, %select_n3A_455 : vector<16xi1>, vector<16xf32>
      %select_n3A_483 = arith.select %gt3A_478, %select_n3A_462, %select_n3A_482 : vector<16xi1>, vector<16xf32>
      %select_n3A_484 = arith.select %gt3A_480, %broadcast_in_dim3A_475, %select_n3A_457 : vector<16xi1>, vector<16xi32>
      %select_n3A_485 = arith.select %gt3A_478, %select_n3A_463, %select_n3A_484 : vector<16xi1>, vector<16xi32>
      %select_n3A_486 = arith.select %gt3A_481, %get3A_473, %select_n3A_459 : vector<16xi1>, vector<16xf32>
      %select_n3A_487 = arith.select %gt3A_479, %select_n3A_464, %select_n3A_486 : vector<16xi1>, vector<16xf32>
      %select_n3A_488 = arith.select %gt3A_481, %broadcast_in_dim3A_477, %select_n3A_461 : vector<16xi1>, vector<16xi32>
      %select_n3A_489 = arith.select %gt3A_479, %select_n3A_465, %select_n3A_488 : vector<16xi1>, vector<16xi32>
      %select_n3A_490 = arith.select %gt3A_478, %get3A_469, %select_n3A_462 : vector<16xi1>, vector<16xf32>
      %select_n3A_491 = arith.select %gt3A_478, %broadcast_in_dim3A_475, %select_n3A_463 : vector<16xi1>, vector<16xi32>
      %select_n3A_492 = arith.select %gt3A_479, %get3A_473, %select_n3A_464 : vector<16xi1>, vector<16xf32>
      %select_n3A_493 = arith.select %gt3A_479, %broadcast_in_dim3A_477, %select_n3A_465 : vector<16xi1>, vector<16xi32>
      %get3A_494 = arith.constant 32 : i32
      %get3A_495 = arith.index_cast %get3A_494 : i32 to index
      %get3A_496 = arith.index_cast %mul3A_56 : i32 to index
      %get3A_497 = tpu.vector_load %arg4[%get3A_495, %get3A_496] {strides = array<i32>} : memref<64x512xf32, #tpu.memory_space<vmem>>, vector<16xf32>,
      %get3A_498 = arith.constant 33 : i32
      %get3A_499 = arith.index_cast %get3A_498 : i32 to index
      %get3A_500 = arith.index_cast %mul3A_56 : i32 to index
      %get3A_501 = tpu.vector_load %arg4[%get3A_499, %get3A_500] {strides = array<i32>} : memref<64x512xf32, #tpu.memory_space<vmem>>, vector<16xf32>,
      %broadcast_in_dim3A_502 = arith.constant 32 : i32
      %broadcast_in_dim3A_503 = vector.broadcast %broadcast_in_dim3A_502 : i32 to vector<16xi32>
      %broadcast_in_dim3A_504 = arith.constant 33 : i32
      %broadcast_in_dim3A_505 = vector.broadcast %broadcast_in_dim3A_504 : i32 to vector<16xi32>
      %gt3A_506 = arith.cmpf ogt, %get3A_497, %select_n3A_490 : vector<16xf32>
      %gt3A_507 = arith.cmpf ogt, %get3A_501, %select_n3A_492 : vector<16xf32>
      %gt3A_508 = arith.cmpf ogt, %get3A_497, %select_n3A_483 : vector<16xf32>
      %gt3A_509 = arith.cmpf ogt, %get3A_501, %select_n3A_487 : vector<16xf32>
      %select_n3A_510 = arith.select %gt3A_508, %get3A_497, %select_n3A_483 : vector<16xi1>, vector<16xf32>
      %select_n3A_511 = arith.select %gt3A_506, %select_n3A_490, %select_n3A_510 : vector<16xi1>, vector<16xf32>
      %select_n3A_512 = arith.select %gt3A_508, %broadcast_in_dim3A_503, %select_n3A_485 : vector<16xi1>, vector<16xi32>
      %select_n3A_513 = arith.select %gt3A_506, %select_n3A_491, %select_n3A_512 : vector<16xi1>, vector<16xi32>
      %select_n3A_514 = arith.select %gt3A_509, %get3A_501, %select_n3A_487 : vector<16xi1>, vector<16xf32>
      %select_n3A_515 = arith.select %gt3A_507, %select_n3A_492, %select_n3A_514 : vector<16xi1>, vector<16xf32>
      %select_n3A_516 = arith.select %gt3A_509, %broadcast_in_dim3A_505, %select_n3A_489 : vector<16xi1>, vector<16xi32>
      %select_n3A_517 = arith.select %gt3A_507, %select_n3A_493, %select_n3A_516 : vector<16xi1>, vector<16xi32>
      %select_n3A_518 = arith.select %gt3A_506, %get3A_497, %select_n3A_490 : vector<16xi1>, vector<16xf32>
      %select_n3A_519 = arith.select %gt3A_506, %broadcast_in_dim3A_503, %select_n3A_491 : vector<16xi1>, vector<16xi32>
      %select_n3A_520 = arith.select %gt3A_507, %get3A_501, %select_n3A_492 : vector<16xi1>, vector<16xf32>
      %select_n3A_521 = arith.select %gt3A_507, %broadcast_in_dim3A_505, %select_n3A_493 : vector<16xi1>, vector<16xi32>
      %get3A_522 = arith.constant 34 : i32
      %get3A_523 = arith.index_cast %get3A_522 : i32 to index
      %get3A_524 = arith.index_cast %mul3A_56 : i32 to index
      %get3A_525 = tpu.vector_load %arg4[%get3A_523, %get3A_524] {strides = array<i32>} : memref<64x512xf32, #tpu.memory_space<vmem>>, vector<16xf32>,
      %get3A_526 = arith.constant 35 : i32
      %get3A_527 = arith.index_cast %get3A_526 : i32 to index
      %get3A_528 = arith.index_cast %mul3A_56 : i32 to index
      %get3A_529 = tpu.vector_load %arg4[%get3A_527, %get3A_528] {strides = array<i32>} : memref<64x512xf32, #tpu.memory_space<vmem>>, vector<16xf32>,
      %broadcast_in_dim3A_530 = arith.constant 34 : i32
      %broadcast_in_dim3A_531 = vector.broadcast %broadcast_in_dim3A_530 : i32 to vector<16xi32>
      %broadcast_in_dim3A_532 = arith.constant 35 : i32
      %broadcast_in_dim3A_533 = vector.broadcast %broadcast_in_dim3A_532 : i32 to vector<16xi32>
      %gt3A_534 = arith.cmpf ogt, %get3A_525, %select_n3A_518 : vector<16xf32>
      %gt3A_535 = arith.cmpf ogt, %get3A_529, %select_n3A_520 : vector<16xf32>
      %gt3A_536 = arith.cmpf ogt, %get3A_525, %select_n3A_511 : vector<16xf32>
      %gt3A_537 = arith.cmpf ogt, %get3A_529, %select_n3A_515 : vector<16xf32>
      %select_n3A_538 = arith.select %gt3A_536, %get3A_525, %select_n3A_511 : vector<16xi1>, vector<16xf32>
      %select_n3A_539 = arith.select %gt3A_534, %select_n3A_518, %select_n3A_538 : vector<16xi1>, vector<16xf32>
      %select_n3A_540 = arith.select %gt3A_536, %broadcast_in_dim3A_531, %select_n3A_513 : vector<16xi1>, vector<16xi32>
      %select_n3A_541 = arith.select %gt3A_534, %select_n3A_519, %select_n3A_540 : vector<16xi1>, vector<16xi32>
      %select_n3A_542 = arith.select %gt3A_537, %get3A_529, %select_n3A_515 : vector<16xi1>, vector<16xf32>
      %select_n3A_543 = arith.select %gt3A_535, %select_n3A_520, %select_n3A_542 : vector<16xi1>, vector<16xf32>
      %select_n3A_544 = arith.select %gt3A_537, %broadcast_in_dim3A_533, %select_n3A_517 : vector<16xi1>, vector<16xi32>
      %select_n3A_545 = arith.select %gt3A_535, %select_n3A_521, %select_n3A_544 : vector<16xi1>, vector<16xi32>
      %select_n3A_546 = arith.select %gt3A_534, %get3A_525, %select_n3A_518 : vector<16xi1>, vector<16xf32>
      %select_n3A_547 = arith.select %gt3A_534, %broadcast_in_dim3A_531, %select_n3A_519 : vector<16xi1>, vector<16xi32>
      %select_n3A_548 = arith.select %gt3A_535, %get3A_529, %select_n3A_520 : vector<16xi1>, vector<16xf32>
      %select_n3A_549 = arith.select %gt3A_535, %broadcast_in_dim3A_533, %select_n3A_521 : vector<16xi1>, vector<16xi32>
      %get3A_550 = arith.constant 36 : i32
      %get3A_551 = arith.index_cast %get3A_550 : i32 to index
      %get3A_552 = arith.index_cast %mul3A_56 : i32 to index
      %get3A_553 = tpu.vector_load %arg4[%get3A_551, %get3A_552] {strides = array<i32>} : memref<64x512xf32, #tpu.memory_space<vmem>>, vector<16xf32>,
      %get3A_554 = arith.constant 37 : i32
      %get3A_555 = arith.index_cast %get3A_554 : i32 to index
      %get3A_556 = arith.index_cast %mul3A_56 : i32 to index
      %get3A_557 = tpu.vector_load %arg4[%get3A_555, %get3A_556] {strides = array<i32>} : memref<64x512xf32, #tpu.memory_space<vmem>>, vector<16xf32>,
      %broadcast_in_dim3A_558 = arith.constant 36 : i32
      %broadcast_in_dim3A_559 = vector.broadcast %broadcast_in_dim3A_558 : i32 to vector<16xi32>
      %broadcast_in_dim3A_560 = arith.constant 37 : i32
      %broadcast_in_dim3A_561 = vector.broadcast %broadcast_in_dim3A_560 : i32 to vector<16xi32>
      %gt3A_562 = arith.cmpf ogt, %get3A_553, %select_n3A_546 : vector<16xf32>
      %gt3A_563 = arith.cmpf ogt, %get3A_557, %select_n3A_548 : vector<16xf32>
      %gt3A_564 = arith.cmpf ogt, %get3A_553, %select_n3A_539 : vector<16xf32>
      %gt3A_565 = arith.cmpf ogt, %get3A_557, %select_n3A_543 : vector<16xf32>
      %select_n3A_566 = arith.select %gt3A_564, %get3A_553, %select_n3A_539 : vector<16xi1>, vector<16xf32>
      %select_n3A_567 = arith.select %gt3A_562, %select_n3A_546, %select_n3A_566 : vector<16xi1>, vector<16xf32>
      %select_n3A_568 = arith.select %gt3A_564, %broadcast_in_dim3A_559, %select_n3A_541 : vector<16xi1>, vector<16xi32>
      %select_n3A_569 = arith.select %gt3A_562, %select_n3A_547, %select_n3A_568 : vector<16xi1>, vector<16xi32>
      %select_n3A_570 = arith.select %gt3A_565, %get3A_557, %select_n3A_543 : vector<16xi1>, vector<16xf32>
      %select_n3A_571 = arith.select %gt3A_563, %select_n3A_548, %select_n3A_570 : vector<16xi1>, vector<16xf32>
      %select_n3A_572 = arith.select %gt3A_565, %broadcast_in_dim3A_561, %select_n3A_545 : vector<16xi1>, vector<16xi32>
      %select_n3A_573 = arith.select %gt3A_563, %select_n3A_549, %select_n3A_572 : vector<16xi1>, vector<16xi32>
      %select_n3A_574 = arith.select %gt3A_562, %get3A_553, %select_n3A_546 : vector<16xi1>, vector<16xf32>
      %select_n3A_575 = arith.select %gt3A_562, %broadcast_in_dim3A_559, %select_n3A_547 : vector<16xi1>, vector<16xi32>
      %select_n3A_576 = arith.select %gt3A_563, %get3A_557, %select_n3A_548 : vector<16xi1>, vector<16xf32>
      %select_n3A_577 = arith.select %gt3A_563, %broadcast_in_dim3A_561, %select_n3A_549 : vector<16xi1>, vector<16xi32>
      %get3A_578 = arith.constant 38 : i32
      %get3A_579 = arith.index_cast %get3A_578 : i32 to index
      %get3A_580 = arith.index_cast %mul3A_56 : i32 to index
      %get3A_581 = tpu.vector_load %arg4[%get3A_579, %get3A_580] {strides = array<i32>} : memref<64x512xf32, #tpu.memory_space<vmem>>, vector<16xf32>,
      %get3A_582 = arith.constant 39 : i32
      %get3A_583 = arith.index_cast %get3A_582 : i32 to index
      %get3A_584 = arith.index_cast %mul3A_56 : i32 to index
      %get3A_585 = tpu.vector_load %arg4[%get3A_583, %get3A_584] {strides = array<i32>} : memref<64x512xf32, #tpu.memory_space<vmem>>, vector<16xf32>,
      %broadcast_in_dim3A_586 = arith.constant 38 : i32
      %broadcast_in_dim3A_587 = vector.broadcast %broadcast_in_dim3A_586 : i32 to vector<16xi32>
      %broadcast_in_dim3A_588 = arith.constant 39 : i32
      %broadcast_in_dim3A_589 = vector.broadcast %broadcast_in_dim3A_588 : i32 to vector<16xi32>
      %gt3A_590 = arith.cmpf ogt, %get3A_581, %select_n3A_574 : vector<16xf32>
      %gt3A_591 = arith.cmpf ogt, %get3A_585, %select_n3A_576 : vector<16xf32>
      %gt3A_592 = arith.cmpf ogt, %get3A_581, %select_n3A_567 : vector<16xf32>
      %gt3A_593 = arith.cmpf ogt, %get3A_585, %select_n3A_571 : vector<16xf32>
      %select_n3A_594 = arith.select %gt3A_592, %get3A_581, %select_n3A_567 : vector<16xi1>, vector<16xf32>
      %select_n3A_595 = arith.select %gt3A_590, %select_n3A_574, %select_n3A_594 : vector<16xi1>, vector<16xf32>
      %select_n3A_596 = arith.select %gt3A_592, %broadcast_in_dim3A_587, %select_n3A_569 : vector<16xi1>, vector<16xi32>
      %select_n3A_597 = arith.select %gt3A_590, %select_n3A_575, %select_n3A_596 : vector<16xi1>, vector<16xi32>
      %select_n3A_598 = arith.select %gt3A_593, %get3A_585, %select_n3A_571 : vector<16xi1>, vector<16xf32>
      %select_n3A_599 = arith.select %gt3A_591, %select_n3A_576, %select_n3A_598 : vector<16xi1>, vector<16xf32>
      %select_n3A_600 = arith.select %gt3A_593, %broadcast_in_dim3A_589, %select_n3A_573 : vector<16xi1>, vector<16xi32>
      %select_n3A_601 = arith.select %gt3A_591, %select_n3A_577, %select_n3A_600 : vector<16xi1>, vector<16xi32>
      %select_n3A_602 = arith.select %gt3A_590, %get3A_581, %select_n3A_574 : vector<16xi1>, vector<16xf32>
      %select_n3A_603 = arith.select %gt3A_590, %broadcast_in_dim3A_587, %select_n3A_575 : vector<16xi1>, vector<16xi32>
      %select_n3A_604 = arith.select %gt3A_591, %get3A_585, %select_n3A_576 : vector<16xi1>, vector<16xf32>
      %select_n3A_605 = arith.select %gt3A_591, %broadcast_in_dim3A_589, %select_n3A_577 : vector<16xi1>, vector<16xi32>
      %get3A_606 = arith.constant 40 : i32
      %get3A_607 = arith.index_cast %get3A_606 : i32 to index
      %get3A_608 = arith.index_cast %mul3A_56 : i32 to index
      %get3A_609 = tpu.vector_load %arg4[%get3A_607, %get3A_608] {strides = array<i32>} : memref<64x512xf32, #tpu.memory_space<vmem>>, vector<16xf32>,
      %get3A_610 = arith.constant 41 : i32
      %get3A_611 = arith.index_cast %get3A_610 : i32 to index
      %get3A_612 = arith.index_cast %mul3A_56 : i32 to index
      %get3A_613 = tpu.vector_load %arg4[%get3A_611, %get3A_612] {strides = array<i32>} : memref<64x512xf32, #tpu.memory_space<vmem>>, vector<16xf32>,
      %broadcast_in_dim3A_614 = arith.constant 40 : i32
      %broadcast_in_dim3A_615 = vector.broadcast %broadcast_in_dim3A_614 : i32 to vector<16xi32>
      %broadcast_in_dim3A_616 = arith.constant 41 : i32
      %broadcast_in_dim3A_617 = vector.broadcast %broadcast_in_dim3A_616 : i32 to vector<16xi32>
      %gt3A_618 = arith.cmpf ogt, %get3A_609, %select_n3A_602 : vector<16xf32>
      %gt3A_619 = arith.cmpf ogt, %get3A_613, %select_n3A_604 : vector<16xf32>
      %gt3A_620 = arith.cmpf ogt, %get3A_609, %select_n3A_595 : vector<16xf32>
      %gt3A_621 = arith.cmpf ogt, %get3A_613, %select_n3A_599 : vector<16xf32>
      %select_n3A_622 = arith.select %gt3A_620, %get3A_609, %select_n3A_595 : vector<16xi1>, vector<16xf32>
      %select_n3A_623 = arith.select %gt3A_618, %select_n3A_602, %select_n3A_622 : vector<16xi1>, vector<16xf32>
      %select_n3A_624 = arith.select %gt3A_620, %broadcast_in_dim3A_615, %select_n3A_597 : vector<16xi1>, vector<16xi32>
      %select_n3A_625 = arith.select %gt3A_618, %select_n3A_603, %select_n3A_624 : vector<16xi1>, vector<16xi32>
      %select_n3A_626 = arith.select %gt3A_621, %get3A_613, %select_n3A_599 : vector<16xi1>, vector<16xf32>
      %select_n3A_627 = arith.select %gt3A_619, %select_n3A_604, %select_n3A_626 : vector<16xi1>, vector<16xf32>
      %select_n3A_628 = arith.select %gt3A_621, %broadcast_in_dim3A_617, %select_n3A_601 : vector<16xi1>, vector<16xi32>
      %select_n3A_629 = arith.select %gt3A_619, %select_n3A_605, %select_n3A_628 : vector<16xi1>, vector<16xi32>
      %select_n3A_630 = arith.select %gt3A_618, %get3A_609, %select_n3A_602 : vector<16xi1>, vector<16xf32>
      %select_n3A_631 = arith.select %gt3A_618, %broadcast_in_dim3A_615, %select_n3A_603 : vector<16xi1>, vector<16xi32>
      %select_n3A_632 = arith.select %gt3A_619, %get3A_613, %select_n3A_604 : vector<16xi1>, vector<16xf32>
      %select_n3A_633 = arith.select %gt3A_619, %broadcast_in_dim3A_617, %select_n3A_605 : vector<16xi1>, vector<16xi32>
      %get3A_634 = arith.constant 42 : i32
      %get3A_635 = arith.index_cast %get3A_634 : i32 to index
      %get3A_636 = arith.index_cast %mul3A_56 : i32 to index
      %get3A_637 = tpu.vector_load %arg4[%get3A_635, %get3A_636] {strides = array<i32>} : memref<64x512xf32, #tpu.memory_space<vmem>>, vector<16xf32>,
      %get3A_638 = arith.constant 43 : i32
      %get3A_639 = arith.index_cast %get3A_638 : i32 to index
      %get3A_640 = arith.index_cast %mul3A_56 : i32 to index
      %get3A_641 = tpu.vector_load %arg4[%get3A_639, %get3A_640] {strides = array<i32>} : memref<64x512xf32, #tpu.memory_space<vmem>>, vector<16xf32>,
      %broadcast_in_dim3A_642 = arith.constant 42 : i32
      %broadcast_in_dim3A_643 = vector.broadcast %broadcast_in_dim3A_642 : i32 to vector<16xi32>
      %broadcast_in_dim3A_644 = arith.constant 43 : i32
      %broadcast_in_dim3A_645 = vector.broadcast %broadcast_in_dim3A_644 : i32 to vector<16xi32>
      %gt3A_646 = arith.cmpf ogt, %get3A_637, %select_n3A_630 : vector<16xf32>
      %gt3A_647 = arith.cmpf ogt, %get3A_641, %select_n3A_632 : vector<16xf32>
      %gt3A_648 = arith.cmpf ogt, %get3A_637, %select_n3A_623 : vector<16xf32>
      %gt3A_649 = arith.cmpf ogt, %get3A_641, %select_n3A_627 : vector<16xf32>
      %select_n3A_650 = arith.select %gt3A_648, %get3A_637, %select_n3A_623 : vector<16xi1>, vector<16xf32>
      %select_n3A_651 = arith.select %gt3A_646, %select_n3A_630, %select_n3A_650 : vector<16xi1>, vector<16xf32>
      %select_n3A_652 = arith.select %gt3A_648, %broadcast_in_dim3A_643, %select_n3A_625 : vector<16xi1>, vector<16xi32>
      %select_n3A_653 = arith.select %gt3A_646, %select_n3A_631, %select_n3A_652 : vector<16xi1>, vector<16xi32>
      %select_n3A_654 = arith.select %gt3A_649, %get3A_641, %select_n3A_627 : vector<16xi1>, vector<16xf32>
      %select_n3A_655 = arith.select %gt3A_647, %select_n3A_632, %select_n3A_654 : vector<16xi1>, vector<16xf32>
      %select_n3A_656 = arith.select %gt3A_649, %broadcast_in_dim3A_645, %select_n3A_629 : vector<16xi1>, vector<16xi32>
      %select_n3A_657 = arith.select %gt3A_647, %select_n3A_633, %select_n3A_656 : vector<16xi1>, vector<16xi32>
      %select_n3A_658 = arith.select %gt3A_646, %get3A_637, %select_n3A_630 : vector<16xi1>, vector<16xf32>
      %select_n3A_659 = arith.select %gt3A_646, %broadcast_in_dim3A_643, %select_n3A_631 : vector<16xi1>, vector<16xi32>
      %select_n3A_660 = arith.select %gt3A_647, %get3A_641, %select_n3A_632 : vector<16xi1>, vector<16xf32>
      %select_n3A_661 = arith.select %gt3A_647, %broadcast_in_dim3A_645, %select_n3A_633 : vector<16xi1>, vector<16xi32>
      %get3A_662 = arith.constant 44 : i32
      %get3A_663 = arith.index_cast %get3A_662 : i32 to index
      %get3A_664 = arith.index_cast %mul3A_56 : i32 to index
      %get3A_665 = tpu.vector_load %arg4[%get3A_663, %get3A_664] {strides = array<i32>} : memref<64x512xf32, #tpu.memory_space<vmem>>, vector<16xf32>,
      %get3A_666 = arith.constant 45 : i32
      %get3A_667 = arith.index_cast %get3A_666 : i32 to index
      %get3A_668 = arith.index_cast %mul3A_56 : i32 to index
      %get3A_669 = tpu.vector_load %arg4[%get3A_667, %get3A_668] {strides = array<i32>} : memref<64x512xf32, #tpu.memory_space<vmem>>, vector<16xf32>,
      %broadcast_in_dim3A_670 = arith.constant 44 : i32
      %broadcast_in_dim3A_671 = vector.broadcast %broadcast_in_dim3A_670 : i32 to vector<16xi32>
      %broadcast_in_dim3A_672 = arith.constant 45 : i32
      %broadcast_in_dim3A_673 = vector.broadcast %broadcast_in_dim3A_672 : i32 to vector<16xi32>
      %gt3A_674 = arith.cmpf ogt, %get3A_665, %select_n3A_658 : vector<16xf32>
      %gt3A_675 = arith.cmpf ogt, %get3A_669, %select_n3A_660 : vector<16xf32>
      %gt3A_676 = arith.cmpf ogt, %get3A_665, %select_n3A_651 : vector<16xf32>
      %gt3A_677 = arith.cmpf ogt, %get3A_669, %select_n3A_655 : vector<16xf32>
      %select_n3A_678 = arith.select %gt3A_676, %get3A_665, %select_n3A_651 : vector<16xi1>, vector<16xf32>
      %select_n3A_679 = arith.select %gt3A_674, %select_n3A_658, %select_n3A_678 : vector<16xi1>, vector<16xf32>
      %select_n3A_680 = arith.select %gt3A_676, %broadcast_in_dim3A_671, %select_n3A_653 : vector<16xi1>, vector<16xi32>
      %select_n3A_681 = arith.select %gt3A_674, %select_n3A_659, %select_n3A_680 : vector<16xi1>, vector<16xi32>
      %select_n3A_682 = arith.select %gt3A_677, %get3A_669, %select_n3A_655 : vector<16xi1>, vector<16xf32>
      %select_n3A_683 = arith.select %gt3A_675, %select_n3A_660, %select_n3A_682 : vector<16xi1>, vector<16xf32>
      %select_n3A_684 = arith.select %gt3A_677, %broadcast_in_dim3A_673, %select_n3A_657 : vector<16xi1>, vector<16xi32>
      %select_n3A_685 = arith.select %gt3A_675, %select_n3A_661, %select_n3A_684 : vector<16xi1>, vector<16xi32>
      %select_n3A_686 = arith.select %gt3A_674, %get3A_665, %select_n3A_658 : vector<16xi1>, vector<16xf32>
      %select_n3A_687 = arith.select %gt3A_674, %broadcast_in_dim3A_671, %select_n3A_659 : vector<16xi1>, vector<16xi32>
      %select_n3A_688 = arith.select %gt3A_675, %get3A_669, %select_n3A_660 : vector<16xi1>, vector<16xf32>
      %select_n3A_689 = arith.select %gt3A_675, %broadcast_in_dim3A_673, %select_n3A_661 : vector<16xi1>, vector<16xi32>
      %get3A_690 = arith.constant 46 : i32
      %get3A_691 = arith.index_cast %get3A_690 : i32 to index
      %get3A_692 = arith.index_cast %mul3A_56 : i32 to index
      %get3A_693 = tpu.vector_load %arg4[%get3A_691, %get3A_692] {strides = array<i32>} : memref<64x512xf32, #tpu.memory_space<vmem>>, vector<16xf32>,
      %get3A_694 = arith.constant 47 : i32
      %get3A_695 = arith.index_cast %get3A_694 : i32 to index
      %get3A_696 = arith.index_cast %mul3A_56 : i32 to index
      %get3A_697 = tpu.vector_load %arg4[%get3A_695, %get3A_696] {strides = array<i32>} : memref<64x512xf32, #tpu.memory_space<vmem>>, vector<16xf32>,
      %broadcast_in_dim3A_698 = arith.constant 46 : i32
      %broadcast_in_dim3A_699 = vector.broadcast %broadcast_in_dim3A_698 : i32 to vector<16xi32>
      %broadcast_in_dim3A_700 = arith.constant 47 : i32
      %broadcast_in_dim3A_701 = vector.broadcast %broadcast_in_dim3A_700 : i32 to vector<16xi32>
      %gt3A_702 = arith.cmpf ogt, %get3A_693, %select_n3A_686 : vector<16xf32>
      %gt3A_703 = arith.cmpf ogt, %get3A_697, %select_n3A_688 : vector<16xf32>
      %gt3A_704 = arith.cmpf ogt, %get3A_693, %select_n3A_679 : vector<16xf32>
      %gt3A_705 = arith.cmpf ogt, %get3A_697, %select_n3A_683 : vector<16xf32>
      %select_n3A_706 = arith.select %gt3A_704, %get3A_693, %select_n3A_679 : vector<16xi1>, vector<16xf32>
      %select_n3A_707 = arith.select %gt3A_702, %select_n3A_686, %select_n3A_706 : vector<16xi1>, vector<16xf32>
      %select_n3A_708 = arith.select %gt3A_704, %broadcast_in_dim3A_699, %select_n3A_681 : vector<16xi1>, vector<16xi32>
      %select_n3A_709 = arith.select %gt3A_702, %select_n3A_687, %select_n3A_708 : vector<16xi1>, vector<16xi32>
      %select_n3A_710 = arith.select %gt3A_705, %get3A_697, %select_n3A_683 : vector<16xi1>, vector<16xf32>
      %select_n3A_711 = arith.select %gt3A_703, %select_n3A_688, %select_n3A_710 : vector<16xi1>, vector<16xf32>
      %select_n3A_712 = arith.select %gt3A_705, %broadcast_in_dim3A_701, %select_n3A_685 : vector<16xi1>, vector<16xi32>
      %select_n3A_713 = arith.select %gt3A_703, %select_n3A_689, %select_n3A_712 : vector<16xi1>, vector<16xi32>
      %select_n3A_714 = arith.select %gt3A_702, %get3A_693, %select_n3A_686 : vector<16xi1>, vector<16xf32>
      %select_n3A_715 = arith.select %gt3A_702, %broadcast_in_dim3A_699, %select_n3A_687 : vector<16xi1>, vector<16xi32>
      %select_n3A_716 = arith.select %gt3A_703, %get3A_697, %select_n3A_688 : vector<16xi1>, vector<16xf32>
      %select_n3A_717 = arith.select %gt3A_703, %broadcast_in_dim3A_701, %select_n3A_689 : vector<16xi1>, vector<16xi32>
      %get3A_718 = arith.constant 48 : i32
      %get3A_719 = arith.index_cast %get3A_718 : i32 to index
      %get3A_720 = arith.index_cast %mul3A_56 : i32 to index
      %get3A_721 = tpu.vector_load %arg4[%get3A_719, %get3A_720] {strides = array<i32>} : memref<64x512xf32, #tpu.memory_space<vmem>>, vector<16xf32>,
      %get3A_722 = arith.constant 49 : i32
      %get3A_723 = arith.index_cast %get3A_722 : i32 to index
      %get3A_724 = arith.index_cast %mul3A_56 : i32 to index
      %get3A_725 = tpu.vector_load %arg4[%get3A_723, %get3A_724] {strides = array<i32>} : memref<64x512xf32, #tpu.memory_space<vmem>>, vector<16xf32>,
      %broadcast_in_dim3A_726 = arith.constant 48 : i32
      %broadcast_in_dim3A_727 = vector.broadcast %broadcast_in_dim3A_726 : i32 to vector<16xi32>
      %broadcast_in_dim3A_728 = arith.constant 49 : i32
      %broadcast_in_dim3A_729 = vector.broadcast %broadcast_in_dim3A_728 : i32 to vector<16xi32>
      %gt3A_730 = arith.cmpf ogt, %get3A_721, %select_n3A_714 : vector<16xf32>
      %gt3A_731 = arith.cmpf ogt, %get3A_725, %select_n3A_716 : vector<16xf32>
      %gt3A_732 = arith.cmpf ogt, %get3A_721, %select_n3A_707 : vector<16xf32>
      %gt3A_733 = arith.cmpf ogt, %get3A_725, %select_n3A_711 : vector<16xf32>
      %select_n3A_734 = arith.select %gt3A_732, %get3A_721, %select_n3A_707 : vector<16xi1>, vector<16xf32>
      %select_n3A_735 = arith.select %gt3A_730, %select_n3A_714, %select_n3A_734 : vector<16xi1>, vector<16xf32>
      %select_n3A_736 = arith.select %gt3A_732, %broadcast_in_dim3A_727, %select_n3A_709 : vector<16xi1>, vector<16xi32>
      %select_n3A_737 = arith.select %gt3A_730, %select_n3A_715, %select_n3A_736 : vector<16xi1>, vector<16xi32>
      %select_n3A_738 = arith.select %gt3A_733, %get3A_725, %select_n3A_711 : vector<16xi1>, vector<16xf32>
      %select_n3A_739 = arith.select %gt3A_731, %select_n3A_716, %select_n3A_738 : vector<16xi1>, vector<16xf32>
      %select_n3A_740 = arith.select %gt3A_733, %broadcast_in_dim3A_729, %select_n3A_713 : vector<16xi1>, vector<16xi32>
      %select_n3A_741 = arith.select %gt3A_731, %select_n3A_717, %select_n3A_740 : vector<16xi1>, vector<16xi32>
      %select_n3A_742 = arith.select %gt3A_730, %get3A_721, %select_n3A_714 : vector<16xi1>, vector<16xf32>
      %select_n3A_743 = arith.select %gt3A_730, %broadcast_in_dim3A_727, %select_n3A_715 : vector<16xi1>, vector<16xi32>
      %select_n3A_744 = arith.select %gt3A_731, %get3A_725, %select_n3A_716 : vector<16xi1>, vector<16xf32>
      %select_n3A_745 = arith.select %gt3A_731, %broadcast_in_dim3A_729, %select_n3A_717 : vector<16xi1>, vector<16xi32>
      %get3A_746 = arith.constant 50 : i32
      %get3A_747 = arith.index_cast %get3A_746 : i32 to index
      %get3A_748 = arith.index_cast %mul3A_56 : i32 to index
      %get3A_749 = tpu.vector_load %arg4[%get3A_747, %get3A_748] {strides = array<i32>} : memref<64x512xf32, #tpu.memory_space<vmem>>, vector<16xf32>,
      %get3A_750 = arith.constant 51 : i32
      %get3A_751 = arith.index_cast %get3A_750 : i32 to index
      %get3A_752 = arith.index_cast %mul3A_56 : i32 to index
      %get3A_753 = tpu.vector_load %arg4[%get3A_751, %get3A_752] {strides = array<i32>} : memref<64x512xf32, #tpu.memory_space<vmem>>, vector<16xf32>,
      %broadcast_in_dim3A_754 = arith.constant 50 : i32
      %broadcast_in_dim3A_755 = vector.broadcast %broadcast_in_dim3A_754 : i32 to vector<16xi32>
      %broadcast_in_dim3A_756 = arith.constant 51 : i32
      %broadcast_in_dim3A_757 = vector.broadcast %broadcast_in_dim3A_756 : i32 to vector<16xi32>
      %gt3A_758 = arith.cmpf ogt, %get3A_749, %select_n3A_742 : vector<16xf32>
      %gt3A_759 = arith.cmpf ogt, %get3A_753, %select_n3A_744 : vector<16xf32>
      %gt3A_760 = arith.cmpf ogt, %get3A_749, %select_n3A_735 : vector<16xf32>
      %gt3A_761 = arith.cmpf ogt, %get3A_753, %select_n3A_739 : vector<16xf32>
      %select_n3A_762 = arith.select %gt3A_760, %get3A_749, %select_n3A_735 : vector<16xi1>, vector<16xf32>
      %select_n3A_763 = arith.select %gt3A_758, %select_n3A_742, %select_n3A_762 : vector<16xi1>, vector<16xf32>
      %select_n3A_764 = arith.select %gt3A_760, %broadcast_in_dim3A_755, %select_n3A_737 : vector<16xi1>, vector<16xi32>
      %select_n3A_765 = arith.select %gt3A_758, %select_n3A_743, %select_n3A_764 : vector<16xi1>, vector<16xi32>
      %select_n3A_766 = arith.select %gt3A_761, %get3A_753, %select_n3A_739 : vector<16xi1>, vector<16xf32>
      %select_n3A_767 = arith.select %gt3A_759, %select_n3A_744, %select_n3A_766 : vector<16xi1>, vector<16xf32>
      %select_n3A_768 = arith.select %gt3A_761, %broadcast_in_dim3A_757, %select_n3A_741 : vector<16xi1>, vector<16xi32>
      %select_n3A_769 = arith.select %gt3A_759, %select_n3A_745, %select_n3A_768 : vector<16xi1>, vector<16xi32>
      %select_n3A_770 = arith.select %gt3A_758, %get3A_749, %select_n3A_742 : vector<16xi1>, vector<16xf32>
      %select_n3A_771 = arith.select %gt3A_758, %broadcast_in_dim3A_755, %select_n3A_743 : vector<16xi1>, vector<16xi32>
      %select_n3A_772 = arith.select %gt3A_759, %get3A_753, %select_n3A_744 : vector<16xi1>, vector<16xf32>
      %select_n3A_773 = arith.select %gt3A_759, %broadcast_in_dim3A_757, %select_n3A_745 : vector<16xi1>, vector<16xi32>
      %get3A_774 = arith.constant 52 : i32
      %get3A_775 = arith.index_cast %get3A_774 : i32 to index
      %get3A_776 = arith.index_cast %mul3A_56 : i32 to index
      %get3A_777 = tpu.vector_load %arg4[%get3A_775, %get3A_776] {strides = array<i32>} : memref<64x512xf32, #tpu.memory_space<vmem>>, vector<16xf32>,
      %get3A_778 = arith.constant 53 : i32
      %get3A_779 = arith.index_cast %get3A_778 : i32 to index
      %get3A_780 = arith.index_cast %mul3A_56 : i32 to index
      %get3A_781 = tpu.vector_load %arg4[%get3A_779, %get3A_780] {strides = array<i32>} : memref<64x512xf32, #tpu.memory_space<vmem>>, vector<16xf32>,
      %broadcast_in_dim3A_782 = arith.constant 52 : i32
      %broadcast_in_dim3A_783 = vector.broadcast %broadcast_in_dim3A_782 : i32 to vector<16xi32>
      %broadcast_in_dim3A_784 = arith.constant 53 : i32
      %broadcast_in_dim3A_785 = vector.broadcast %broadcast_in_dim3A_784 : i32 to vector<16xi32>
      %gt3A_786 = arith.cmpf ogt, %get3A_777, %select_n3A_770 : vector<16xf32>
      %gt3A_787 = arith.cmpf ogt, %get3A_781, %select_n3A_772 : vector<16xf32>
      %gt3A_788 = arith.cmpf ogt, %get3A_777, %select_n3A_763 : vector<16xf32>
      %gt3A_789 = arith.cmpf ogt, %get3A_781, %select_n3A_767 : vector<16xf32>
      %select_n3A_790 = arith.select %gt3A_788, %get3A_777, %select_n3A_763 : vector<16xi1>, vector<16xf32>
      %select_n3A_791 = arith.select %gt3A_786, %select_n3A_770, %select_n3A_790 : vector<16xi1>, vector<16xf32>
      %select_n3A_792 = arith.select %gt3A_788, %broadcast_in_dim3A_783, %select_n3A_765 : vector<16xi1>, vector<16xi32>
      %select_n3A_793 = arith.select %gt3A_786, %select_n3A_771, %select_n3A_792 : vector<16xi1>, vector<16xi32>
      %select_n3A_794 = arith.select %gt3A_789, %get3A_781, %select_n3A_767 : vector<16xi1>, vector<16xf32>
      %select_n3A_795 = arith.select %gt3A_787, %select_n3A_772, %select_n3A_794 : vector<16xi1>, vector<16xf32>
      %select_n3A_796 = arith.select %gt3A_789, %broadcast_in_dim3A_785, %select_n3A_769 : vector<16xi1>, vector<16xi32>
      %select_n3A_797 = arith.select %gt3A_787, %select_n3A_773, %select_n3A_796 : vector<16xi1>, vector<16xi32>
      %select_n3A_798 = arith.select %gt3A_786, %get3A_777, %select_n3A_770 : vector<16xi1>, vector<16xf32>
      %select_n3A_799 = arith.select %gt3A_786, %broadcast_in_dim3A_783, %select_n3A_771 : vector<16xi1>, vector<16xi32>
      %select_n3A_800 = arith.select %gt3A_787, %get3A_781, %select_n3A_772 : vector<16xi1>, vector<16xf32>
      %select_n3A_801 = arith.select %gt3A_787, %broadcast_in_dim3A_785, %select_n3A_773 : vector<16xi1>, vector<16xi32>
      %get3A_802 = arith.constant 54 : i32
      %get3A_803 = arith.index_cast %get3A_802 : i32 to index
      %get3A_804 = arith.index_cast %mul3A_56 : i32 to index
      %get3A_805 = tpu.vector_load %arg4[%get3A_803, %get3A_804] {strides = array<i32>} : memref<64x512xf32, #tpu.memory_space<vmem>>, vector<16xf32>,
      %get3A_806 = arith.constant 55 : i32
      %get3A_807 = arith.index_cast %get3A_806 : i32 to index
      %get3A_808 = arith.index_cast %mul3A_56 : i32 to index
      %get3A_809 = tpu.vector_load %arg4[%get3A_807, %get3A_808] {strides = array<i32>} : memref<64x512xf32, #tpu.memory_space<vmem>>, vector<16xf32>,
      %broadcast_in_dim3A_810 = arith.constant 54 : i32
      %broadcast_in_dim3A_811 = vector.broadcast %broadcast_in_dim3A_810 : i32 to vector<16xi32>
      %broadcast_in_dim3A_812 = arith.constant 55 : i32
      %broadcast_in_dim3A_813 = vector.broadcast %broadcast_in_dim3A_812 : i32 to vector<16xi32>
      %gt3A_814 = arith.cmpf ogt, %get3A_805, %select_n3A_798 : vector<16xf32>
      %gt3A_815 = arith.cmpf ogt, %get3A_809, %select_n3A_800 : vector<16xf32>
      %gt3A_816 = arith.cmpf ogt, %get3A_805, %select_n3A_791 : vector<16xf32>
      %gt3A_817 = arith.cmpf ogt, %get3A_809, %select_n3A_795 : vector<16xf32>
      %select_n3A_818 = arith.select %gt3A_816, %get3A_805, %select_n3A_791 : vector<16xi1>, vector<16xf32>
      %select_n3A_819 = arith.select %gt3A_814, %select_n3A_798, %select_n3A_818 : vector<16xi1>, vector<16xf32>
      %select_n3A_820 = arith.select %gt3A_816, %broadcast_in_dim3A_811, %select_n3A_793 : vector<16xi1>, vector<16xi32>
      %select_n3A_821 = arith.select %gt3A_814, %select_n3A_799, %select_n3A_820 : vector<16xi1>, vector<16xi32>
      %select_n3A_822 = arith.select %gt3A_817, %get3A_809, %select_n3A_795 : vector<16xi1>, vector<16xf32>
      %select_n3A_823 = arith.select %gt3A_815, %select_n3A_800, %select_n3A_822 : vector<16xi1>, vector<16xf32>
      %select_n3A_824 = arith.select %gt3A_817, %broadcast_in_dim3A_813, %select_n3A_797 : vector<16xi1>, vector<16xi32>
      %select_n3A_825 = arith.select %gt3A_815, %select_n3A_801, %select_n3A_824 : vector<16xi1>, vector<16xi32>
      %select_n3A_826 = arith.select %gt3A_814, %get3A_805, %select_n3A_798 : vector<16xi1>, vector<16xf32>
      %select_n3A_827 = arith.select %gt3A_814, %broadcast_in_dim3A_811, %select_n3A_799 : vector<16xi1>, vector<16xi32>
      %select_n3A_828 = arith.select %gt3A_815, %get3A_809, %select_n3A_800 : vector<16xi1>, vector<16xf32>
      %select_n3A_829 = arith.select %gt3A_815, %broadcast_in_dim3A_813, %select_n3A_801 : vector<16xi1>, vector<16xi32>
      %get3A_830 = arith.constant 56 : i32
      %get3A_831 = arith.index_cast %get3A_830 : i32 to index
      %get3A_832 = arith.index_cast %mul3A_56 : i32 to index
      %get3A_833 = tpu.vector_load %arg4[%get3A_831, %get3A_832] {strides = array<i32>} : memref<64x512xf32, #tpu.memory_space<vmem>>, vector<16xf32>,
      %get3A_834 = arith.constant 57 : i32
      %get3A_835 = arith.index_cast %get3A_834 : i32 to index
      %get3A_836 = arith.index_cast %mul3A_56 : i32 to index
      %get3A_837 = tpu.vector_load %arg4[%get3A_835, %get3A_836] {strides = array<i32>} : memref<64x512xf32, #tpu.memory_space<vmem>>, vector<16xf32>,
      %broadcast_in_dim3A_838 = arith.constant 56 : i32
      %broadcast_in_dim3A_839 = vector.broadcast %broadcast_in_dim3A_838 : i32 to vector<16xi32>
      %broadcast_in_dim3A_840 = arith.constant 57 : i32
      %broadcast_in_dim3A_841 = vector.broadcast %broadcast_in_dim3A_840 : i32 to vector<16xi32>
      %gt3A_842 = arith.cmpf ogt, %get3A_833, %select_n3A_826 : vector<16xf32>
      %gt3A_843 = arith.cmpf ogt, %get3A_837, %select_n3A_828 : vector<16xf32>
      %gt3A_844 = arith.cmpf ogt, %get3A_833, %select_n3A_819 : vector<16xf32>
      %gt3A_845 = arith.cmpf ogt, %get3A_837, %select_n3A_823 : vector<16xf32>
      %select_n3A_846 = arith.select %gt3A_844, %get3A_833, %select_n3A_819 : vector<16xi1>, vector<16xf32>
      %select_n3A_847 = arith.select %gt3A_842, %select_n3A_826, %select_n3A_846 : vector<16xi1>, vector<16xf32>
      %select_n3A_848 = arith.select %gt3A_844, %broadcast_in_dim3A_839, %select_n3A_821 : vector<16xi1>, vector<16xi32>
      %select_n3A_849 = arith.select %gt3A_842, %select_n3A_827, %select_n3A_848 : vector<16xi1>, vector<16xi32>
      %select_n3A_850 = arith.select %gt3A_845, %get3A_837, %select_n3A_823 : vector<16xi1>, vector<16xf32>
      %select_n3A_851 = arith.select %gt3A_843, %select_n3A_828, %select_n3A_850 : vector<16xi1>, vector<16xf32>
      %select_n3A_852 = arith.select %gt3A_845, %broadcast_in_dim3A_841, %select_n3A_825 : vector<16xi1>, vector<16xi32>
      %select_n3A_853 = arith.select %gt3A_843, %select_n3A_829, %select_n3A_852 : vector<16xi1>, vector<16xi32>
      %select_n3A_854 = arith.select %gt3A_842, %get3A_833, %select_n3A_826 : vector<16xi1>, vector<16xf32>
      %select_n3A_855 = arith.select %gt3A_842, %broadcast_in_dim3A_839, %select_n3A_827 : vector<16xi1>, vector<16xi32>
      %select_n3A_856 = arith.select %gt3A_843, %get3A_837, %select_n3A_828 : vector<16xi1>, vector<16xf32>
      %select_n3A_857 = arith.select %gt3A_843, %broadcast_in_dim3A_841, %select_n3A_829 : vector<16xi1>, vector<16xi32>
      %get3A_858 = arith.constant 58 : i32
      %get3A_859 = arith.index_cast %get3A_858 : i32 to index
      %get3A_860 = arith.index_cast %mul3A_56 : i32 to index
      %get3A_861 = tpu.vector_load %arg4[%get3A_859, %get3A_860] {strides = array<i32>} : memref<64x512xf32, #tpu.memory_space<vmem>>, vector<16xf32>,
      %get3A_862 = arith.constant 59 : i32
      %get3A_863 = arith.index_cast %get3A_862 : i32 to index
      %get3A_864 = arith.index_cast %mul3A_56 : i32 to index
      %get3A_865 = tpu.vector_load %arg4[%get3A_863, %get3A_864] {strides = array<i32>} : memref<64x512xf32, #tpu.memory_space<vmem>>, vector<16xf32>,
      %broadcast_in_dim3A_866 = arith.constant 58 : i32
      %broadcast_in_dim3A_867 = vector.broadcast %broadcast_in_dim3A_866 : i32 to vector<16xi32>
      %broadcast_in_dim3A_868 = arith.constant 59 : i32
      %broadcast_in_dim3A_869 = vector.broadcast %broadcast_in_dim3A_868 : i32 to vector<16xi32>
      %gt3A_870 = arith.cmpf ogt, %get3A_861, %select_n3A_854 : vector<16xf32>
      %gt3A_871 = arith.cmpf ogt, %get3A_865, %select_n3A_856 : vector<16xf32>
      %gt3A_872 = arith.cmpf ogt, %get3A_861, %select_n3A_847 : vector<16xf32>
      %gt3A_873 = arith.cmpf ogt, %get3A_865, %select_n3A_851 : vector<16xf32>
      %select_n3A_874 = arith.select %gt3A_872, %get3A_861, %select_n3A_847 : vector<16xi1>, vector<16xf32>
      %select_n3A_875 = arith.select %gt3A_870, %select_n3A_854, %select_n3A_874 : vector<16xi1>, vector<16xf32>
      %select_n3A_876 = arith.select %gt3A_872, %broadcast_in_dim3A_867, %select_n3A_849 : vector<16xi1>, vector<16xi32>
      %select_n3A_877 = arith.select %gt3A_870, %select_n3A_855, %select_n3A_876 : vector<16xi1>, vector<16xi32>
      %select_n3A_878 = arith.select %gt3A_873, %get3A_865, %select_n3A_851 : vector<16xi1>, vector<16xf32>
      %select_n3A_879 = arith.select %gt3A_871, %select_n3A_856, %select_n3A_878 : vector<16xi1>, vector<16xf32>
      %select_n3A_880 = arith.select %gt3A_873, %broadcast_in_dim3A_869, %select_n3A_853 : vector<16xi1>, vector<16xi32>
      %select_n3A_881 = arith.select %gt3A_871, %select_n3A_857, %select_n3A_880 : vector<16xi1>, vector<16xi32>
      %select_n3A_882 = arith.select %gt3A_870, %get3A_861, %select_n3A_854 : vector<16xi1>, vector<16xf32>
      %select_n3A_883 = arith.select %gt3A_870, %broadcast_in_dim3A_867, %select_n3A_855 : vector<16xi1>, vector<16xi32>
      %select_n3A_884 = arith.select %gt3A_871, %get3A_865, %select_n3A_856 : vector<16xi1>, vector<16xf32>
      %select_n3A_885 = arith.select %gt3A_871, %broadcast_in_dim3A_869, %select_n3A_857 : vector<16xi1>, vector<16xi32>
      %get3A_886 = arith.constant 60 : i32
      %get3A_887 = arith.index_cast %get3A_886 : i32 to index
      %get3A_888 = arith.index_cast %mul3A_56 : i32 to index
      %get3A_889 = tpu.vector_load %arg4[%get3A_887, %get3A_888] {strides = array<i32>} : memref<64x512xf32, #tpu.memory_space<vmem>>, vector<16xf32>,
      %get3A_890 = arith.constant 61 : i32
      %get3A_891 = arith.index_cast %get3A_890 : i32 to index
      %get3A_892 = arith.index_cast %mul3A_56 : i32 to index
      %get3A_893 = tpu.vector_load %arg4[%get3A_891, %get3A_892] {strides = array<i32>} : memref<64x512xf32, #tpu.memory_space<vmem>>, vector<16xf32>,
      %broadcast_in_dim3A_894 = arith.constant 60 : i32
      %broadcast_in_dim3A_895 = vector.broadcast %broadcast_in_dim3A_894 : i32 to vector<16xi32>
      %broadcast_in_dim3A_896 = arith.constant 61 : i32
      %broadcast_in_dim3A_897 = vector.broadcast %broadcast_in_dim3A_896 : i32 to vector<16xi32>
      %gt3A_898 = arith.cmpf ogt, %get3A_889, %select_n3A_882 : vector<16xf32>
      %gt3A_899 = arith.cmpf ogt, %get3A_893, %select_n3A_884 : vector<16xf32>
      %gt3A_900 = arith.cmpf ogt, %get3A_889, %select_n3A_875 : vector<16xf32>
      %gt3A_901 = arith.cmpf ogt, %get3A_893, %select_n3A_879 : vector<16xf32>
      %select_n3A_902 = arith.select %gt3A_900, %get3A_889, %select_n3A_875 : vector<16xi1>, vector<16xf32>
      %select_n3A_903 = arith.select %gt3A_898, %select_n3A_882, %select_n3A_902 : vector<16xi1>, vector<16xf32>
      %select_n3A_904 = arith.select %gt3A_900, %broadcast_in_dim3A_895, %select_n3A_877 : vector<16xi1>, vector<16xi32>
      %select_n3A_905 = arith.select %gt3A_898, %select_n3A_883, %select_n3A_904 : vector<16xi1>, vector<16xi32>
      %select_n3A_906 = arith.select %gt3A_901, %get3A_893, %select_n3A_879 : vector<16xi1>, vector<16xf32>
      %select_n3A_907 = arith.select %gt3A_899, %select_n3A_884, %select_n3A_906 : vector<16xi1>, vector<16xf32>
      %select_n3A_908 = arith.select %gt3A_901, %broadcast_in_dim3A_897, %select_n3A_881 : vector<16xi1>, vector<16xi32>
      %select_n3A_909 = arith.select %gt3A_899, %select_n3A_885, %select_n3A_908 : vector<16xi1>, vector<16xi32>
      %select_n3A_910 = arith.select %gt3A_898, %get3A_889, %select_n3A_882 : vector<16xi1>, vector<16xf32>
      %select_n3A_911 = arith.select %gt3A_898, %broadcast_in_dim3A_895, %select_n3A_883 : vector<16xi1>, vector<16xi32>
      %select_n3A_912 = arith.select %gt3A_899, %get3A_893, %select_n3A_884 : vector<16xi1>, vector<16xf32>
      %select_n3A_913 = arith.select %gt3A_899, %broadcast_in_dim3A_897, %select_n3A_885 : vector<16xi1>, vector<16xi32>
      %get3A_914 = arith.constant 62 : i32
      %get3A_915 = arith.index_cast %get3A_914 : i32 to index
      %get3A_916 = arith.index_cast %mul3A_56 : i32 to index
      %get3A_917 = tpu.vector_load %arg4[%get3A_915, %get3A_916] {strides = array<i32>} : memref<64x512xf32, #tpu.memory_space<vmem>>, vector<16xf32>,
      %get3A_918 = arith.constant 63 : i32
      %get3A_919 = arith.index_cast %get3A_918 : i32 to index
      %get3A_920 = arith.index_cast %mul3A_56 : i32 to index
      %get3A_921 = tpu.vector_load %arg4[%get3A_919, %get3A_920] {strides = array<i32>} : memref<64x512xf32, #tpu.memory_space<vmem>>, vector<16xf32>,
      %broadcast_in_dim3A_922 = arith.constant 62 : i32
      %broadcast_in_dim3A_923 = vector.broadcast %broadcast_in_dim3A_922 : i32 to vector<16xi32>
      %broadcast_in_dim3A_924 = arith.constant 63 : i32
      %broadcast_in_dim3A_925 = vector.broadcast %broadcast_in_dim3A_924 : i32 to vector<16xi32>
      %gt3A_926 = arith.cmpf ogt, %get3A_917, %select_n3A_910 : vector<16xf32>
      %gt3A_927 = arith.cmpf ogt, %get3A_921, %select_n3A_912 : vector<16xf32>
      %gt3A_928 = arith.cmpf ogt, %get3A_917, %select_n3A_903 : vector<16xf32>
      %gt3A_929 = arith.cmpf ogt, %get3A_921, %select_n3A_907 : vector<16xf32>
      %select_n3A_930 = arith.select %gt3A_928, %get3A_917, %select_n3A_903 : vector<16xi1>, vector<16xf32>
      %select_n3A_931 = arith.select %gt3A_926, %select_n3A_910, %select_n3A_930 : vector<16xi1>, vector<16xf32>
      %select_n3A_932 = arith.select %gt3A_928, %broadcast_in_dim3A_923, %select_n3A_905 : vector<16xi1>, vector<16xi32>
      %select_n3A_933 = arith.select %gt3A_926, %select_n3A_911, %select_n3A_932 : vector<16xi1>, vector<16xi32>
      %select_n3A_934 = arith.select %gt3A_929, %get3A_921, %select_n3A_907 : vector<16xi1>, vector<16xf32>
      %select_n3A_935 = arith.select %gt3A_927, %select_n3A_912, %select_n3A_934 : vector<16xi1>, vector<16xf32>
      %select_n3A_936 = arith.select %gt3A_929, %broadcast_in_dim3A_925, %select_n3A_909 : vector<16xi1>, vector<16xi32>
      %select_n3A_937 = arith.select %gt3A_927, %select_n3A_913, %select_n3A_936 : vector<16xi1>, vector<16xi32>
      %select_n3A_938 = arith.select %gt3A_926, %get3A_917, %select_n3A_910 : vector<16xi1>, vector<16xf32>
      %select_n3A_939 = arith.select %gt3A_926, %broadcast_in_dim3A_923, %select_n3A_911 : vector<16xi1>, vector<16xi32>
      %select_n3A_940 = arith.select %gt3A_927, %get3A_921, %select_n3A_912 : vector<16xi1>, vector<16xf32>
      %select_n3A_941 = arith.select %gt3A_927, %broadcast_in_dim3A_925, %select_n3A_913 : vector<16xi1>, vector<16xi32>
      %gt3A_942 = arith.cmpf ogt, %select_n3A_940, %select_n3A_938 : vector<16xf32>
      %eq3A = arith.cmpf oeq, %select_n3A_940, %select_n3A_938 : vector<16xf32>
      %lt3A = arith.cmpi slt, %select_n3A_941, %select_n3A_939 : vector<16xi32>
      %and3A = arith.andi %eq3A, %lt3A : vector<16xi1>
      %or3A = arith.ori %gt3A_942, %and3A : vector<16xi1>
      %select_n3A_943 = arith.select %or3A, %select_n3A_940, %select_n3A_938 : vector<16xi1>, vector<16xf32>
      %select_n3A_944 = arith.select %or3A, %select_n3A_941, %select_n3A_939 : vector<16xi1>, vector<16xi32>
      %select_n3A_945 = arith.select %or3A, %select_n3A_938, %select_n3A_940 : vector<16xi1>, vector<16xf32>
      %select_n3A_946 = arith.select %or3A, %select_n3A_939, %select_n3A_941 : vector<16xi1>, vector<16xi32>
      %gt3A_947 = arith.cmpf ogt, %select_n3A_931, %select_n3A_945 : vector<16xf32>
      %eq3A_948 = arith.cmpf oeq, %select_n3A_931, %select_n3A_945 : vector<16xf32>
      %lt3A_949 = arith.cmpi slt, %select_n3A_933, %select_n3A_946 : vector<16xi32>
      %and3A_950 = arith.andi %eq3A_948, %lt3A_949 : vector<16xi1>
      %or3A_951 = arith.ori %gt3A_947, %and3A_950 : vector<16xi1>
      %select_n3A_952 = arith.select %or3A_951, %select_n3A_931, %select_n3A_945 : vector<16xi1>, vector<16xf32>
      %select_n3A_953 = arith.select %or3A_951, %select_n3A_933, %select_n3A_946 : vector<16xi1>, vector<16xi32>
      %gt3A_954 = arith.cmpf ogt, %select_n3A_935, %select_n3A_952 : vector<16xf32>
      %eq3A_955 = arith.cmpf oeq, %select_n3A_935, %select_n3A_952 : vector<16xf32>
      %lt3A_956 = arith.cmpi slt, %select_n3A_937, %select_n3A_953 : vector<16xi32>
      %and3A_957 = arith.andi %eq3A_955, %lt3A_956 : vector<16xi1>
      %or3A_958 = arith.ori %gt3A_954, %and3A_957 : vector<16xi1>
      %select_n3A_959 = arith.select %or3A_958, %select_n3A_935, %select_n3A_952 : vector<16xi1>, vector<16xf32>
      %select_n3A_960 = arith.select %or3A_958, %select_n3A_937, %select_n3A_953 : vector<16xi1>, vector<16xi32>
      %sub3A = arith.subf %select_n3A_959, %select_n3A_943 : vector<16xf32>
      %exp3A = math.exp %sub3A : vector<16xf32>
      %add3A_961 = arith.constant 1.000000e+00 : f32
      %add3A_962 = vector.broadcast %add3A_961 : f32 to vector<16xf32>
      %add3A_963 = arith.addf %add3A_962, %exp3A : vector<16xf32>
      %div3A = arith.divf %exp3A, %add3A_963 : vector<16xf32>
      %sub3A_964 = arith.constant 1.000000e+00 : f32
      %sub3A_965 = vector.broadcast %sub3A_964 : f32 to vector<16xf32>
      %sub3A_966 = arith.subf %sub3A_965, %div3A : vector<16xf32>
      %mul3A_967 = arith.constant 16 : i32
      %mul3A_968 = arith.muli %scan3A_53, %mul3A_967 : i32
      %add3A_969 = vector.broadcast %mul3A_968 : i32 to vector<16xi32>
      %add3A_970 = arith.addi %iota3A, %add3A_969 : vector<16xi32>
      tpu.vector_store_idx %arg5[%add3A_970, %select_n3A_944], %sub3A_966 : memref<512x64xf32, #tpu.memory_space<vmem>>[vector<16xi32>, vector<16xi32>], vector<16xf32>,
      tpu.vector_store_idx %arg5[%add3A_970, %select_n3A_960], %div3A : memref<512x64xf32, #tpu.memory_space<vmem>>[vector<16xi32>, vector<16xi32>], vector<16xf32>,
      %mul3A_971 = arith.constant 2 : i32
      %mul3A_972 = arith.muli %mul3A_971, %scan3A_53 : i32
      %swap3A = arith.index_cast %mul3A_972 : i32 to index
      %swap3A_973 = arith.constant 0 : index
      %swap3A_974 = tpu.vector_load %arg6[%swap3A, %swap3A_973] {strides = array<i32>} : memref<64x16xi32, #tpu.memory_space<vmem>>, vector<16xi32>,
      tpu.vector_store %arg6[%swap3A, %swap3A_973], %select_n3A_944 {strides = array<i32>} : memref<64x16xi32, #tpu.memory_space<vmem>>, vector<16xi32>,
      %mul3A_975 = arith.constant 2 : i32
      %mul3A_976 = arith.muli %mul3A_975, %scan3A_53 : i32
      %add3A_977 = arith.constant 1 : i32
      %add3A_978 = arith.addi %mul3A_976, %add3A_977 : i32
      %swap3A_979 = arith.index_cast %add3A_978 : i32 to index
      %swap3A_980 = arith.constant 0 : index
      %swap3A_981 = tpu.vector_load %arg6[%swap3A_979, %swap3A_980] {strides = array<i32>} : memref<64x16xi32, #tpu.memory_space<vmem>>, vector<16xi32>,
      tpu.vector_store %arg6[%swap3A_979, %swap3A_980], %select_n3A_960 {strides = array<i32>} : memref<64x16xi32, #tpu.memory_space<vmem>>, vector<16xi32>,
      %scan3A_982 = arith.constant 0 : i32
      scf.yield %scan3A_982 : i32
    }
    %scan3A_48 = arith.constant 32 : i32
    %mul3A_49 = arith.constant 1024 : i32
    %mul3A_50 = arith.muli %add3A, %mul3A_49 : i32
    %add3A_51 = arith.constant 512 : i32
    %add3A_52 = arith.addi %mul3A_50, %add3A_51 : i32
    "tpu.region"() ({
      %run_scoped3A_53 = tpu.sem_alloc : memref<!tpu.dma_semaphore, #tpu.memory_space<semaphore_mem>>
      %dma_start3A_54 = arith.constant 0 : i32
      %dma_start3A_55 = tpu.memref_slice %arg3[%add3A_52, %dma_start3A_54] : memref<32768x64xf32, #tpu.memory_space<hbm>> -> memref<512x64xf32, #tpu.memory_space<hbm>>
      %dma_start3A_56 = arith.constant 0 : i32
      %dma_start3A_57 = tpu.memref_slice %arg3[%add3A_52, %dma_start3A_56] : memref<32768x64xf32, #tpu.memory_space<hbm>> -> memref<512x64xf32, #tpu.memory_space<hbm>>
      tpu.enqueue_dma source(%arg5 : memref<512x64xf32, #tpu.memory_space<vmem>>) target(%dma_start3A_57 : memref<512x64xf32, #tpu.memory_space<hbm>>) target_semaphore(%run_scoped3A_53 : memref<!tpu.dma_semaphore, #tpu.memory_space<semaphore_mem>>)
      %dma_wait3A_58 = arith.constant 0 : i32
      %dma_wait3A_59 = tpu.memref_slice %arg3[%add3A_52, %dma_wait3A_58] : memref<32768x64xf32, #tpu.memory_space<hbm>> -> memref<512x64xf32, #tpu.memory_space<hbm>>
      %dma_wait3A_60 = arith.constant 0 : i32
      %dma_wait3A_61 = tpu.memref_slice %arg3[%add3A_52, %dma_wait3A_60] : memref<32768x64xf32, #tpu.memory_space<hbm>> -> memref<512x64xf32, #tpu.memory_space<hbm>>
      tpu.wait_dma2 semaphore(%run_scoped3A_53 : memref<!tpu.dma_semaphore, #tpu.memory_space<semaphore_mem>>) src(%arg5 : memref<512x64xf32, #tpu.memory_space<vmem>>) dst(%dma_wait3A_61 : memref<512x64xf32, #tpu.memory_space<hbm>>)
      tpu.yield
    }) : () -> ()
    return
  }
}

module attributes {stable_mosaic.version = 14 : i64} {
  func.func @_logits_body(%arg0: i32, %arg1: memref<4096x768xf32, #tpu.memory_space<vmem>>, %arg2: memref<64x768xf32, #tpu.memory_space<vmem>>, %arg3: memref<64x1xf32, #tpu.memory_space<vmem>>, %arg4: memref<4x2x64x512xf32, #tpu.memory_space<vmem>>) attributes {dimension_semantics = [#tpu.dimension_semantics<arbitrary>], iteration_bounds = array<i64: 8>, scalar_prefetch = 0 : i64, scratch_operands = 0 : i64, tpu.core_type = #tpu.core_type<tc>, window_params = [{transform_indices = @transform_0, window_bounds = array<i64: 4096, 768>}, {pipeline_mode = #tpu.pipeline_mode<synchronous>, transform_indices = @transform_1, window_bounds = array<i64: 64, 768>}, {pipeline_mode = #tpu.pipeline_mode<synchronous>, transform_indices = @transform_2, window_bounds = array<i64: 64, 1>}, {transform_indices = @transform_3, window_bounds = array<i64: 4, 2, 64, 512>}]} {
    %get3A = arith.constant 0 : index
    %get3A_0 = arith.constant 0 : index
    %get3A_1 = vector.load %arg2[%get3A, %get3A_0] : memref<64x768xf32, #tpu.memory_space<vmem>>, vector<64x768xf32>
    %get3A_2 = arith.constant 0 : index
    %get3A_3 = arith.constant 0 : index
    %get3A_4 = vector.load %arg3[%get3A_2, %get3A_3] : memref<64x1xf32, #tpu.memory_space<vmem>>, vector<64x1xf32>
    %get3A_5 = arith.constant 0 : index
    %get3A_6 = arith.constant 0 : index
    %get3A_7 = vector.load %arg1[%get3A_5, %get3A_6] : memref<4096x768xf32, #tpu.memory_space<vmem>>, vector<1024x768xf32>
    %dot_general3A = arith.constant dense<0.000000e+00> : vector<64x1024xf32>
    %dot_general3A_8 = tpu.matmul %get3A_1, %get3A_7, %dot_general3A {dimension_numbers = #tpu.dot_dimension_numbers<[1], [1], [0], [0], [0, 0, 1, 0], [], []>, transpose_lhs_hint = false} : vector<64x768xf32>, vector<1024x768xf32>, vector<64x1024xf32> -> vector<64x1024xf32>
    %add3A = vector.broadcast %get3A_4 : vector<64x1xf32> to vector<64x1024xf32>
    %add3A_9 = arith.addf %dot_general3A_8, %add3A : vector<64x1024xf32>
    %slice3A = vector.extract_strided_slice %add3A_9 {offsets = [0, 0], sizes = [64, 512], strides = [1, 1]} : vector<64x1024xf32> to vector<64x512xf32>
    %swap3A = arith.constant 0 : index
    %swap3A_10 = arith.constant 0 : index
    %swap3A_11 = arith.constant 0 : index
    %swap3A_12 = arith.constant 0 : index
    %swap3A_13 = vector.load %arg4[%swap3A, %swap3A_10, %swap3A_11, %swap3A_12] : memref<4x2x64x512xf32, #tpu.memory_space<vmem>>, vector<1x1x64x512xf32>
    %swap3A_14 = vector.shape_cast %swap3A_13 : vector<1x1x64x512xf32> to vector<64x512xf32>
    %swap3A_15 = vector.shape_cast %slice3A : vector<64x512xf32> to vector<1x1x64x512xf32>
    tpu.vector_store %arg4[%swap3A, %swap3A_10, %swap3A_11, %swap3A_12], %swap3A_15 {strides = array<i32>} : memref<4x2x64x512xf32, #tpu.memory_space<vmem>>, vector<1x1x64x512xf32>,
    %slice3A_16 = vector.extract_strided_slice %add3A_9 {offsets = [0, 512], sizes = [64, 512], strides = [1, 1]} : vector<64x1024xf32> to vector<64x512xf32>
    %swap3A_17 = arith.constant 0 : index
    %swap3A_18 = arith.constant 1 : index
    %swap3A_19 = arith.constant 0 : index
    %swap3A_20 = arith.constant 0 : index
    %swap3A_21 = vector.load %arg4[%swap3A_17, %swap3A_18, %swap3A_19, %swap3A_20] : memref<4x2x64x512xf32, #tpu.memory_space<vmem>>, vector<1x1x64x512xf32>
    %swap3A_22 = vector.shape_cast %swap3A_21 : vector<1x1x64x512xf32> to vector<64x512xf32>
    %swap3A_23 = vector.shape_cast %slice3A_16 : vector<64x512xf32> to vector<1x1x64x512xf32>
    tpu.vector_store %arg4[%swap3A_17, %swap3A_18, %swap3A_19, %swap3A_20], %swap3A_23 {strides = array<i32>} : memref<4x2x64x512xf32, #tpu.memory_space<vmem>>, vector<1x1x64x512xf32>,
    %get3A_24 = arith.constant 1024 : index
    %get3A_25 = arith.constant 0 : index
    %get3A_26 = vector.load %arg1[%get3A_24, %get3A_25] : memref<4096x768xf32, #tpu.memory_space<vmem>>, vector<1024x768xf32>
    %dot_general3A_27 = arith.constant dense<0.000000e+00> : vector<64x1024xf32>
    %dot_general3A_28 = tpu.matmul %get3A_1, %get3A_26, %dot_general3A_27 {dimension_numbers = #tpu.dot_dimension_numbers<[1], [1], [0], [0], [0, 0, 1, 0], [], []>, transpose_lhs_hint = false} : vector<64x768xf32>, vector<1024x768xf32>, vector<64x1024xf32> -> vector<64x1024xf32>
    %add3A_29 = vector.broadcast %get3A_4 : vector<64x1xf32> to vector<64x1024xf32>
    %add3A_30 = arith.addf %dot_general3A_28, %add3A_29 : vector<64x1024xf32>
    %slice3A_31 = vector.extract_strided_slice %add3A_30 {offsets = [0, 0], sizes = [64, 512], strides = [1, 1]} : vector<64x1024xf32> to vector<64x512xf32>
    %swap3A_32 = arith.constant 1 : index
    %swap3A_33 = arith.constant 0 : index
    %swap3A_34 = arith.constant 0 : index
    %swap3A_35 = arith.constant 0 : index
    %swap3A_36 = vector.load %arg4[%swap3A_32, %swap3A_33, %swap3A_34, %swap3A_35] : memref<4x2x64x512xf32, #tpu.memory_space<vmem>>, vector<1x1x64x512xf32>
    %swap3A_37 = vector.shape_cast %swap3A_36 : vector<1x1x64x512xf32> to vector<64x512xf32>
    %swap3A_38 = vector.shape_cast %slice3A_31 : vector<64x512xf32> to vector<1x1x64x512xf32>
    tpu.vector_store %arg4[%swap3A_32, %swap3A_33, %swap3A_34, %swap3A_35], %swap3A_38 {strides = array<i32>} : memref<4x2x64x512xf32, #tpu.memory_space<vmem>>, vector<1x1x64x512xf32>,
    %slice3A_39 = vector.extract_strided_slice %add3A_30 {offsets = [0, 512], sizes = [64, 512], strides = [1, 1]} : vector<64x1024xf32> to vector<64x512xf32>
    %swap3A_40 = arith.constant 1 : index
    %swap3A_41 = arith.constant 1 : index
    %swap3A_42 = arith.constant 0 : index
    %swap3A_43 = arith.constant 0 : index
    %swap3A_44 = vector.load %arg4[%swap3A_40, %swap3A_41, %swap3A_42, %swap3A_43] : memref<4x2x64x512xf32, #tpu.memory_space<vmem>>, vector<1x1x64x512xf32>
    %swap3A_45 = vector.shape_cast %swap3A_44 : vector<1x1x64x512xf32> to vector<64x512xf32>
    %swap3A_46 = vector.shape_cast %slice3A_39 : vector<64x512xf32> to vector<1x1x64x512xf32>
    tpu.vector_store %arg4[%swap3A_40, %swap3A_41, %swap3A_42, %swap3A_43], %swap3A_46 {strides = array<i32>} : memref<4x2x64x512xf32, #tpu.memory_space<vmem>>, vector<1x1x64x512xf32>,
    %get3A_47 = arith.constant 2048 : index
    %get3A_48 = arith.constant 0 : index
    %get3A_49 = vector.load %arg1[%get3A_47, %get3A_48] : memref<4096x768xf32, #tpu.memory_space<vmem>>, vector<1024x768xf32>
    %dot_general3A_50 = arith.constant dense<0.000000e+00> : vector<64x1024xf32>
    %dot_general3A_51 = tpu.matmul %get3A_1, %get3A_49, %dot_general3A_50 {dimension_numbers = #tpu.dot_dimension_numbers<[1], [1], [0], [0], [0, 0, 1, 0], [], []>, transpose_lhs_hint = false} : vector<64x768xf32>, vector<1024x768xf32>, vector<64x1024xf32> -> vector<64x1024xf32>
    %add3A_52 = vector.broadcast %get3A_4 : vector<64x1xf32> to vector<64x1024xf32>
    %add3A_53 = arith.addf %dot_general3A_51, %add3A_52 : vector<64x1024xf32>
    %slice3A_54 = vector.extract_strided_slice %add3A_53 {offsets = [0, 0], sizes = [64, 512], strides = [1, 1]} : vector<64x1024xf32> to vector<64x512xf32>
    %swap3A_55 = arith.constant 2 : index
    %swap3A_56 = arith.constant 0 : index
    %swap3A_57 = arith.constant 0 : index
    %swap3A_58 = arith.constant 0 : index
    %swap3A_59 = vector.load %arg4[%swap3A_55, %swap3A_56, %swap3A_57, %swap3A_58] : memref<4x2x64x512xf32, #tpu.memory_space<vmem>>, vector<1x1x64x512xf32>
    %swap3A_60 = vector.shape_cast %swap3A_59 : vector<1x1x64x512xf32> to vector<64x512xf32>
    %swap3A_61 = vector.shape_cast %slice3A_54 : vector<64x512xf32> to vector<1x1x64x512xf32>
    tpu.vector_store %arg4[%swap3A_55, %swap3A_56, %swap3A_57, %swap3A_58], %swap3A_61 {strides = array<i32>} : memref<4x2x64x512xf32, #tpu.memory_space<vmem>>, vector<1x1x64x512xf32>,
    %slice3A_62 = vector.extract_strided_slice %add3A_53 {offsets = [0, 512], sizes = [64, 512], strides = [1, 1]} : vector<64x1024xf32> to vector<64x512xf32>
    %swap3A_63 = arith.constant 2 : index
    %swap3A_64 = arith.constant 1 : index
    %swap3A_65 = arith.constant 0 : index
    %swap3A_66 = arith.constant 0 : index
    %swap3A_67 = vector.load %arg4[%swap3A_63, %swap3A_64, %swap3A_65, %swap3A_66] : memref<4x2x64x512xf32, #tpu.memory_space<vmem>>, vector<1x1x64x512xf32>
    %swap3A_68 = vector.shape_cast %swap3A_67 : vector<1x1x64x512xf32> to vector<64x512xf32>
    %swap3A_69 = vector.shape_cast %slice3A_62 : vector<64x512xf32> to vector<1x1x64x512xf32>
    tpu.vector_store %arg4[%swap3A_63, %swap3A_64, %swap3A_65, %swap3A_66], %swap3A_69 {strides = array<i32>} : memref<4x2x64x512xf32, #tpu.memory_space<vmem>>, vector<1x1x64x512xf32>,
    %get3A_70 = arith.constant 3072 : index
    %get3A_71 = arith.constant 0 : index
    %get3A_72 = vector.load %arg1[%get3A_70, %get3A_71] : memref<4096x768xf32, #tpu.memory_space<vmem>>, vector<1024x768xf32>
    %dot_general3A_73 = arith.constant dense<0.000000e+00> : vector<64x1024xf32>
    %dot_general3A_74 = tpu.matmul %get3A_1, %get3A_72, %dot_general3A_73 {dimension_numbers = #tpu.dot_dimension_numbers<[1], [1], [0], [0], [0, 0, 1, 0], [], []>, transpose_lhs_hint = false} : vector<64x768xf32>, vector<1024x768xf32>, vector<64x1024xf32> -> vector<64x1024xf32>
    %add3A_75 = vector.broadcast %get3A_4 : vector<64x1xf32> to vector<64x1024xf32>
    %add3A_76 = arith.addf %dot_general3A_74, %add3A_75 : vector<64x1024xf32>
    %slice3A_77 = vector.extract_strided_slice %add3A_76 {offsets = [0, 0], sizes = [64, 512], strides = [1, 1]} : vector<64x1024xf32> to vector<64x512xf32>
    %swap3A_78 = arith.constant 3 : index
    %swap3A_79 = arith.constant 0 : index
    %swap3A_80 = arith.constant 0 : index
    %swap3A_81 = arith.constant 0 : index
    %swap3A_82 = vector.load %arg4[%swap3A_78, %swap3A_79, %swap3A_80, %swap3A_81] : memref<4x2x64x512xf32, #tpu.memory_space<vmem>>, vector<1x1x64x512xf32>
    %swap3A_83 = vector.shape_cast %swap3A_82 : vector<1x1x64x512xf32> to vector<64x512xf32>
    %swap3A_84 = vector.shape_cast %slice3A_77 : vector<64x512xf32> to vector<1x1x64x512xf32>
    tpu.vector_store %arg4[%swap3A_78, %swap3A_79, %swap3A_80, %swap3A_81], %swap3A_84 {strides = array<i32>} : memref<4x2x64x512xf32, #tpu.memory_space<vmem>>, vector<1x1x64x512xf32>,
    %slice3A_85 = vector.extract_strided_slice %add3A_76 {offsets = [0, 512], sizes = [64, 512], strides = [1, 1]} : vector<64x1024xf32> to vector<64x512xf32>
    %swap3A_86 = arith.constant 3 : index
    %swap3A_87 = arith.constant 1 : index
    %swap3A_88 = arith.constant 0 : index
    %swap3A_89 = arith.constant 0 : index
    %swap3A_90 = vector.load %arg4[%swap3A_86, %swap3A_87, %swap3A_88, %swap3A_89] : memref<4x2x64x512xf32, #tpu.memory_space<vmem>>, vector<1x1x64x512xf32>
    %swap3A_91 = vector.shape_cast %swap3A_90 : vector<1x1x64x512xf32> to vector<64x512xf32>
    %swap3A_92 = vector.shape_cast %slice3A_85 : vector<64x512xf32> to vector<1x1x64x512xf32>
    tpu.vector_store %arg4[%swap3A_86, %swap3A_87, %swap3A_88, %swap3A_89], %swap3A_92 {strides = array<i32>} : memref<4x2x64x512xf32, #tpu.memory_space<vmem>>, vector<1x1x64x512xf32>,
    return
  }
  func.func @transform_0(%arg0: i32) -> (i32, i32) {
    %c0_i32 = arith.constant 0 : i32
    %c0_i32_0 = arith.constant 0 : i32
    return %arg0, %c0_i32 : i32, i32
  }
  func.func @transform_1(%arg0: i32) -> (i32, i32) {
    %c0_i32 = arith.constant 0 : i32
    %c0_i32_0 = arith.constant 0 : i32
    %c0_i32_1 = arith.constant 0 : i32
    return %c0_i32, %c0_i32_0 : i32, i32
  }
  func.func @transform_2(%arg0: i32) -> (i32, i32) {
    %c0_i32 = arith.constant 0 : i32
    %c0_i32_0 = arith.constant 0 : i32
    %c0_i32_1 = arith.constant 0 : i32
    return %c0_i32, %c0_i32_0 : i32, i32
  }
  func.func @transform_3(%arg0: i32) -> (i32, i32, i32, i32) {
    %c0_i32 = arith.constant 0 : i32
    %c0_i32_0 = arith.constant 0 : i32
    %c0_i32_1 = arith.constant 0 : i32
    %c0_i32_2 = arith.constant 0 : i32
    return %arg0, %c0_i32, %c0_i32_0, %c0_i32_1 : i32, i32, i32, i32
  }
}

</mosaic_0001>

<sc_bundles>
// kernel: kernel.4.cloned.1.call-start
scs
__scs_entry_jumppad:
0x0: {  	(pc) =	sbr.rel $0x88, $3  }
0x1: {  	(tag) =	ssettag $0x0;
	lr =	simm.s32 $0x1  }
0x2: {  	[smem:$0x3F9E] =	sst lr;
	_ =	strace $0xD0000000  }
0x3: {  	_ = 	snop  }
0x4: {  	_ = 	snop  }
0x5: {  	_ = 	snop  }
0x6: {  	_ = 	snop  }
0x7: {  	_ = 	snop  }
__scs_overlays_trampoline_lowered:
0x8: {  	[smem:$0x3FAD] =	sst s0  }
0x9: {  	[smem:$0x3FAE] =	sst s1  }
0xa: {  	[smem:$0x3FAF] =	sst s2  }
0xb: {  	[smem:$0x3FB0] =	sst s3  }
0xc: {  	[smem:$0x3FB1] =	sst s4  }
0xd: {  	[smem:$0x3FB2] =	sst s5  }
0xe: {  	[smem:$0x3FB3] =	sst s6  }
0xf: {  	[smem:$0x3FB4] =	sst s7  }
0x10: {  	[smem:$0x3FB5] =	sst s8  }
0x11: {  	[smem:$0x3FB6] =	sst s9;
	s0 =	simm.s32 @!p0 $0x0  }
0x12: {  	s1 =	sld [smem:$0x3F9C];
	s0 =	simm.s32 @p0 $0x1  }
0x13: {  	[smem:$0x3FB7] =	sst s0;
	s0 =	simm.s32 @!p1 $0x0  }
0x14: {  	s2 =	sld [smem:$0x3F9B];
	s0 =	simm.s32 @p1 $0x1  }
0x15: {  	[smem:$0x3FB8] =	sst s0;
	s0 =	simm.s32 @!p2 $0x0  }
0x16: {  	s3 =	sld [smem:$0x3FDB];
	s0 =	simm.s32 @p2 $0x1  }
0x17: {  	s4 =	simm.s32 $0x1BF5;
	[smem:$0x3FBA] =	sst s0  }
0x18: {  	s0 =	sld [smem:$0x3F9D];
	_ =	swait.ge [sflag:s4], $0x0  }
0x19: {  	s7 =	sld [smem:$0x3F9E]  }
0x1a: {  	s8 =	sadd.s32 $0xFFFFE003, lr  }
0x1b: {  	s9 =	sadd.s32 $0xFFFFFEF7, lr;
	s5 =	simm.s32 $0xFFFFFFFF;
	p2 =	slt.u32 s8, $0xFFFFF086  }
0x1c: {  	p1 =	slt.u32 s9, $0xF7A;
	s5 =	simm.s32 @!p2 $0x0  }
0x1d: {  	s5 =	simm.s32 @p1 $0x1;
	p0 =	seq.s32 s7, s2  }
0x1e: {  	s7 =	smul.u32 @!p0 $0xF7A, s2;
	p2 =	seq.s32 @!p0 s5, $0x0  }
0x1f: {  	s9 =	smul.u32 $0xF7A, s1;
	s8 =	simm.s32 @!p0 $0x1BF5;
	p2 =	por !p2, p0  }
0x20: {  	[sflag:s8] =	ssyncset.s32 @!p0 $0xFFFFF086;
	s6 =	sadd.s32 @!p0 s3, s7;
	s7 =	simm.s32 @!p0 $0x108  }
0x21: {  	s3 =	sadd.s32 s3, s9;
	s6 =	sadd.s32 @!p0 $0x88, s6;
	s7 =	simm.s32 @p2 $0x1082  }
0x22: {  	[simem:s7], [sflag:s8] =	dma.local @!p0 [hbm:s6], $0xF7A  }
0x23: {  	s9 =	sor.u32 $0xD0000000, s2;
	s6 =	simm.s32 $0x108;
	_ =	swait.ge @!p0 [sflag:s8], $0x0  }
0x24: {  	s3 =	sadd.s32 $0x88, s3;
	s6 =	simm.s32 @!p1 $0x1082;
	[sflag:s4] =	ssyncset.s32 $0xFFFFF086  }
0x25: {  	[simem:s6], [sflag:s4] =	dma.local [hbm:s3], $0xF7A  }
0x26: {  	[smem:$0x3F9E] =	sst s1;
	(tag) =	ssettag s2;
	_ =	strace s9  }
0x27: {  	s1 =	sld [smem:$0x3FAE]  }
0x28: {  	s2 =	sld [smem:$0x3FAF]  }
0x29: {  	s4 =	sld [smem:$0x3FB1]  }
0x2a: {  	p0 =	seq.s32 s5, $0x0;
	s5 =	sld [smem:$0x3FB2]  }
0x2b: {  	s6 =	sld [smem:$0x3FB3]  }
0x2c: {  	s7 =	sld [smem:$0x3FB4]  }
0x2d: {  	s3 =	simm.s32 $0x108;
	s8 =	sld [smem:$0x3FB5]  }
0x2e: {  	s3 =	simm.s32 @!p0 $0x1082;
	s9 =	sld [smem:$0x3FB6]  }
0x2f: {  	lr =	sadd.s32 s0, s3;
	s0 =	sld [smem:$0x3FAD]  }
0x30: {  	s3 =	sld [smem:$0x3FB0]  }
0x31: {  	[smem:$0x3FB9] =	sst s10  }
0x32: {  	s10 =	sld [smem:$0x3FB7];
	_ =	sdelay $0x3  }
0x33: {  	p0 =	seq.s32 s10, $0x1;
	s10 =	sld [smem:$0x3FB9];
	_ =	sdelay $0x3  }
0x34: {  	[smem:$0x3FB9] =	sst s10  }
0x35: {  	s10 =	sld [smem:$0x3FB8];
	_ =	sdelay $0x3  }
0x36: {  	p1 =	seq.s32 s10, $0x1;
	s10 =	sld [smem:$0x3FB9];
	_ =	sdelay $0x3  }
0x37: {  	[smem:$0x3FB9] =	sst s10  }
0x38: {  	s10 =	sld [smem:$0x3FBA]  }
0x39: {  	_ = 	snop;
	(pc) =	sbr.ind lr, $3  }
0x3a: {  	_ = 	snop  }
0x3b: {  	_ = 	snop  }
0x3c: {  	p2 =	seq.s32 s10, $0x1;
	s10 =	sld [smem:$0x3FB9]  }
0x3d: {  	_ =	shalt  }
0x3e: {  	_ =	shalt  }
0x3f: {  	_ =	shalt  }
0x40: {  	_ =	shalt  }
0x41: {  	_ =	shalt  }
0x42: {  	_ =	shalt  }
0x43: {  	_ =	shalt  }
0x44: {  	_ =	shalt  }
0x45: {  	_ =	shalt  }
0x46: {  	_ =	shalt  }
0x47: {  	_ =	shalt  }
0x48: {  	_ =	shalt  }
0x49: {  	_ =	shalt  }
0x4a: {  	_ =	shalt  }
0x4b: {  	_ =	shalt  }
0x4c: {  	_ =	shalt  }
0x4d: {  	_ =	shalt  }
0x4e: {  	_ =	shalt  }
0x4f: {  	_ =	shalt  }
0x50: {  	_ =	shalt  }
0x51: {  	_ =	shalt  }
0x52: {  	_ =	shalt  }
0x53: {  	_ =	shalt  }
0x54: {  	_ =	shalt  }
0x55: {  	_ =	shalt  }
0x56: {  	_ =	shalt  }
0x57: {  	_ =	shalt  }
0x58: {  	_ =	shalt  }
0x59: {  	_ =	shalt  }
0x5a: {  	_ =	shalt  }
0x5b: {  	_ =	shalt  }
0x5c: {  	_ =	shalt  }
0x5d: {  	_ =	shalt  }
0x5e: {  	_ =	shalt  }
0x5f: {  	_ =	shalt  }
0x60: {  	_ =	shalt  }
0x61: {  	_ =	shalt  }
0x62: {  	_ =	shalt  }
0x63: {  	_ =	shalt  }
0x64: {  	_ =	shalt  }
0x65: {  	_ =	shalt  }
0x66: {  	_ =	shalt  }
0x67: {  	_ =	shalt  }
0x68: {  	_ =	shalt  }
0x69: {  	_ =	shalt  }
0x6a: {  	_ =	shalt  }
0x6b: {  	_ =	shalt  }
0x6c: {  	_ =	shalt  }
0x6d: {  	_ =	shalt  }
0x6e: {  	_ =	shalt  }
0x6f: {  	_ =	shalt  }
0x70: {  	_ =	shalt  }
0x71: {  	_ =	shalt  }
0x72: {  	_ =	shalt  }
0x73: {  	_ =	shalt  }
0x74: {  	_ =	shalt  }
0x75: {  	_ =	shalt  }
0x76: {  	_ =	shalt  }
0x77: {  	_ =	shalt  }
0x78: {  	_ =	shalt  }
0x79: {  	_ =	shalt  }
0x7a: {  	_ =	shalt  }
0x7b: {  	_ =	shalt  }
0x7c: {  	_ =	shalt  }
0x7d: {  	_ =	shalt  }
0x7e: {  	_ =	shalt  }
0x7f: {  	_ =	shalt  }
0x80: {  	_ =	shalt  }
0x81: {  	_ =	shalt  }
0x82: {  	_ =	shalt  }
0x83: {  	_ =	shalt  }
0x84: {  	_ =	shalt  }
0x85: {  	_ =	shalt  }
0x86: {  	_ =	shalt  }
0x87: {  	_ =	shalt  }
.Lfunc_end0:
.L_simem_size_0:
called_computation_lowered:
.L_overlay_start_0:
0x88: {  	s2 =	sld [smem:$0x3FD9]  }
0x89: {  	s3 =	sld [smem:$0x3FFE];
	_ =	sdelay $0x1  }
0x8a: {  	s1 =	srdreg.scid  }
0x8b: {  	s0 =	sand.u32 $0x1, s1  }
0x8c: {  	s17 =	sshll.u32 s0, $0xA;
	s2 =	sadd.s32 s3, s2  }
0x8d: {  	s2 =	sadd.s32 s2, s17  }
0x8e: {  	[smem:$0x3FC5] =	sst s2  }
0x8f: {  	_ = 	snop  }
0x90: {  	s2 =	sld [smem:$0x3FD0];
	(tm) =	ssettm $0x1  }
0x91: {  	s18 =	sld [smem:$0x3FFB];
	_ =	sdelay $0x3  }
0x92: {  	_ =	strace s18  }
0x93: {  	s3 =	sld [smem:$0x3FFC];
	_ =	sdelay $0x3  }
0x94: {  	_ =	strace s3  }
0x95: {  	s3 =	sld [smem:$0x3FFD];
	_ =	sdelay $0x3  }
0x96: {  	_ =	strace s3  }
0x97: {  	_ =	strace $0x8FFFFFFF  }
0x98: {  	s19 =	sld [smem:$0x3FDB];
	_ =	sdelay $0x1  }
0x99: {  	s4 =	simm.s32 $_scs_section_size  }
0x9a: {  	s5 =	simm.s32 $_size__tile_overlayer_lowered;
	s6 =	simm.s32 $_tile_overlayer_lowered  }
0x9b: {  	s22 =	simm.s32 $0x1BFF;
	s21 =	sshll.u32 s6, $0x1;
	s3 =	sadd.s32 s4, s19  }
0x9c: {  	s7 =	simm.s32 $0x0;
	s20 =	sshll.u32 s5, $0x1;
	s5 =	sadd.s32 s21, s3  }
0x9d: {  	[timem:s7], [sflag:s22] =	dma.local [hbm:s5], s20  }
0x9e: {  	_ =	swait.ge [sflag:s22], s20  }
0x9f: {  	s4 =	ssub.s32 $0x0, s20;
	[sflag:s22] =	ssyncset.done $0x0  }
0xa0: {  	[sflag:s22] =	ssyncadd.s32 s4;
	_ =	sdelay $0x1  }
0xa1: {  	s23 =	simm.s32 $0x1B8B  }
0xa2: {  	_ =	swait.ge [sflag:s23], $0x1  }
0xa3: {  	[sflag:s23] =	ssyncset.done $0x0  }
0xa4: {  	s25 =	simm.s32 $0x1B8E;
	s24 =	sld [smem:$0x3FFE];
	[sflag:s23] =	ssyncadd.s32 $0xFFFFFFFF  }
0xa5: {  	s26 =	simm.s32 $execute0_lowered;
	[smem:$0x3FD2] =	sst s25  }
0xa6: {  	s5 =	sshll.u32 s26, $0x1;
	_ =	strace $0x80000046;
	[dreg:$0x1] =	wrdreg $0xFFFFFFFF  }
0xa7: {  	s28 =	simm.s32 $_size_execute0_lowered;
	s3 =	sadd.s32 s3, s5;
	[dreg:$0x0] =	wrdreg $0x0  }
0xa8: {  	s5 =	sshll.u32 s28, $0x1;
	[dreg:$0x2] =	wrdreg s3  }
0xa9: {  	[dreg:$0x3] =	wrdreg s5  }
0xaa: {  	[dreg:$0x4] =	wrdreg $0xC0  }
0xab: {  	_ =	task [dreg:s7], $0x5FFFF  }
0xac: {  	[dreg:$0x1] =	wrdreg $0xFFFFFFFF  }
0xad: {  	[dreg:$0x0] =	wrdreg $0x60  }
0xae: {  	[dreg:$0x2] =	wrdreg s2  }
0xaf: {  	[dreg:$0x3] =	wrdreg s24  }
0xb0: {  	[dreg:$0x4] =	wrdreg $0x9  }
0xb1: {  	_ =	task.clear_ibuf [dreg:s7], $0x5FFFF;
	_ =	strace $0x90000046  }
0xb2: {  	s29 =	simm.s32 $0x9;
	_ =	strace $0x80000048  }
0xb3: {  	_ =	swait.ge [sflag:s29], $0x1  }
0xb4: {  	[sflag:s29] =	ssyncadd.s32 $0xFFFFFFFF  }
0xb5: {  	_ =	strace $0x90000048  }
0xb6: {  	_ =	sfence  }
0xb7: {  	s30 =	sld [smem:$0x0];
	_ =	sdelay $0x2  }
0xb8: {  	s31 =	sshll.u32 s1, $0xD;
	s1 =	sshrl.u32 s1, $0x2  }
0xb9: {  	s3 =	sand.u32 $0x4000, s31;
	s1 =	sadd.s32 s1, s30  }
0xba: {  	s0 =	sor.u32 s3, s0;
	s1 =	sshll.u32 s1, $0x11  }
0xbb: {  	s0 =	sor.u32 s1, s0  }
0xbc: {  	s0 =	sadd.s32 $0x8F2B, s0  }
0xbd: {  	[sflag:s0] =	ssyncadd.remote.s32 $0x1  }
0xbe: {  	_ =	sfence.sel $0xFFFF  }
0xbf: {  	[dreg:$0x0] =	wrdreg $0xFFFFFFFF;
	(pc) =	sbr.abs _section_cstart, $3  }
0xc0: {  	[dreg:$0x1] =	wrdreg $0xFFFFFFFF  }
0xc1: {  	_ =	task.clear_ibuf [dreg:s7], $0x2FFFF;
	_ =	strace $0x9FFFFFFF  }
0xc2: {  	(tm) =	ssettm $0x7FFFFFFF  }
0xc3: {  	_ =	shalt  }
tec
execute0_lowered:
.L_overlay_start_1:
0x0: {  	(tag) =	ssettag $0x1  }
0x1: {  	s3 =	rddreg [dreg:$0x0]  }
0x2: {  	s4 =	rddreg [dreg:$0x1]  }
0x3: {  	s0 =	rddreg [dreg:$0x2];
	s2 =	simm.s32 $0x0;
	s5 =	srdreg.scid  }
0x4: {  	s1 =	stileid.u32;
	s9 =	simm.s32 $0x8000;
	s10 =	simm.s32 $0x2  }
0x5: {  	[smem:$0x7FF] =	sst s2;
	s5 =	sand.u32 $0x1, s5;
	s6 =	sshll.u32 s1, $0x1  }
0x6: {  	s11 =	simm.s32 $0x0;
	_ =	strace $0x80000047;
	s6 =	sor.u32 s5, s6  }
0x7: {  	s5 =	ssub.s32 $0x2, s5;
	s7 =	sshll.u32 s6, $0xE;
	s6 =	sshll.u32 s6, $0xD  }
0x8: {  	s31 =	sshrl.u32 s5, $0x1;
	s7 =	sadd.s32 s7, s4;
	s3 =	sadd.s32 s3, s6  }
0x9: {  	v0 =	vimm.f32 $0.0e+00;
	v1 =	vimm.s32 $0x2;
	v4 =	vlaneseq.u32;
	s8 =	ssub.s32 s5, s31;
	s4 =	sadd.s32 $0x800, s7;
	s5 =	sadd.s32 $0x1000, s3  }
0xa: {  	v2 =	vimm.s32 $0x0;
	v3 =	vimm.s32 $0x1;
	v4 =	vmul.u32 $0x80, v4;
	s6 =	sadd.s32 $0x2800, s7;
	s7 =	smax.u32 s8, $0x1;
	s8 =	simm.s32 $0x1  }
.LBB2_1:
0xb: {  	[tilespmem:s2], [sflag:$0x1] =	stream.linear.gather [hbm4b:s3+s2], $0x8000, $0x38;
	[tilespmem:$0x1A000] =	vst v63  }
0xc: {  	s13 =	simm.s32 $0x200;
	s12 =	simm.s32 $0x0  }
.LBB2_2:
0xd: {  	p0 =	sne.s32 s13, $0x3FE00;
	[tilespmem:s12+$0x8030] =	vst v0;
	s14 =	smov.u32 s13;
	s13 =	sadd.s32 $0x200, s13  }
.Ltmp0:
0xe: {  	[tilespmem:s12+$0x8020] =	vst v0;
	(pc) =	sbr.rel @p0 .LBB2_2-.Ltmp0, $3  }
0xf: {  	[tilespmem:s12+$0x8000] =	vst v0  }
0x10: {  	[tilespmem:s12+$0x8010] =	vst v0;
	_ =	sdelay $0x1  }
0x11: {  	s12 =	sshra.s32 s14, $0x2  }
0x12: {  	[tilespmem:s12+$0x8030] =	vst v0  }
0x13: {  	[tilespmem:s12+$0x8020] =	vst v0  }
0x14: {  	[tilespmem:s12+$0x8000] =	vst v0  }
0x15: {  	[tilespmem:s12+$0x8010] =	vst v0  }
0x16: {  	_ =	swait.ge [sflag:s8], $0x8000  }
0x17: {  	s12 =	simm.s32 $0x18080;
	[sflag:s8] =	ssyncset.done $0x0  }
0x18: {  	s13 =	simm.s32 $0x0;
	s14 =	simm.s32 $0x0;
	[sflag:s8] =	ssyncadd.s32 $0xFFFF8000  }
.LBB2_4:
0x19: {  	s15 =	sand.u32 $0x70, s14;
	s16 =	sand.u32 $0xC00, s13  }
0x1a: {  	s15 =	sor.u32 s15, s16  }
0x1b: {  	v5 =	vld [tilespmem:s15+$0x100]  }
0x1c: {  	v6 =	vld [tilespmem:s15+$0x0]  }
0x1d: {  	v7 =	vld [tilespmem:s15+$0x180]  }
0x1e: {  	v8 =	vld [tilespmem:s15+$0x80];
	_ =	sdelay $0x2  }
0x1f: {  	vm0 =	vlt.f32 v5, $-Inf;
	vm1 =	vgt.f32 v5, $-Inf  }
0x20: {  	v11 =	vld [tilespmem:s15+$0x280];
	vm14 =	vgt.f32 v5, v6;
	vm2 =	vlt.f32 v7, $-Inf;
	vm3 =	vgt.f32 v7, $-Inf  }
0x21: {  	v10 =	vld [tilespmem:s15+$0x200];
	vm4 =	vgt.f32 v7, v8;
	vm0 =	vmor vm1, vm0;
	vm2 =	vmor vm3, vm2  }
0x22: {  	v41 =	vsel vm4, $0x3, v3;
	vm0 =	vmneg vm0;
	v12 =	vnsel vm2, $0xFF800000, v7  }
0x23: {  	v13 =	vsel vm2, $0x3, v2;
	v7 =	vsel vm4, v7, v8;
	v9 =	vsel vm0, $0xFF800000, v5  }
0x24: {  	s31 =	sor.u32 s13, s14;
	vm0 =	vmor vm14, vm0;
	v12 =	vsel vm4, v8, v12;
	v13 =	vsel vm4, $0x1, v13  }
0x25: {  	s16 =	sor.u32 $0x380, s31;
	v5 =	vsel vm14, v5, v6;
	vm7 =	vgt.f32 v11, v7;
	v9 =	vsel vm14, v6, v9  }
0x26: {  	v16 =	vld [tilespmem:s16+$0x0];
	v14 =	vsel vm0, $0x0, v1;
	v6 =	vsel vm14, $0x2, v2;
	vm15 =	vgt.f32 v10, v5  }
0x27: {  	v15 =	vld [tilespmem:s15+$0x300];
	vm8 =	vgt.f32 v11, v12;
	v8 =	vsel vm7, $0x5, v41;
	vm6 =	vgt.f32 v10, v9  }
0x28: {  	v12 =	vsel vm8, v11, v12;
	v13 =	vsel vm8, $0x5, v13;
	v9 =	vsel vm6, v10, v9  }
0x29: {  	v14 =	vsel vm6, $0x4, v14;
	v12 =	vsel vm7, v7, v12;
	v13 =	vsel vm7, v41, v13  }
0x2a: {  	v7 =	vsel vm7, v11, v7;
	v9 =	vsel vm15, v5, v9;
	v14 =	vsel vm15, v6, v14  }
0x2b: {  	v42 =	vld [tilespmem:s15+$0x1000];
	v5 =	vsel vm15, v10, v5;
	v6 =	vsel vm15, $0x4, v6;
	vm11 =	vgt.f32 v16, v7  }
0x2c: {  	v44 =	vld [tilespmem:s15+$0x1080];
	vm12 =	vgt.f32 v16, v12;
	vm9 =	vgt.f32 v15, v9;
	vm10 =	vgt.f32 v15, v5  }
0x2d: {  	v12 =	vsel vm12, v16, v12;
	v13 =	vsel vm12, $0x7, v13;
	v9 =	vsel vm9, v15, v9  }
0x2e: {  	v43 =	vsel vm9, $0x6, v14;
	v12 =	vsel vm11, v7, v12;
	v13 =	vsel vm11, v8, v13  }
0x2f: {  	v7 =	vsel vm11, v16, v7;
	v8 =	vsel vm11, $0x7, v8;
	v9 =	vsel vm10, v5, v9  }
0x30: {  	v11 =	vsel vm10, v6, v43;
	v5 =	vsel vm10, v15, v5;
	v6 =	vsel vm10, $0x6, v6  }
0x31: {  	v46 =	vld [tilespmem:s15+$0x1180];
	vm15 =	vgt.f32 v44, v7;
	vm6 =	vgt.f32 v44, v12;
	vm13 =	vgt.f32 v42, v9  }
0x32: {  	v45 =	vld [tilespmem:s15+$0x1100];
	vm14 =	vgt.f32 v42, v5;
	v12 =	vsel vm6, v44, v12;
	v13 =	vsel vm6, $0x9, v13  }
0x33: {  	v9 =	vsel vm13, v42, v9;
	v11 =	vsel vm13, $0x8, v11;
	v12 =	vsel vm15, v7, v12  }
0x34: {  	v13 =	vsel vm15, v8, v13;
	v7 =	vsel vm15, v44, v7;
	v8 =	vsel vm15, $0x9, v8  }
0x35: {  	v9 =	vsel vm14, v5, v9;
	v11 =	vsel vm14, v6, v11;
	v5 =	vsel vm14, v42, v5  }
0x36: {  	v48 =	vld [tilespmem:s15+$0x1280];
	v6 =	vsel vm14, $0x8, v6;
	vm9 =	vgt.f32 v46, v7;
	vm10 =	vgt.f32 v46, v12  }
0x37: {  	v47 =	vld [tilespmem:s15+$0x1200];
	vm7 =	vgt.f32 v45, v5;
	vm8 =	vgt.f32 v45, v9;
	v12 =	vsel vm10, v46, v12  }
0x38: {  	v13 =	vsel vm10, $0xB, v13;
	v9 =	vsel vm8, v45, v9;
	v11 =	vsel vm8, $0xA, v11  }
0x39: {  	v12 =	vsel vm9, v7, v12;
	v13 =	vsel vm9, v8, v13;
	v7 =	vsel vm9, v46, v7  }
0x3a: {  	v8 =	vsel vm9, $0xB, v8;
	v9 =	vsel vm7, v5, v9;
	v11 =	vsel vm7, v6, v11  }
0x3b: {  	v49 =	vld [tilespmem:s15+$0x1300];
	v5 =	vsel vm7, v45, v5;
	v6 =	vsel vm7, $0xA, v6;
	vm13 =	vgt.f32 v48, v7  }
0x3c: {  	v50 =	vld [tilespmem:s15+$0x1380];
	vm14 =	vgt.f32 v48, v12;
	vm11 =	vgt.f32 v47, v9;
	vm12 =	vgt.f32 v47, v5  }
0x3d: {  	v12 =	vsel vm14, v48, v12;
	v13 =	vsel vm14, $0xD, v13;
	v9 =	vsel vm11, v47, v9  }
0x3e: {  	v11 =	vsel vm11, $0xC, v11;
	v12 =	vsel vm13, v7, v12;
	v13 =	vsel vm13, v8, v13  }
0x3f: {  	v7 =	vsel vm13, v48, v7;
	v8 =	vsel vm13, $0xD, v8;
	v9 =	vsel vm12, v5, v9  }
0x40: {  	v11 =	vsel vm12, v6, v11;
	v5 =	vsel vm12, v47, v5;
	v6 =	vsel vm12, $0xC, v6  }
0x41: {  	v52 =	vld [tilespmem:s15+$0x2080];
	vm7 =	vgt.f32 v50, v7;
	vm8 =	vgt.f32 v50, v12;
	vm15 =	vgt.f32 v49, v9  }
0x42: {  	v51 =	vld [tilespmem:s15+$0x2000];
	vm6 =	vgt.f32 v49, v5;
	v12 =	vsel vm8, v50, v12;
	v13 =	vsel vm8, $0xF, v13  }
0x43: {  	v9 =	vsel vm15, v49, v9;
	v11 =	vsel vm15, $0xE, v11;
	v12 =	vsel vm7, v7, v12  }
0x44: {  	v13 =	vsel vm7, v8, v13;
	v7 =	vsel vm7, v50, v7;
	v8 =	vsel vm7, $0xF, v8  }
0x45: {  	v9 =	vsel vm6, v5, v9;
	v11 =	vsel vm6, v6, v11;
	v5 =	vsel vm6, v49, v5  }
0x46: {  	v54 =	vld [tilespmem:s15+$0x2180];
	v6 =	vsel vm6, $0xE, v6;
	vm11 =	vgt.f32 v52, v7;
	vm12 =	vgt.f32 v52, v12  }
0x47: {  	v53 =	vld [tilespmem:s15+$0x2100];
	vm9 =	vgt.f32 v51, v5;
	vm10 =	vgt.f32 v51, v9;
	v12 =	vsel vm12, v52, v12  }
0x48: {  	v13 =	vsel vm12, $0x11, v13;
	v9 =	vsel vm10, v51, v9;
	v11 =	vsel vm10, $0x10, v11  }
0x49: {  	v12 =	vsel vm11, v7, v12;
	v13 =	vsel vm11, v8, v13;
	v7 =	vsel vm11, v52, v7  }
0x4a: {  	v8 =	vsel vm11, $0x11, v8;
	v9 =	vsel vm9, v5, v9;
	v11 =	vsel vm9, v6, v11  }
0x4b: {  	v55 =	vld [tilespmem:s15+$0x2200];
	v5 =	vsel vm9, v51, v5;
	v6 =	vsel vm9, $0x10, v6;
	vm15 =	vgt.f32 v54, v7  }
0x4c: {  	v56 =	vld [tilespmem:s15+$0x2280];
	vm6 =	vgt.f32 v54, v12;
	vm13 =	vgt.f32 v53, v9;
	vm14 =	vgt.f32 v53, v5  }
0x4d: {  	v12 =	vsel vm6, v54, v12;
	v13 =	vsel vm6, $0x13, v13;
	v9 =	vsel vm13, v53, v9  }
0x4e: {  	v11 =	vsel vm13, $0x12, v11;
	v12 =	vsel vm15, v7, v12;
	v13 =	vsel vm15, v8, v13  }
0x4f: {  	v7 =	vsel vm15, v54, v7;
	v8 =	vsel vm15, $0x13, v8;
	v9 =	vsel vm14, v5, v9  }
0x50: {  	v11 =	vsel vm14, v6, v11;
	v5 =	vsel vm14, v53, v5;
	v6 =	vsel vm14, $0x12, v6  }
0x51: {  	v58 =	vld [tilespmem:s15+$0x2380];
	vm9 =	vgt.f32 v56, v7;
	vm10 =	vgt.f32 v56, v12;
	vm7 =	vgt.f32 v55, v9  }
0x52: {  	v57 =	vld [tilespmem:s15+$0x2300];
	vm8 =	vgt.f32 v55, v5;
	v12 =	vsel vm10, v56, v12;
	v13 =	vsel vm10, $0x15, v13  }
0x53: {  	v9 =	vsel vm7, v55, v9;
	v11 =	vsel vm7, $0x14, v11;
	v12 =	vsel vm9, v7, v12  }
0x54: {  	v13 =	vsel vm9, v8, v13;
	v7 =	vsel vm9, v56, v7;
	v8 =	vsel vm9, $0x15, v8  }
0x55: {  	v9 =	vsel vm8, v5, v9;
	v11 =	vsel vm8, v6, v11;
	v5 =	vsel vm8, v55, v5  }
0x56: {  	v60 =	vld [tilespmem:s15+$0x3080];
	v6 =	vsel vm8, $0x14, v6;
	vm13 =	vgt.f32 v58, v7;
	vm14 =	vgt.f32 v58, v12  }
0x57: {  	v59 =	vld [tilespmem:s15+$0x3000];
	vm11 =	vgt.f32 v57, v5;
	vm12 =	vgt.f32 v57, v9;
	v12 =	vsel vm14, v58, v12  }
0x58: {  	v13 =	vsel vm14, $0x17, v13;
	v9 =	vsel vm12, v57, v9;
	v11 =	vsel vm12, $0x16, v11  }
0x59: {  	v12 =	vsel vm13, v7, v12;
	v13 =	vsel vm13, v8, v13;
	v7 =	vsel vm13, v58, v7  }
0x5a: {  	v8 =	vsel vm13, $0x17, v8;
	v9 =	vsel vm11, v5, v9;
	v11 =	vsel vm11, v6, v11  }
0x5b: {  	v61 =	vld [tilespmem:s15+$0x3100];
	v5 =	vsel vm11, v57, v5;
	v6 =	vsel vm11, $0x16, v6;
	vm7 =	vgt.f32 v60, v7  }
0x5c: {  	v62 =	vld [tilespmem:s15+$0x3180];
	vm8 =	vgt.f32 v60, v12;
	vm15 =	vgt.f32 v59, v9;
	vm6 =	vgt.f32 v59, v5  }
0x5d: {  	v12 =	vsel vm8, v60, v12;
	v13 =	vsel vm8, $0x19, v13;
	v9 =	vsel vm15, v59, v9  }
0x5e: {  	v11 =	vsel vm15, $0x18, v11;
	v12 =	vsel vm7, v7, v12;
	v13 =	vsel vm7, v8, v13  }
0x5f: {  	v7 =	vsel vm7, v60, v7;
	v8 =	vsel vm7, $0x19, v8;
	v9 =	vsel vm6, v5, v9  }
0x60: {  	v11 =	vsel vm6, v6, v11;
	v5 =	vsel vm6, v59, v5;
	v6 =	vsel vm6, $0x18, v6  }
0x61: {  	v20 =	vld [tilespmem:s15+$0x3280];
	vm11 =	vgt.f32 v62, v7;
	vm12 =	vgt.f32 v62, v12;
	vm9 =	vgt.f32 v61, v9  }
0x62: {  	v63 =	vld [tilespmem:s15+$0x3200];
	vm10 =	vgt.f32 v61, v5;
	v12 =	vsel vm12, v62, v12;
	v13 =	vsel vm12, $0x1B, v13  }
0x63: {  	v9 =	vsel vm9, v61, v9;
	v11 =	vsel vm9, $0x1A, v11;
	v12 =	vsel vm11, v7, v12  }
0x64: {  	v13 =	vsel vm11, v8, v13;
	v7 =	vsel vm11, v62, v7;
	v8 =	vsel vm11, $0x1B, v8  }
0x65: {  	v9 =	vsel vm10, v5, v9;
	v11 =	vsel vm10, v6, v11;
	v5 =	vsel vm10, v61, v5  }
0x66: {  	v22 =	vld [tilespmem:s15+$0x3380];
	v6 =	vsel vm10, $0x1A, v6;
	vm15 =	vgt.f32 v20, v7;
	vm6 =	vgt.f32 v20, v12  }
0x67: {  	v21 =	vld [tilespmem:s15+$0x3300];
	vm13 =	vgt.f32 v63, v5;
	vm14 =	vgt.f32 v63, v9;
	v12 =	vsel vm6, v20, v12  }
0x68: {  	v13 =	vsel vm6, $0x1D, v13;
	v9 =	vsel vm14, v63, v9;
	v11 =	vsel vm14, $0x1C, v11  }
0x69: {  	v12 =	vsel vm15, v7, v12;
	v13 =	vsel vm15, v8, v13;
	v7 =	vsel vm15, v20, v7  }
0x6a: {  	v8 =	vsel vm15, $0x1D, v8;
	v9 =	vsel vm13, v5, v9;
	v11 =	vsel vm13, v6, v11  }
0x6b: {  	v23 =	vld [tilespmem:s15+$0x4000];
	v5 =	vsel vm13, v63, v5;
	v6 =	vsel vm13, $0x1C, v6;
	vm9 =	vgt.f32 v22, v7  }
0x6c: {  	v24 =	vld [tilespmem:s15+$0x4080];
	vm10 =	vgt.f32 v22, v12;
	vm7 =	vgt.f32 v21, v9;
	vm8 =	vgt.f32 v21, v5  }
0x6d: {  	v12 =	vsel vm10, v22, v12;
	v13 =	vsel vm10, $0x1F, v13;
	v9 =	vsel vm7, v21, v9  }
0x6e: {  	v11 =	vsel vm7, $0x1E, v11;
	v12 =	vsel vm9, v7, v12;
	v13 =	vsel vm9, v8, v13  }
0x6f: {  	v7 =	vsel vm9, v22, v7;
	v8 =	vsel vm9, $0x1F, v8;
	v9 =	vsel vm8, v5, v9  }
0x70: {  	v11 =	vsel vm8, v6, v11;
	v5 =	vsel vm8, v21, v5;
	v6 =	vsel vm8, $0x1E, v6  }
0x71: {  	v26 =	vld [tilespmem:s15+$0x4180];
	vm13 =	vgt.f32 v24, v7;
	vm14 =	vgt.f32 v24, v12;
	vm11 =	vgt.f32 v23, v9  }
0x72: {  	v25 =	vld [tilespmem:s15+$0x4100];
	vm12 =	vgt.f32 v23, v5;
	v12 =	vsel vm14, v24, v12;
	v13 =	vsel vm14, $0x21, v13  }
0x73: {  	v9 =	vsel vm11, v23, v9;
	v11 =	vsel vm11, $0x20, v11;
	v12 =	vsel vm13, v7, v12  }
0x74: {  	v13 =	vsel vm13, v8, v13;
	v7 =	vsel vm13, v24, v7;
	v8 =	vsel vm13, $0x21, v8  }
0x75: {  	v9 =	vsel vm12, v5, v9;
	v11 =	vsel vm12, v6, v11;
	v5 =	vsel vm12, v23, v5  }
0x76: {  	v28 =	vld [tilespmem:s15+$0x4280];
	v6 =	vsel vm12, $0x20, v6;
	vm7 =	vgt.f32 v26, v7;
	vm8 =	vgt.f32 v26, v12  }
0x77: {  	v27 =	vld [tilespmem:s15+$0x4200];
	vm15 =	vgt.f32 v25, v5;
	vm6 =	vgt.f32 v25, v9;
	v12 =	vsel vm8, v26, v12  }
0x78: {  	v13 =	vsel vm8, $0x23, v13;
	v9 =	vsel vm6, v25, v9;
	v11 =	vsel vm6, $0x22, v11  }
0x79: {  	v12 =	vsel vm7, v7, v12;
	v13 =	vsel vm7, v8, v13;
	v7 =	vsel vm7, v26, v7  }
0x7a: {  	v8 =	vsel vm7, $0x23, v8;
	v9 =	vsel vm15, v5, v9;
	v11 =	vsel vm15, v6, v11  }
0x7b: {  	v29 =	vld [tilespmem:s15+$0x4300];
	v5 =	vsel vm15, v25, v5;
	v6 =	vsel vm15, $0x22, v6;
	vm11 =	vgt.f32 v28, v7  }
0x7c: {  	v30 =	vld [tilespmem:s15+$0x4380];
	vm12 =	vgt.f32 v28, v12;
	vm9 =	vgt.f32 v27, v9;
	vm10 =	vgt.f32 v27, v5  }
0x7d: {  	v12 =	vsel vm12, v28, v12;
	v13 =	vsel vm12, $0x25, v13;
	v9 =	vsel vm9, v27, v9  }
0x7e: {  	v11 =	vsel vm9, $0x24, v11;
	v12 =	vsel vm11, v7, v12;
	v13 =	vsel vm11, v8, v13  }
0x7f: {  	v7 =	vsel vm11, v28, v7;
	v8 =	vsel vm11, $0x25, v8;
	v9 =	vsel vm10, v5, v9  }
0x80: {  	v11 =	vsel vm10, v6, v11;
	v5 =	vsel vm10, v27, v5;
	v6 =	vsel vm10, $0x24, v6  }
0x81: {  	v32 =	vld [tilespmem:s15+$0x5080];
	vm15 =	vgt.f32 v30, v7;
	vm6 =	vgt.f32 v30, v12;
	vm13 =	vgt.f32 v29, v9  }
0x82: {  	v31 =	vld [tilespmem:s15+$0x5000];
	vm14 =	vgt.f32 v29, v5;
	v12 =	vsel vm6, v30, v12;
	v13 =	vsel vm6, $0x27, v13  }
0x83: {  	v9 =	vsel vm13, v29, v9;
	v11 =	vsel vm13, $0x26, v11;
	v12 =	vsel vm15, v7, v12  }
0x84: {  	v13 =	vsel vm15, v8, v13;
	v7 =	vsel vm15, v30, v7;
	v8 =	vsel vm15, $0x27, v8  }
0x85: {  	v9 =	vsel vm14, v5, v9;
	v11 =	vsel vm14, v6, v11;
	v5 =	vsel vm14, v29, v5  }
0x86: {  	v34 =	vld [tilespmem:s15+$0x5180];
	v6 =	vsel vm14, $0x26, v6;
	vm9 =	vgt.f32 v32, v7;
	vm10 =	vgt.f32 v32, v12  }
0x87: {  	v33 =	vld [tilespmem:s15+$0x5100];
	vm7 =	vgt.f32 v31, v5;
	vm8 =	vgt.f32 v31, v9;
	v12 =	vsel vm10, v32, v12  }
0x88: {  	v13 =	vsel vm10, $0x29, v13;
	v9 =	vsel vm8, v31, v9;
	v11 =	vsel vm8, $0x28, v11  }
0x89: {  	v12 =	vsel vm9, v7, v12;
	v13 =	vsel vm9, v8, v13;
	v7 =	vsel vm9, v32, v7  }
0x8a: {  	v8 =	vsel vm9, $0x29, v8;
	v9 =	vsel vm7, v5, v9;
	v11 =	vsel vm7, v6, v11  }
0x8b: {  	v35 =	vld [tilespmem:s15+$0x5200];
	v5 =	vsel vm7, v31, v5;
	v6 =	vsel vm7, $0x28, v6;
	vm13 =	vgt.f32 v34, v7  }
0x8c: {  	v36 =	vld [tilespmem:s15+$0x5280];
	vm14 =	vgt.f32 v34, v12;
	vm11 =	vgt.f32 v33, v9;
	vm12 =	vgt.f32 v33, v5  }
0x8d: {  	v12 =	vsel vm14, v34, v12;
	v13 =	vsel vm14, $0x2B, v13;
	v9 =	vsel vm11, v33, v9  }
0x8e: {  	v11 =	vsel vm11, $0x2A, v11;
	v12 =	vsel vm13, v7, v12;
	v13 =	vsel vm13, v8, v13  }
0x8f: {  	v7 =	vsel vm13, v34, v7;
	v8 =	vsel vm13, $0x2B, v8;
	v9 =	vsel vm12, v5, v9  }
0x90: {  	v11 =	vsel vm12, v6, v11;
	v5 =	vsel vm12, v33, v5;
	v6 =	vsel vm12, $0x2A, v6  }
0x91: {  	v38 =	vld [tilespmem:s15+$0x5380];
	vm7 =	vgt.f32 v36, v7;
	vm8 =	vgt.f32 v36, v12;
	vm15 =	vgt.f32 v35, v9  }
0x92: {  	v37 =	vld [tilespmem:s15+$0x5300];
	vm6 =	vgt.f32 v35, v5;
	v12 =	vsel vm8, v36, v12;
	v13 =	vsel vm8, $0x2D, v13  }
0x93: {  	v9 =	vsel vm15, v35, v9;
	v11 =	vsel vm15, $0x2C, v11;
	v12 =	vsel vm7, v7, v12  }
0x94: {  	v13 =	vsel vm7, v8, v13;
	v7 =	vsel vm7, v36, v7;
	v8 =	vsel vm7, $0x2D, v8  }
0x95: {  	v9 =	vsel vm6, v5, v9;
	v11 =	vsel vm6, v6, v11;
	v5 =	vsel vm6, v35, v5  }
0x96: {  	v40 =	vld [tilespmem:s15+$0x6080];
	v6 =	vsel vm6, $0x2C, v6;
	vm11 =	vgt.f32 v38, v7;
	vm12 =	vgt.f32 v38, v12  }
0x97: {  	v39 =	vld [tilespmem:s15+$0x6000];
	vm9 =	vgt.f32 v37, v5;
	vm10 =	vgt.f32 v37, v9;
	v12 =	vsel vm12, v38, v12  }
0x98: {  	v13 =	vsel vm12, $0x2F, v13;
	v9 =	vsel vm10, v37, v9;
	v11 =	vsel vm10, $0x2E, v11  }
0x99: {  	v12 =	vsel vm11, v7, v12;
	v13 =	vsel vm11, v8, v13;
	v7 =	vsel vm11, v38, v7  }
0x9a: {  	v8 =	vsel vm11, $0x2F, v8;
	v9 =	vsel vm9, v5, v9;
	v11 =	vsel vm9, v6, v11  }
0x9b: {  	v41 =	vld [tilespmem:s15+$0x6100];
	v5 =	vsel vm9, v37, v5;
	v6 =	vsel vm9, $0x2E, v6;
	vm15 =	vgt.f32 v40, v7  }
0x9c: {  	v42 =	vld [tilespmem:s15+$0x6180];
	vm6 =	vgt.f32 v40, v12;
	vm13 =	vgt.f32 v39, v9;
	vm14 =	vgt.f32 v39, v5  }
0x9d: {  	v12 =	vsel vm6, v40, v12;
	v13 =	vsel vm6, $0x31, v13;
	v9 =	vsel vm13, v39, v9  }
0x9e: {  	v11 =	vsel vm13, $0x30, v11;
	v12 =	vsel vm15, v7, v12;
	v13 =	vsel vm15, v8, v13  }
0x9f: {  	v7 =	vsel vm15, v40, v7;
	v8 =	vsel vm15, $0x31, v8;
	v9 =	vsel vm14, v5, v9  }
0xa0: {  	v11 =	vsel vm14, v6, v11;
	v5 =	vsel vm14, v39, v5;
	v6 =	vsel vm14, $0x30, v6  }
0xa1: {  	v44 =	vld [tilespmem:s15+$0x6280];
	vm9 =	vgt.f32 v42, v7;
	vm10 =	vgt.f32 v42, v12;
	vm7 =	vgt.f32 v41, v9  }
0xa2: {  	v43 =	vld [tilespmem:s15+$0x6200];
	vm8 =	vgt.f32 v41, v5;
	v12 =	vsel vm10, v42, v12;
	v13 =	vsel vm10, $0x33, v13  }
0xa3: {  	v9 =	vsel vm7, v41, v9;
	v11 =	vsel vm7, $0x32, v11;
	v12 =	vsel vm9, v7, v12  }
0xa4: {  	v13 =	vsel vm9, v8, v13;
	v7 =	vsel vm9, v42, v7;
	v8 =	vsel vm9, $0x33, v8  }
0xa5: {  	v9 =	vsel vm8, v5, v9;
	v11 =	vsel vm8, v6, v11;
	v5 =	vsel vm8, v41, v5  }
0xa6: {  	v46 =	vld [tilespmem:s15+$0x6380];
	v6 =	vsel vm8, $0x32, v6;
	vm13 =	vgt.f32 v44, v7;
	vm14 =	vgt.f32 v44, v12  }
0xa7: {  	v45 =	vld [tilespmem:s15+$0x6300];
	vm11 =	vgt.f32 v43, v5;
	vm12 =	vgt.f32 v43, v9;
	v12 =	vsel vm14, v44, v12  }
0xa8: {  	v13 =	vsel vm14, $0x35, v13;
	v9 =	vsel vm12, v43, v9;
	v11 =	vsel vm12, $0x34, v11  }
0xa9: {  	v12 =	vsel vm13, v7, v12;
	v13 =	vsel vm13, v8, v13;
	v7 =	vsel vm13, v44, v7  }
0xaa: {  	v8 =	vsel vm13, $0x35, v8;
	v9 =	vsel vm11, v5, v9;
	v11 =	vsel vm11, v6, v11  }
0xab: {  	v48 =	vld [tilespmem:s15+$0x7080];
	v5 =	vsel vm11, v43, v5;
	v6 =	vsel vm11, $0x34, v6;
	vm7 =	vgt.f32 v46, v7  }
0xac: {  	v47 =	vld [tilespmem:s15+$0x7000];
	vm8 =	vgt.f32 v46, v12;
	vm15 =	vgt.f32 v45, v9;
	vm6 =	vgt.f32 v45, v5  }
0xad: {  	v12 =	vsel vm8, v46, v12;
	v13 =	vsel vm8, $0x37, v13;
	v9 =	vsel vm15, v45, v9  }
0xae: {  	v11 =	vsel vm15, $0x36, v11;
	v12 =	vsel vm7, v7, v12;
	v13 =	vsel vm7, v8, v13  }
0xaf: {  	v7 =	vsel vm7, v46, v7;
	v8 =	vsel vm7, $0x37, v8;
	v9 =	vsel vm6, v5, v9  }
0xb0: {  	v11 =	vsel vm6, v6, v11;
	v5 =	vsel vm6, v45, v5;
	v6 =	vsel vm6, $0x36, v6  }
0xb1: {  	v50 =	vld [tilespmem:s15+$0x7180];
	vm11 =	vgt.f32 v48, v7;
	vm12 =	vgt.f32 v48, v12;
	vm9 =	vgt.f32 v47, v9  }
0xb2: {  	v49 =	vld [tilespmem:s15+$0x7100];
	vm10 =	vgt.f32 v47, v5;
	v12 =	vsel vm12, v48, v12;
	v13 =	vsel vm12, $0x39, v13  }
0xb3: {  	v9 =	vsel vm9, v47, v9;
	v11 =	vsel vm9, $0x38, v11;
	v12 =	vsel vm11, v7, v12  }
0xb4: {  	v13 =	vsel vm11, v8, v13;
	v7 =	vsel vm11, v48, v7;
	v8 =	vsel vm11, $0x39, v8  }
0xb5: {  	v9 =	vsel vm10, v5, v9;
	v11 =	vsel vm10, v6, v11;
	v5 =	vsel vm10, v47, v5  }
0xb6: {  	v52 =	vld [tilespmem:s15+$0x7280];
	v6 =	vsel vm10, $0x38, v6;
	vm15 =	vgt.f32 v50, v7;
	vm6 =	vgt.f32 v50, v12  }
0xb7: {  	v51 =	vld [tilespmem:s15+$0x7200];
	vm13 =	vgt.f32 v49, v5;
	vm14 =	vgt.f32 v49, v9;
	v12 =	vsel vm6, v50, v12  }
0xb8: {  	v13 =	vsel vm6, $0x3B, v13;
	v9 =	vsel vm14, v49, v9;
	v11 =	vsel vm14, $0x3A, v11  }
0xb9: {  	v12 =	vsel vm15, v7, v12;
	v13 =	vsel vm15, v8, v13;
	v7 =	vsel vm15, v50, v7  }
0xba: {  	v8 =	vsel vm15, $0x3B, v8;
	v9 =	vsel vm13, v5, v9;
	v11 =	vsel vm13, v6, v11  }
0xbb: {  	v54 =	vld [tilespmem:s15+$0x7380];
	v5 =	vsel vm13, v49, v5;
	v6 =	vsel vm13, $0x3A, v6;
	vm9 =	vgt.f32 v52, v7  }
0xbc: {  	v53 =	vld [tilespmem:s15+$0x7300];
	vm10 =	vgt.f32 v52, v12;
	vm7 =	vgt.f32 v51, v9;
	vm8 =	vgt.f32 v51, v5  }
0xbd: {  	v12 =	vsel vm10, v52, v12;
	v13 =	vsel vm10, $0x3D, v13;
	v9 =	vsel vm7, v51, v9  }
0xbe: {  	v11 =	vsel vm7, $0x3C, v11;
	v12 =	vsel vm9, v7, v12;
	v13 =	vsel vm9, v8, v13  }
0xbf: {  	v7 =	vsel vm9, v52, v7;
	v8 =	vsel vm9, $0x3D, v8;
	v9 =	vsel vm8, v5, v9  }
0xc0: {  	v11 =	vsel vm8, v6, v11;
	v5 =	vsel vm8, v51, v5;
	vm1 =	vgt.f32 v54, v7  }
0xc1: {  	v6 =	vsel vm8, $0x3C, v6;
	vm11 =	vgt.f32 v53, v5;
	v17 =	vsel vm1, v54, v7  }
0xc2: {  	v18 =	vsel vm1, $0x3F, v8;
	v10 =	vsel vm11, v53, v5;
	v55 =	vsel vm11, $0x3E, v6  }
0xc3: {  	vm12 =	vgt.f32 v53, v9;
	vm13 =	veq.f32 v17, v10;
	vm14 =	vlt.u32 v18, v55  }
0xc4: {  	v9 =	vsel vm12, v53, v9;
	vm15 =	vgt.f32 v17, v10;
	vm3 =	vmand vm13, vm14  }
0xc5: {  	v56 =	vsel vm12, $0x3E, v11;
	v5 =	vsel vm11, v5, v9;
	vm8 =	vmor vm15, vm3  }
0xc6: {  	v6 =	vsel vm11, v6, v56;
	v57 =	vsel vm8, v10, v17;
	v58 =	vsel vm8, v55, v18  }
0xc7: {  	vm9 =	vgt.f32 v54, v12;
	vm10 =	veq.f32 v5, v57;
	vm11 =	vlt.u32 v6, v58  }
0xc8: {  	v12 =	vsel vm9, v54, v12;
	vm12 =	vgt.f32 v5, v57;
	vm3 =	vmand vm10, vm11  }
0xc9: {  	v59 =	vsel vm9, $0x3F, v13;
	v7 =	vsel vm1, v7, v12;
	vm13 =	vmor vm12, vm3  }
0xca: {  	v8 =	vsel vm1, v8, v59;
	v5 =	vsel vm13, v5, v57;
	v6 =	vsel vm13, v6, v58  }
0xcb: {  	vm14 =	veq.f32 v7, v5;
	vm1 =	vlt.u32 v8, v6  }
0xcc: {  	vm15 =	vgt.f32 v7, v5;
	vm0 =	vmand vm14, vm1  }
0xcd: {  	vm0 =	vmor vm15, vm0  }
0xce: {  	v60 =	vsel vm8, v17, v10;
	v5 =	vsel vm0, v7, v5  }
0xcf: {  	v5 =	vsub.f32 v5, v60;
	_ =	sdelay $0x1  }
0xd0: {  	v5 =	vmul.f32 $1.442695020e+00, v5;
	_ =	sdelay $0x1  }
0xd1: {  	(erf) = vpow2.f32 v5;
	_ =	sdelay $0x8  }
0xd2: {  	v5 =	vpop (erf)  }
0xd3: {  	v7 =	vadd.f32 $1.000000000e+00, v5;
	_ =	sdelay $0x1  }
0xd4: {  	(erf) = vrcp.f32 v7;
	_ =	sdelay $0x5  }
0xd5: {  	v7 =	vmov s14  }
0xd6: {  	v7 =	vshll.u32 v7, $0x7  }
0xd7: {  	v61 =	vsel vm8, v18, v55;
	v7 =	vor.u32 v4, v7  }
0xd8: {  	v6 =	vsel vm0, v8, v6;
	v63 =	vor.u32 v7, v61;
	v62 =	vpop (erf)  }
0xd9: {  	v7 =	vor.u32 v7, v6;
	v5 =	vmul.f32 v62, v5;
	_ =	sdelay $0x1  }
0xda: {  	p0 =	sne.s32 s14, $0x1F0;
	v8 =	vsub.f32 $1.000000000e+00, v5  }
.Ltmp1:
0xdb: {  	_ = 	snop;
	(pc) =	sbr.rel @p0 .LBB2_4-.Ltmp1, $4  }
0xdc: {  	[tilespmem:v63+s9+$0x0] =	vst.idx.msk $0xffff, v8  }
0xdd: {  	[tilespmem:v7+s9+$0x0] =	vst.idx.msk $0xffff, v5  }
0xde: {  	[tilespmem:s12+$0xFFFFFF80] =	vst v61  }
0xdf: {  	s13 =	sadd.s32 $0x80, s13;
	s14 =	sadd.s32 $0x10, s14;
	[tilespmem:s12+$0x0] =	vst v6;
	s12 =	sadd.s32 $0x100, s12  }
0xe0: {  	s12 =	simm.s32 $0x0  }
0xe1: {  	[hbm4b:s4+s12] =	stream.linear.scatter [tilespmem:s9], [sflag:$0x2], $0x10000, $0x38;
	[tilespmem:$0x1A000] =	vst v63  }
0xe2: {  	_ =	swait.ge [sflag:s10], $0x10000  }
0xe3: {  	[sflag:s10] =	ssyncset.done $0x0  }
0xe4: {  	[sflag:s10] =	ssyncadd.s32 $0xFFFF0000  }
0xe5: {  	[tilespmem:s12], [sflag:$0x2] =	stream.linear.gather [hbm4b:s5+s12], $0x8000, $0x38;
	[tilespmem:$0x1A000] =	vst v63  }
0xe6: {  	_ =	swait.ge [sflag:s10], $0x8000  }
0xe7: {  	s13 =	simm.s32 $0x18080;
	[sflag:s10] =	ssyncset.done $0x0  }
0xe8: {  	s14 =	simm.s32 $0x18080;
	s15 =	simm.s32 $0x0;
	[sflag:s10] =	ssyncadd.s32 $0xFFFF8000  }
.LBB2_6:
0xe9: {  	v5 =	vld [tilespmem:s14+$0xFFFFFF80];
	_ =	sdelay $0x2  }
0xea: {  	v6 =	vmov s15  }
0xeb: {  	v6 =	vshll.u32 v6, $0x7  }
0xec: {  	v6 =	vor.u32 v4, v6;
	v7 =	vand.u32 $0xFFFFFF80, v5  }
0xed: {  	v5 =	vand.u32 $0x7F, v5;
	v7 =	vadd.s32 v6, v7  }
0xee: {  	v5 =	vor.u32 v5, v7;
	_ =	sdelay $0x4  }
0xef: {  	[tilespmem:v5+s9+$0x0] =	vst.idx.msk $0xffff, v0  }
0xf0: {  	v5 =	vld [tilespmem:s14+$0x0];
	_ =	sdelay $0x4  }
0xf1: {  	v7 =	vand.u32 $0xFFFFFF80, v5  }
0xf2: {  	v5 =	vand.u32 $0x7F, v5;
	v6 =	vadd.s32 v6, v7  }
0xf3: {  	p0 =	sne.s32 s15, $0x1F0;
	v5 =	vor.u32 v5, v6  }
.Ltmp2:
0xf4: {  	_ = 	snop;
	(pc) =	sbr.rel @p0 .LBB2_6-.Ltmp2, $2  }
0xf5: {  	_ =	sdelay $0x2  }
0xf6: {  	s15 =	sadd.s32 $0x10, s15;
	s14 =	sadd.s32 $0x100, s14;
	[tilespmem:v5+s9+$0x0] =	vst.idx.msk $0xffff, v0  }
0xf7: {  	s14 =	simm.s32 $0x0  }
.LBB2_8:
0xf8: {  	s15 =	sand.u32 $0x70, s14;
	s16 =	sand.u32 $0xC00, s12  }
0xf9: {  	s15 =	sor.u32 s15, s16  }
0xfa: {  	v5 =	vld [tilespmem:s15+$0x100]  }
0xfb: {  	v6 =	vld [tilespmem:s15+$0x0]  }
0xfc: {  	v7 =	vld [tilespmem:s15+$0x180]  }
0xfd: {  	v8 =	vld [tilespmem:s15+$0x80];
	_ =	sdelay $0x2  }
0xfe: {  	vm0 =	vlt.f32 v5, $-Inf;
	vm1 =	vgt.f32 v5, $-Inf  }
0xff: {  	v11 =	vld [tilespmem:s15+$0x280];
	vm14 =	vgt.f32 v5, v6;
	vm2 =	vlt.f32 v7, $-Inf;
	vm3 =	vgt.f32 v7, $-Inf  }
0x100: {  	v10 =	vld [tilespmem:s15+$0x200];
	vm4 =	vgt.f32 v7, v8;
	vm0 =	vmor vm1, vm0;
	vm2 =	vmor vm3, vm2  }
0x101: {  	v41 =	vsel vm4, $0x3, v3;
	vm0 =	vmneg vm0;
	v12 =	vnsel vm2, $0xFF800000, v7  }
0x102: {  	v13 =	vsel vm2, $0x3, v2;
	v7 =	vsel vm4, v7, v8;
	v9 =	vsel vm0, $0xFF800000, v5  }
0x103: {  	s31 =	sor.u32 s12, s14;
	vm0 =	vmor vm14, vm0;
	v12 =	vsel vm4, v8, v12;
	v13 =	vsel vm4, $0x1, v13  }
0x104: {  	s16 =	sor.u32 $0x380, s31;
	v5 =	vsel vm14, v5, v6;
	vm7 =	vgt.f32 v11, v7;
	v9 =	vsel vm14, v6, v9  }
0x105: {  	v16 =	vld [tilespmem:s16+$0x0];
	v14 =	vsel vm0, $0x0, v1;
	v6 =	vsel vm14, $0x2, v2;
	vm15 =	vgt.f32 v10, v5  }
0x106: {  	v15 =	vld [tilespmem:s15+$0x300];
	vm8 =	vgt.f32 v11, v12;
	v8 =	vsel vm7, $0x5, v41;
	vm6 =	vgt.f32 v10, v9  }
0x107: {  	v12 =	vsel vm8, v11, v12;
	v13 =	vsel vm8, $0x5, v13;
	v9 =	vsel vm6, v10, v9  }
0x108: {  	v14 =	vsel vm6, $0x4, v14;
	v12 =	vsel vm7, v7, v12;
	v13 =	vsel vm7, v41, v13  }
0x109: {  	v7 =	vsel vm7, v11, v7;
	v9 =	vsel vm15, v5, v9;
	v14 =	vsel vm15, v6, v14  }
0x10a: {  	v42 =	vld [tilespmem:s15+$0x1000];
	v5 =	vsel vm15, v10, v5;
	v6 =	vsel vm15, $0x4, v6;
	vm11 =	vgt.f32 v16, v7  }
0x10b: {  	v44 =	vld [tilespmem:s15+$0x1080];
	vm12 =	vgt.f32 v16, v12;
	vm9 =	vgt.f32 v15, v9;
	vm10 =	vgt.f32 v15, v5  }
0x10c: {  	v12 =	vsel vm12, v16, v12;
	v13 =	vsel vm12, $0x7, v13;
	v9 =	vsel vm9, v15, v9  }
0x10d: {  	v43 =	vsel vm9, $0x6, v14;
	v12 =	vsel vm11, v7, v12;
	v13 =	vsel vm11, v8, v13  }
0x10e: {  	v7 =	vsel vm11, v16, v7;
	v8 =	vsel vm11, $0x7, v8;
	v9 =	vsel vm10, v5, v9  }
0x10f: {  	v11 =	vsel vm10, v6, v43;
	v5 =	vsel vm10, v15, v5;
	v6 =	vsel vm10, $0x6, v6  }
0x110: {  	v46 =	vld [tilespmem:s15+$0x1180];
	vm15 =	vgt.f32 v44, v7;
	vm6 =	vgt.f32 v44, v12;
	vm13 =	vgt.f32 v42, v9  }
0x111: {  	v45 =	vld [tilespmem:s15+$0x1100];
	vm14 =	vgt.f32 v42, v5;
	v12 =	vsel vm6, v44, v12;
	v13 =	vsel vm6, $0x9, v13  }
0x112: {  	v9 =	vsel vm13, v42, v9;
	v11 =	vsel vm13, $0x8, v11;
	v12 =	vsel vm15, v7, v12  }
0x113: {  	v13 =	vsel vm15, v8, v13;
	v7 =	vsel vm15, v44, v7;
	v8 =	vsel vm15, $0x9, v8  }
0x114: {  	v9 =	vsel vm14, v5, v9;
	v11 =	vsel vm14, v6, v11;
	v5 =	vsel vm14, v42, v5  }
0x115: {  	v48 =	vld [tilespmem:s15+$0x1280];
	v6 =	vsel vm14, $0x8, v6;
	vm9 =	vgt.f32 v46, v7;
	vm10 =	vgt.f32 v46, v12  }
0x116: {  	v47 =	vld [tilespmem:s15+$0x1200];
	vm7 =	vgt.f32 v45, v5;
	vm8 =	vgt.f32 v45, v9;
	v12 =	vsel vm10, v46, v12  }
0x117: {  	v13 =	vsel vm10, $0xB, v13;
	v9 =	vsel vm8, v45, v9;
	v11 =	vsel vm8, $0xA, v11  }
0x118: {  	v12 =	vsel vm9, v7, v12;
	v13 =	vsel vm9, v8, v13;
	v7 =	vsel vm9, v46, v7  }
0x119: {  	v8 =	vsel vm9, $0xB, v8;
	v9 =	vsel vm7, v5, v9;
	v11 =	vsel vm7, v6, v11  }
0x11a: {  	v49 =	vld [tilespmem:s15+$0x1300];
	v5 =	vsel vm7, v45, v5;
	v6 =	vsel vm7, $0xA, v6;
	vm13 =	vgt.f32 v48, v7  }
0x11b: {  	v50 =	vld [tilespmem:s15+$0x1380];
	vm14 =	vgt.f32 v48, v12;
	vm11 =	vgt.f32 v47, v9;
	vm12 =	vgt.f32 v47, v5  }
0x11c: {  	v12 =	vsel vm14, v48, v12;
	v13 =	vsel vm14, $0xD, v13;
	v9 =	vsel vm11, v47, v9  }
0x11d: {  	v11 =	vsel vm11, $0xC, v11;
	v12 =	vsel vm13, v7, v12;
	v13 =	vsel vm13, v8, v13  }
0x11e: {  	v7 =	vsel vm13, v48, v7;
	v8 =	vsel vm13, $0xD, v8;
	v9 =	vsel vm12, v5, v9  }
0x11f: {  	v11 =	vsel vm12, v6, v11;
	v5 =	vsel vm12, v47, v5;
	v6 =	vsel vm12, $0xC, v6  }
0x120: {  	v52 =	vld [tilespmem:s15+$0x2080];
	vm7 =	vgt.f32 v50, v7;
	vm8 =	vgt.f32 v50, v12;
	vm15 =	vgt.f32 v49, v9  }
0x121: {  	v51 =	vld [tilespmem:s15+$0x2000];
	vm6 =	vgt.f32 v49, v5;
	v12 =	vsel vm8, v50, v12;
	v13 =	vsel vm8, $0xF, v13  }
0x122: {  	v9 =	vsel vm15, v49, v9;
	v11 =	vsel vm15, $0xE, v11;
	v12 =	vsel vm7, v7, v12  }
0x123: {  	v13 =	vsel vm7, v8, v13;
	v7 =	vsel vm7, v50, v7;
	v8 =	vsel vm7, $0xF, v8  }
0x124: {  	v9 =	vsel vm6, v5, v9;
	v11 =	vsel vm6, v6, v11;
	v5 =	vsel vm6, v49, v5  }
0x125: {  	v54 =	vld [tilespmem:s15+$0x2180];
	v6 =	vsel vm6, $0xE, v6;
	vm11 =	vgt.f32 v52, v7;
	vm12 =	vgt.f32 v52, v12  }
0x126: {  	v53 =	vld [tilespmem:s15+$0x2100];
	vm9 =	vgt.f32 v51, v5;
	vm10 =	vgt.f32 v51, v9;
	v12 =	vsel vm12, v52, v12  }
0x127: {  	v13 =	vsel vm12, $0x11, v13;
	v9 =	vsel vm10, v51, v9;
	v11 =	vsel vm10, $0x10, v11  }
0x128: {  	v12 =	vsel vm11, v7, v12;
	v13 =	vsel vm11, v8, v13;
	v7 =	vsel vm11, v52, v7  }
0x129: {  	v8 =	vsel vm11, $0x11, v8;
	v9 =	vsel vm9, v5, v9;
	v11 =	vsel vm9, v6, v11  }
0x12a: {  	v55 =	vld [tilespmem:s15+$0x2200];
	v5 =	vsel vm9, v51, v5;
	v6 =	vsel vm9, $0x10, v6;
	vm15 =	vgt.f32 v54, v7  }
0x12b: {  	v56 =	vld [tilespmem:s15+$0x2280];
	vm6 =	vgt.f32 v54, v12;
	vm13 =	vgt.f32 v53, v9;
	vm14 =	vgt.f32 v53, v5  }
0x12c: {  	v12 =	vsel vm6, v54, v12;
	v13 =	vsel vm6, $0x13, v13;
	v9 =	vsel vm13, v53, v9  }
0x12d: {  	v11 =	vsel vm13, $0x12, v11;
	v12 =	vsel vm15, v7, v12;
	v13 =	vsel vm15, v8, v13  }
0x12e: {  	v7 =	vsel vm15, v54, v7;
	v8 =	vsel vm15, $0x13, v8;
	v9 =	vsel vm14, v5, v9  }
0x12f: {  	v11 =	vsel vm14, v6, v11;
	v5 =	vsel vm14, v53, v5;
	v6 =	vsel vm14, $0x12, v6  }
0x130: {  	v58 =	vld [tilespmem:s15+$0x2380];
	vm9 =	vgt.f32 v56, v7;
	vm10 =	vgt.f32 v56, v12;
	vm7 =	vgt.f32 v55, v9  }
0x131: {  	v57 =	vld [tilespmem:s15+$0x2300];
	vm8 =	vgt.f32 v55, v5;
	v12 =	vsel vm10, v56, v12;
	v13 =	vsel vm10, $0x15, v13  }
0x132: {  	v9 =	vsel vm7, v55, v9;
	v11 =	vsel vm7, $0x14, v11;
	v12 =	vsel vm9, v7, v12  }
0x133: {  	v13 =	vsel vm9, v8, v13;
	v7 =	vsel vm9, v56, v7;
	v8 =	vsel vm9, $0x15, v8  }
0x134: {  	v9 =	vsel vm8, v5, v9;
	v11 =	vsel vm8, v6, v11;
	v5 =	vsel vm8, v55, v5  }
0x135: {  	v60 =	vld [tilespmem:s15+$0x3080];
	v6 =	vsel vm8, $0x14, v6;
	vm13 =	vgt.f32 v58, v7;
	vm14 =	vgt.f32 v58, v12  }
0x136: {  	v59 =	vld [tilespmem:s15+$0x3000];
	vm11 =	vgt.f32 v57, v5;
	vm12 =	vgt.f32 v57, v9;
	v12 =	vsel vm14, v58, v12  }
0x137: {  	v13 =	vsel vm14, $0x17, v13;
	v9 =	vsel vm12, v57, v9;
	v11 =	vsel vm12, $0x16, v11  }
0x138: {  	v12 =	vsel vm13, v7, v12;
	v13 =	vsel vm13, v8, v13;
	v7 =	vsel vm13, v58, v7  }
0x139: {  	v8 =	vsel vm13, $0x17, v8;
	v9 =	vsel vm11, v5, v9;
	v11 =	vsel vm11, v6, v11  }
0x13a: {  	v61 =	vld [tilespmem:s15+$0x3100];
	v5 =	vsel vm11, v57, v5;
	v6 =	vsel vm11, $0x16, v6;
	vm7 =	vgt.f32 v60, v7  }
0x13b: {  	v62 =	vld [tilespmem:s15+$0x3180];
	vm8 =	vgt.f32 v60, v12;
	vm15 =	vgt.f32 v59, v9;
	vm6 =	vgt.f32 v59, v5  }
0x13c: {  	v12 =	vsel vm8, v60, v12;
	v13 =	vsel vm8, $0x19, v13;
	v9 =	vsel vm15, v59, v9  }
0x13d: {  	v11 =	vsel vm15, $0x18, v11;
	v12 =	vsel vm7, v7, v12;
	v13 =	vsel vm7, v8, v13  }
0x13e: {  	v7 =	vsel vm7, v60, v7;
	v8 =	vsel vm7, $0x19, v8;
	v9 =	vsel vm6, v5, v9  }
0x13f: {  	v11 =	vsel vm6, v6, v11;
	v5 =	vsel vm6, v59, v5;
	v6 =	vsel vm6, $0x18, v6  }
0x140: {  	v20 =	vld [tilespmem:s15+$0x3280];
	vm11 =	vgt.f32 v62, v7;
	vm12 =	vgt.f32 v62, v12;
	vm9 =	vgt.f32 v61, v9  }
0x141: {  	v63 =	vld [tilespmem:s15+$0x3200];
	vm10 =	vgt.f32 v61, v5;
	v12 =	vsel vm12, v62, v12;
	v13 =	vsel vm12, $0x1B, v13  }
0x142: {  	v9 =	vsel vm9, v61, v9;
	v11 =	vsel vm9, $0x1A, v11;
	v12 =	vsel vm11, v7, v12  }
0x143: {  	v13 =	vsel vm11, v8, v13;
	v7 =	vsel vm11, v62, v7;
	v8 =	vsel vm11, $0x1B, v8  }
0x144: {  	v9 =	vsel vm10, v5, v9;
	v11 =	vsel vm10, v6, v11;
	v5 =	vsel vm10, v61, v5  }
0x145: {  	v22 =	vld [tilespmem:s15+$0x3380];
	v6 =	vsel vm10, $0x1A, v6;
	vm15 =	vgt.f32 v20, v7;
	vm6 =	vgt.f32 v20, v12  }
0x146: {  	v21 =	vld [tilespmem:s15+$0x3300];
	vm13 =	vgt.f32 v63, v5;
	vm14 =	vgt.f32 v63, v9;
	v12 =	vsel vm6, v20, v12  }
0x147: {  	v13 =	vsel vm6, $0x1D, v13;
	v9 =	vsel vm14, v63, v9;
	v11 =	vsel vm14, $0x1C, v11  }
0x148: {  	v12 =	vsel vm15, v7, v12;
	v13 =	vsel vm15, v8, v13;
	v7 =	vsel vm15, v20, v7  }
0x149: {  	v8 =	vsel vm15, $0x1D, v8;
	v9 =	vsel vm13, v5, v9;
	v11 =	vsel vm13, v6, v11  }
0x14a: {  	v23 =	vld [tilespmem:s15+$0x4000];
	v5 =	vsel vm13, v63, v5;
	v6 =	vsel vm13, $0x1C, v6;
	vm9 =	vgt.f32 v22, v7  }
0x14b: {  	v24 =	vld [tilespmem:s15+$0x4080];
	vm10 =	vgt.f32 v22, v12;
	vm7 =	vgt.f32 v21, v9;
	vm8 =	vgt.f32 v21, v5  }
0x14c: {  	v12 =	vsel vm10, v22, v12;
	v13 =	vsel vm10, $0x1F, v13;
	v9 =	vsel vm7, v21, v9  }
0x14d: {  	v11 =	vsel vm7, $0x1E, v11;
	v12 =	vsel vm9, v7, v12;
	v13 =	vsel vm9, v8, v13  }
0x14e: {  	v7 =	vsel vm9, v22, v7;
	v8 =	vsel vm9, $0x1F, v8;
	v9 =	vsel vm8, v5, v9  }
0x14f: {  	v11 =	vsel vm8, v6, v11;
	v5 =	vsel vm8, v21, v5;
	v6 =	vsel vm8, $0x1E, v6  }
0x150: {  	v26 =	vld [tilespmem:s15+$0x4180];
	vm13 =	vgt.f32 v24, v7;
	vm14 =	vgt.f32 v24, v12;
	vm11 =	vgt.f32 v23, v9  }
0x151: {  	v25 =	vld [tilespmem:s15+$0x4100];
	vm12 =	vgt.f32 v23, v5;
	v12 =	vsel vm14, v24, v12;
	v13 =	vsel vm14, $0x21, v13  }
0x152: {  	v9 =	vsel vm11, v23, v9;
	v11 =	vsel vm11, $0x20, v11;
	v12 =	vsel vm13, v7, v12  }
0x153: {  	v13 =	vsel vm13, v8, v13;
	v7 =	vsel vm13, v24, v7;
	v8 =	vsel vm13, $0x21, v8  }
0x154: {  	v9 =	vsel vm12, v5, v9;
	v11 =	vsel vm12, v6, v11;
	v5 =	vsel vm12, v23, v5  }
0x155: {  	v28 =	vld [tilespmem:s15+$0x4280];
	v6 =	vsel vm12, $0x20, v6;
	vm7 =	vgt.f32 v26, v7;
	vm8 =	vgt.f32 v26, v12  }
0x156: {  	v27 =	vld [tilespmem:s15+$0x4200];
	vm15 =	vgt.f32 v25, v5;
	vm6 =	vgt.f32 v25, v9;
	v12 =	vsel vm8, v26, v12  }
0x157: {  	v13 =	vsel vm8, $0x23, v13;
	v9 =	vsel vm6, v25, v9;
	v11 =	vsel vm6, $0x22, v11  }
0x158: {  	v12 =	vsel vm7, v7, v12;
	v13 =	vsel vm7, v8, v13;
	v7 =	vsel vm7, v26, v7  }
0x159: {  	v8 =	vsel vm7, $0x23, v8;
	v9 =	vsel vm15, v5, v9;
	v11 =	vsel vm15, v6, v11  }
0x15a: {  	v29 =	vld [tilespmem:s15+$0x4300];
	v5 =	vsel vm15, v25, v5;
	v6 =	vsel vm15, $0x22, v6;
	vm11 =	vgt.f32 v28, v7  }
0x15b: {  	v30 =	vld [tilespmem:s15+$0x4380];
	vm12 =	vgt.f32 v28, v12;
	vm9 =	vgt.f32 v27, v9;
	vm10 =	vgt.f32 v27, v5  }
0x15c: {  	v12 =	vsel vm12, v28, v12;
	v13 =	vsel vm12, $0x25, v13;
	v9 =	vsel vm9, v27, v9  }
0x15d: {  	v11 =	vsel vm9, $0x24, v11;
	v12 =	vsel vm11, v7, v12;
	v13 =	vsel vm11, v8, v13  }
0x15e: {  	v7 =	vsel vm11, v28, v7;
	v8 =	vsel vm11, $0x25, v8;
	v9 =	vsel vm10, v5, v9  }
0x15f: {  	v11 =	vsel vm10, v6, v11;
	v5 =	vsel vm10, v27, v5;
	v6 =	vsel vm10, $0x24, v6  }
0x160: {  	v32 =	vld [tilespmem:s15+$0x5080];
	vm15 =	vgt.f32 v30, v7;
	vm6 =	vgt.f32 v30, v12;
	vm13 =	vgt.f32 v29, v9  }
0x161: {  	v31 =	vld [tilespmem:s15+$0x5000];
	vm14 =	vgt.f32 v29, v5;
	v12 =	vsel vm6, v30, v12;
	v13 =	vsel vm6, $0x27, v13  }
0x162: {  	v9 =	vsel vm13, v29, v9;
	v11 =	vsel vm13, $0x26, v11;
	v12 =	vsel vm15, v7, v12  }
0x163: {  	v13 =	vsel vm15, v8, v13;
	v7 =	vsel vm15, v30, v7;
	v8 =	vsel vm15, $0x27, v8  }
0x164: {  	v9 =	vsel vm14, v5, v9;
	v11 =	vsel vm14, v6, v11;
	v5 =	vsel vm14, v29, v5  }
0x165: {  	v34 =	vld [tilespmem:s15+$0x5180];
	v6 =	vsel vm14, $0x26, v6;
	vm9 =	vgt.f32 v32, v7;
	vm10 =	vgt.f32 v32, v12  }
0x166: {  	v33 =	vld [tilespmem:s15+$0x5100];
	vm7 =	vgt.f32 v31, v5;
	vm8 =	vgt.f32 v31, v9;
	v12 =	vsel vm10, v32, v12  }
0x167: {  	v13 =	vsel vm10, $0x29, v13;
	v9 =	vsel vm8, v31, v9;
	v11 =	vsel vm8, $0x28, v11  }
0x168: {  	v12 =	vsel vm9, v7, v12;
	v13 =	vsel vm9, v8, v13;
	v7 =	vsel vm9, v32, v7  }
0x169: {  	v8 =	vsel vm9, $0x29, v8;
	v9 =	vsel vm7, v5, v9;
	v11 =	vsel vm7, v6, v11  }
0x16a: {  	v35 =	vld [tilespmem:s15+$0x5200];
	v5 =	vsel vm7, v31, v5;
	v6 =	vsel vm7, $0x28, v6;
	vm13 =	vgt.f32 v34, v7  }
0x16b: {  	v36 =	vld [tilespmem:s15+$0x5280];
	vm14 =	vgt.f32 v34, v12;
	vm11 =	vgt.f32 v33, v9;
	vm12 =	vgt.f32 v33, v5  }
0x16c: {  	v12 =	vsel vm14, v34, v12;
	v13 =	vsel vm14, $0x2B, v13;
	v9 =	vsel vm11, v33, v9  }
0x16d: {  	v11 =	vsel vm11, $0x2A, v11;
	v12 =	vsel vm13, v7, v12;
	v13 =	vsel vm13, v8, v13  }
0x16e: {  	v7 =	vsel vm13, v34, v7;
	v8 =	vsel vm13, $0x2B, v8;
	v9 =	vsel vm12, v5, v9  }
0x16f: {  	v11 =	vsel vm12, v6, v11;
	v5 =	vsel vm12, v33, v5;
	v6 =	vsel vm12, $0x2A, v6  }
0x170: {  	v38 =	vld [tilespmem:s15+$0x5380];
	vm7 =	vgt.f32 v36, v7;
	vm8 =	vgt.f32 v36, v12;
	vm15 =	vgt.f32 v35, v9  }
0x171: {  	v37 =	vld [tilespmem:s15+$0x5300];
	vm6 =	vgt.f32 v35, v5;
	v12 =	vsel vm8, v36, v12;
	v13 =	vsel vm8, $0x2D, v13  }
0x172: {  	v9 =	vsel vm15, v35, v9;
	v11 =	vsel vm15, $0x2C, v11;
	v12 =	vsel vm7, v7, v12  }
0x173: {  	v13 =	vsel vm7, v8, v13;
	v7 =	vsel vm7, v36, v7;
	v8 =	vsel vm7, $0x2D, v8  }
0x174: {  	v9 =	vsel vm6, v5, v9;
	v11 =	vsel vm6, v6, v11;
	v5 =	vsel vm6, v35, v5  }
0x175: {  	v40 =	vld [tilespmem:s15+$0x6080];
	v6 =	vsel vm6, $0x2C, v6;
	vm11 =	vgt.f32 v38, v7;
	vm12 =	vgt.f32 v38, v12  }
0x176: {  	v39 =	vld [tilespmem:s15+$0x6000];
	vm9 =	vgt.f32 v37, v5;
	vm10 =	vgt.f32 v37, v9;
	v12 =	vsel vm12, v38, v12  }
0x177: {  	v13 =	vsel vm12, $0x2F, v13;
	v9 =	vsel vm10, v37, v9;
	v11 =	vsel vm10, $0x2E, v11  }
0x178: {  	v12 =	vsel vm11, v7, v12;
	v13 =	vsel vm11, v8, v13;
	v7 =	vsel vm11, v38, v7  }
0x179: {  	v8 =	vsel vm11, $0x2F, v8;
	v9 =	vsel vm9, v5, v9;
	v11 =	vsel vm9, v6, v11  }
0x17a: {  	v41 =	vld [tilespmem:s15+$0x6100];
	v5 =	vsel vm9, v37, v5;
	v6 =	vsel vm9, $0x2E, v6;
	vm15 =	vgt.f32 v40, v7  }
0x17b: {  	v42 =	vld [tilespmem:s15+$0x6180];
	vm6 =	vgt.f32 v40, v12;
	vm13 =	vgt.f32 v39, v9;
	vm14 =	vgt.f32 v39, v5  }
0x17c: {  	v12 =	vsel vm6, v40, v12;
	v13 =	vsel vm6, $0x31, v13;
	v9 =	vsel vm13, v39, v9  }
0x17d: {  	v11 =	vsel vm13, $0x30, v11;
	v12 =	vsel vm15, v7, v12;
	v13 =	vsel vm15, v8, v13  }
0x17e: {  	v7 =	vsel vm15, v40, v7;
	v8 =	vsel vm15, $0x31, v8;
	v9 =	vsel vm14, v5, v9  }
0x17f: {  	v11 =	vsel vm14, v6, v11;
	v5 =	vsel vm14, v39, v5;
	v6 =	vsel vm14, $0x30, v6  }
0x180: {  	v44 =	vld [tilespmem:s15+$0x6280];
	vm9 =	vgt.f32 v42, v7;
	vm10 =	vgt.f32 v42, v12;
	vm7 =	vgt.f32 v41, v9  }
0x181: {  	v43 =	vld [tilespmem:s15+$0x6200];
	vm8 =	vgt.f32 v41, v5;
	v12 =	vsel vm10, v42, v12;
	v13 =	vsel vm10, $0x33, v13  }
0x182: {  	v9 =	vsel vm7, v41, v9;
	v11 =	vsel vm7, $0x32, v11;
	v12 =	vsel vm9, v7, v12  }
0x183: {  	v13 =	vsel vm9, v8, v13;
	v7 =	vsel vm9, v42, v7;
	v8 =	vsel vm9, $0x33, v8  }
0x184: {  	v9 =	vsel vm8, v5, v9;
	v11 =	vsel vm8, v6, v11;
	v5 =	vsel vm8, v41, v5  }
0x185: {  	v46 =	vld [tilespmem:s15+$0x6380];
	v6 =	vsel vm8, $0x32, v6;
	vm13 =	vgt.f32 v44, v7;
	vm14 =	vgt.f32 v44, v12  }
0x186: {  	v45 =	vld [tilespmem:s15+$0x6300];
	vm11 =	vgt.f32 v43, v5;
	vm12 =	vgt.f32 v43, v9;
	v12 =	vsel vm14, v44, v12  }
0x187: {  	v13 =	vsel vm14, $0x35, v13;
	v9 =	vsel vm12, v43, v9;
	v11 =	vsel vm12, $0x34, v11  }
0x188: {  	v12 =	vsel vm13, v7, v12;
	v13 =	vsel vm13, v8, v13;
	v7 =	vsel vm13, v44, v7  }
0x189: {  	v8 =	vsel vm13, $0x35, v8;
	v9 =	vsel vm11, v5, v9;
	v11 =	vsel vm11, v6, v11  }
0x18a: {  	v48 =	vld [tilespmem:s15+$0x7080];
	v5 =	vsel vm11, v43, v5;
	v6 =	vsel vm11, $0x34, v6;
	vm7 =	vgt.f32 v46, v7  }
0x18b: {  	v47 =	vld [tilespmem:s15+$0x7000];
	vm8 =	vgt.f32 v46, v12;
	vm15 =	vgt.f32 v45, v9;
	vm6 =	vgt.f32 v45, v5  }
0x18c: {  	v12 =	vsel vm8, v46, v12;
	v13 =	vsel vm8, $0x37, v13;
	v9 =	vsel vm15, v45, v9  }
0x18d: {  	v11 =	vsel vm15, $0x36, v11;
	v12 =	vsel vm7, v7, v12;
	v13 =	vsel vm7, v8, v13  }
0x18e: {  	v7 =	vsel vm7, v46, v7;
	v8 =	vsel vm7, $0x37, v8;
	v9 =	vsel vm6, v5, v9  }
0x18f: {  	v11 =	vsel vm6, v6, v11;
	v5 =	vsel vm6, v45, v5;
	v6 =	vsel vm6, $0x36, v6  }
0x190: {  	v50 =	vld [tilespmem:s15+$0x7180];
	vm11 =	vgt.f32 v48, v7;
	vm12 =	vgt.f32 v48, v12;
	vm9 =	vgt.f32 v47, v9  }
0x191: {  	v49 =	vld [tilespmem:s15+$0x7100];
	vm10 =	vgt.f32 v47, v5;
	v12 =	vsel vm12, v48, v12;
	v13 =	vsel vm12, $0x39, v13  }
0x192: {  	v9 =	vsel vm9, v47, v9;
	v11 =	vsel vm9, $0x38, v11;
	v12 =	vsel vm11, v7, v12  }
0x193: {  	v13 =	vsel vm11, v8, v13;
	v7 =	vsel vm11, v48, v7;
	v8 =	vsel vm11, $0x39, v8  }
0x194: {  	v9 =	vsel vm10, v5, v9;
	v11 =	vsel vm10, v6, v11;
	v5 =	vsel vm10, v47, v5  }
0x195: {  	v52 =	vld [tilespmem:s15+$0x7280];
	v6 =	vsel vm10, $0x38, v6;
	vm15 =	vgt.f32 v50, v7;
	vm6 =	vgt.f32 v50, v12  }
0x196: {  	v51 =	vld [tilespmem:s15+$0x7200];
	vm13 =	vgt.f32 v49, v5;
	vm14 =	vgt.f32 v49, v9;
	v12 =	vsel vm6, v50, v12  }
0x197: {  	v13 =	vsel vm6, $0x3B, v13;
	v9 =	vsel vm14, v49, v9;
	v11 =	vsel vm14, $0x3A, v11  }
0x198: {  	v12 =	vsel vm15, v7, v12;
	v13 =	vsel vm15, v8, v13;
	v7 =	vsel vm15, v50, v7  }
0x199: {  	v8 =	vsel vm15, $0x3B, v8;
	v9 =	vsel vm13, v5, v9;
	v11 =	vsel vm13, v6, v11  }
0x19a: {  	v54 =	vld [tilespmem:s15+$0x7380];
	v5 =	vsel vm13, v49, v5;
	v6 =	vsel vm13, $0x3A, v6;
	vm9 =	vgt.f32 v52, v7  }
0x19b: {  	v53 =	vld [tilespmem:s15+$0x7300];
	vm10 =	vgt.f32 v52, v12;
	vm7 =	vgt.f32 v51, v9;
	vm8 =	vgt.f32 v51, v5  }
0x19c: {  	v12 =	vsel vm10, v52, v12;
	v13 =	vsel vm10, $0x3D, v13;
	v9 =	vsel vm7, v51, v9  }
0x19d: {  	v11 =	vsel vm7, $0x3C, v11;
	v12 =	vsel vm9, v7, v12;
	v13 =	vsel vm9, v8, v13  }
0x19e: {  	v7 =	vsel vm9, v52, v7;
	v8 =	vsel vm9, $0x3D, v8;
	v9 =	vsel vm8, v5, v9  }
0x19f: {  	v11 =	vsel vm8, v6, v11;
	v5 =	vsel vm8, v51, v5;
	vm1 =	vgt.f32 v54, v7  }
0x1a0: {  	v6 =	vsel vm8, $0x3C, v6;
	vm11 =	vgt.f32 v53, v5;
	v17 =	vsel vm1, v54, v7  }
0x1a1: {  	v18 =	vsel vm1, $0x3F, v8;
	v10 =	vsel vm11, v53, v5;
	v55 =	vsel vm11, $0x3E, v6  }
0x1a2: {  	vm12 =	vgt.f32 v53, v9;
	vm13 =	veq.f32 v17, v10;
	vm14 =	vlt.u32 v18, v55  }
0x1a3: {  	v9 =	vsel vm12, v53, v9;
	vm15 =	vgt.f32 v17, v10;
	vm3 =	vmand vm13, vm14  }
0x1a4: {  	v56 =	vsel vm12, $0x3E, v11;
	v5 =	vsel vm11, v5, v9;
	vm8 =	vmor vm15, vm3  }
0x1a5: {  	v6 =	vsel vm11, v6, v56;
	v57 =	vsel vm8, v10, v17;
	v58 =	vsel vm8, v55, v18  }
0x1a6: {  	vm9 =	vgt.f32 v54, v12;
	vm10 =	veq.f32 v5, v57;
	vm11 =	vlt.u32 v6, v58  }
0x1a7: {  	v12 =	vsel vm9, v54, v12;
	vm12 =	vgt.f32 v5, v57;
	vm3 =	vmand vm10, vm11  }
0x1a8: {  	v59 =	vsel vm9, $0x3F, v13;
	v7 =	vsel vm1, v7, v12;
	vm13 =	vmor vm12, vm3  }
0x1a9: {  	v8 =	vsel vm1, v8, v59;
	v5 =	vsel vm13, v5, v57;
	v6 =	vsel vm13, v6, v58  }
0x1aa: {  	vm14 =	veq.f32 v7, v5;
	vm1 =	vlt.u32 v8, v6  }
0x1ab: {  	vm15 =	vgt.f32 v7, v5;
	vm0 =	vmand vm14, vm1  }
0x1ac: {  	vm0 =	vmor vm15, vm0  }
0x1ad: {  	v60 =	vsel vm8, v17, v10;
	v5 =	vsel vm0, v7, v5  }
0x1ae: {  	v5 =	vsub.f32 v5, v60;
	_ =	sdelay $0x1  }
0x1af: {  	v5 =	vmul.f32 $1.442695020e+00, v5;
	_ =	sdelay $0x1  }
0x1b0: {  	(erf) = vpow2.f32 v5;
	_ =	sdelay $0x8  }
0x1b1: {  	v5 =	vpop (erf)  }
0x1b2: {  	v7 =	vadd.f32 $1.000000000e+00, v5;
	_ =	sdelay $0x1  }
0x1b3: {  	(erf) = vrcp.f32 v7;
	_ =	sdelay $0x5  }
0x1b4: {  	v7 =	vmov s14  }
0x1b5: {  	v7 =	vshll.u32 v7, $0x7  }
0x1b6: {  	v61 =	vsel vm8, v18, v55;
	v7 =	vor.u32 v4, v7  }
0x1b7: {  	v6 =	vsel vm0, v8, v6;
	v63 =	vor.u32 v7, v61;
	v62 =	vpop (erf)  }
0x1b8: {  	v7 =	vor.u32 v7, v6;
	v5 =	vmul.f32 v62, v5;
	_ =	sdelay $0x1  }
0x1b9: {  	p0 =	sne.s32 s14, $0x1F0;
	v8 =	vsub.f32 $1.000000000e+00, v5  }
.Ltmp3:
0x1ba: {  	_ = 	snop;
	(pc) =	sbr.rel @p0 .LBB2_8-.Ltmp3, $4  }
0x1bb: {  	[tilespmem:v63+s9+$0x0] =	vst.idx.msk $0xffff, v8  }
0x1bc: {  	[tilespmem:v7+s9+$0x0] =	vst.idx.msk $0xffff, v5  }
0x1bd: {  	[tilespmem:s13+$0xFFFFFF80] =	vst v61  }
0x1be: {  	s12 =	sadd.s32 $0x80, s12;
	s14 =	sadd.s32 $0x10, s14;
	[tilespmem:s13+$0x0] =	vst v6;
	s13 =	sadd.s32 $0x100, s13  }
0x1bf: {  	s11 =	sadd.s32 $0x1, s11  }
0x1c0: {  	p0 =	sne.s32 s11, s7  }
.Ltmp4:
0x1c1: {  	_ = 	snop;
	(pc) =	sbr.rel @p0 .LBB2_1-.Ltmp4, $4  }
0x1c2: {  	[hbm4b:s6+s2] =	stream.linear.scatter [tilespmem:s9], [sflag:$0x2], $0x10000, $0x38;
	[tilespmem:$0x1A000] =	vst v63  }
0x1c3: {  	_ =	swait.ge [sflag:s10], $0x10000  }
0x1c4: {  	[sflag:s10] =	ssyncset.done $0x0  }
0x1c5: {  	[sflag:s10] =	ssyncadd.s32 $0xFFFF0000  }
0x1c6: {  	_ =	sfence.sel $0x180000  }
0x1c7: {  	[bflag:$0x0] =	sbarrier.arrive $0xFFFF  }
0x1c8: {  	p0 =	sne.s32 s1, $0x0;
	_ =	strace $0x90000047  }
0x1c9: {  	s0 =	sadd.s32 @!p0 $0x100000, s0;
	[bflag:$0x2] =	sbarrier.arrive $0xFFFF  }
0x1ca: {  	[sflag:s0] =	ssyncadd.tile.s32 @!p0 $0x1;
	_ =	shalt  }
.Lfunc_end2:
_tile_overlayer_lowered:
.L_overlay_start_2:
0x1cb: {  	(tag) =	ssettag $0x2  }
0x1cc: {  	s0 =	rddreg [dreg:$0x0];
	s2 =	stileid.u32  }
0x1cd: {  	s1 =	rddreg [dreg:$0x1];
	p0 =	sne.s32 s2, $0x0  }
0x1ce: {  	s3 =	rddreg [dreg:$0x2];
	[bflag:$0x3] =	sbarrier.arrive $0xFFFF;
	s2 =	simm.s32 @!p0 $0x1C02  }
0x1cf: {  	[timem:s3], [sflag:s2] =	dma.local @!p0 [hbm:s0], s1  }
0x1d0: {  	s0 =	simm.s32 @!p0 $0x2  }
0x1d1: {  	_ =	swait.ge @!p0 [sflag:s0], s1  }
0x1d2: {  	s1 =	ssub.s32 @!p0 $0x0, s1;
	[sflag:s0] =	ssyncset.done @!p0 $0x0  }
0x1d3: {  	[sflag:s0] =	ssyncadd.s32 @!p0 s1  }
0x1d4: {  	[bflag:$0x3] =	sbarrier.arrive $0xFFFF  }
0x1d5: {  	_ =	shalt  }

</sc_bundles>
